<compile_context>
chip_gen: v7x
topology: tpu7x:2x2x1
jax: 0.10.2.dev20260603
libtpu: 0.0.44.dev20260713+nightly
codegen_flags: <defaults>
</compile_context>

<pallas_src>
import functools

import jax
import jax.numpy as jnp
from jax import lax
from jax.experimental import pallas as pl
from jax.experimental.pallas import tpu as pltpu
from jax.experimental.pallas import tpu_sc as plsc


def _make_sc_gather(d, ntok):
    info = plsc.get_sparse_core_info()
    nw = info.num_cores * info.num_subcores
    nc = info.num_cores
    tpw = ntok // nw
    chunk = 128
    nch = tpw // chunk
    mesh = plsc.VectorSubcoreMesh(core_axis_name="c", subcore_axis_name="s")

    @functools.partial(
        pl.kernel,
        mesh=mesh,
        out_type=jax.ShapeDtypeStruct((ntok, d), jnp.float32),
        scratch_types=[
            pltpu.VMEM((nch, chunk), jnp.int32),
            pltpu.VMEM((chunk, d), jnp.float32),
            pltpu.SemaphoreType.DMA,
        ],
    )
    def sc_gather(idx_hbm, table_hbm, out_hbm, idx_v, rows_v, sem):
        wid = lax.axis_index("s") * nc + lax.axis_index("c")
        pltpu.sync_copy(idx_hbm.at[wid], idx_v)

        def body(k, carry):
            pltpu.async_copy(table_hbm.at[idx_v.at[k]], rows_v, sem).wait()
            pltpu.sync_copy(rows_v, out_hbm.at[pl.ds(wid * tpw + k * chunk, chunk)])
            return carry

        lax.fori_loop(0, nch, body, 0)

    return sc_gather, nw, nch, chunk


def _tc_body(g_ref, s_ref, w1_ref, w2c_ref, ec_ref, c_ref, gb_ref, o_ref):
    blk = g_ref.shape[0]
    d = g_ref.shape[1]
    f32 = jnp.float32

    p = lax.dot_general(s_ref[...], w1_ref[...], (((0,), (0,)), ((), ())),
                        preferred_element_type=f32)
    pre = p[:, :2 * d]
    cib = p[:, 2 * d:]
    mkp = (cib >= 80.0).astype(f32)
    ohv = cib - 80.0 * mkp
    iota = lax.broadcasted_iota(jnp.int32, (blk, d), 1).astype(f32)
    oh = (ohv == iota).astype(f32)

    sact = pre * jax.nn.sigmoid(pre)

    xc = (jnp.dot(g_ref[...], c_ref[...], preferred_element_type=f32)
          + jnp.dot(sact, w2c_ref[...], preferred_element_type=f32)
          + jnp.dot(oh, ec_ref[...], preferred_element_type=f32))
    varp = jnp.dot(xc * xc, jnp.full((d, d), 1.0 / d, f32),
                   preferred_element_type=f32)
    sp = mkp * lax.rsqrt(mkp * varp + 1e-5)
    o_ref[...] = xc * sp * gb_ref[0:1, :] + gb_ref[1:2, :]


def _tc_body_alias(g_ref, s_ref, w1_ref, w2c_ref, ec_ref, c_ref, gb_ref,
                   prev_ref, o_ref):
    del prev_ref
    _tc_body(g_ref, s_ref, w1_ref, w2c_ref, ec_ref, c_ref, gb_ref, o_ref)


def kernel(item, src, value, dt, mask, lab_flag, mask_pos,
           item_emb, src_emb, flag_emb,
           vW1, vb1, vW2, vb2, dW1, db1, dW2, db2,
           mask_token, gamma, beta):
    b, l = item.shape
    d = item_emb.shape[1]
    ntok = b * l
    f32 = jnp.float32

    nslice = 5
    tok_s = ntok // nslice
    sc_gather, nw, nch, chunk = _make_sc_gather(d, tok_s)
    idx4 = item.reshape(nslice, nw, nch, chunk)
    gs = [sc_gather(idx4[s], item_emb) for s in range(nslice)]

    blk = 2048
    nblk_s = tok_s // blk

    mapped = jnp.where(lab_flag < 0, 1, jnp.where(lab_flag > 0, 3, 0))
    cidx = (src * 8 + mapped * 2 + mask_pos
            + 80 * mask.astype(jnp.int32)).astype(f32)
    scal = jnp.stack(
        [value.reshape(-1).astype(f32), dt.reshape(-1).astype(f32),
         jnp.ones((ntok,), f32), cidx.reshape(-1)], axis=0)

    w1big = jnp.zeros((4, 3 * d), f32)
    w1big = w1big.at[0, :d].set(vW1[0]).at[1, d:2 * d].set(dW1[0])
    w1big = w1big.at[2, :d].set(vb1).at[2, d:2 * d].set(db1)
    w1big = w1big.at[3, 2 * d:].set(1.0)
    w2cat = jnp.concatenate([vW2, dW2], axis=0)

    combo = (src_emb[:, None, None, :] + flag_emb[None, :, None, :]
             + jnp.arange(2, dtype=f32)[None, None, :, None] * mask_token
             + (vb2 + db2)).reshape(-1, d)
    ecat = jnp.zeros((128, d), f32).at[:combo.shape[0]].set(combo)

    cmat = jnp.eye(d, dtype=f32) - 1.0 / d
    w2c = jnp.dot(w2cat, cmat)
    ec = jnp.dot(ecat, cmat)
    gb = jnp.stack([gamma, beta], axis=0)

    fix = lambda shape: pl.BlockSpec(shape, lambda i: (0, 0))
    fixed_specs = [fix((4, 3 * d)), fix((2 * d, d)), fix((128, d)),
                   fix((d, d)), fix((2, d))]

    out = None
    for s in range(nslice):
        off = s * nblk_s
        in_specs = [
            pl.BlockSpec((blk, d), lambda i: (i, 0)),
            pl.BlockSpec((4, blk), lambda i, off=off: (0, i + off)),
        ] + list(fixed_specs)
        args = [gs[s], scal, w1big, w2c, ec, cmat, gb]
        if s == 0:
            body, aliases = _tc_body, {}
        else:
            in_specs.append(fix((8, d)))
            args.append(out)
            body, aliases = _tc_body_alias, {7: 0}
        out = pl.pallas_call(
            body,
            grid=(nblk_s,),
            in_specs=in_specs,
            out_specs=pl.BlockSpec((blk, d), lambda i, off=off: (i + off, 0)),
            out_shape=jax.ShapeDtypeStruct((ntok, d), f32),
            input_output_aliases=aliases,
        )(*args)

    return out.reshape(b, l, d)

# --- scband reference (transcript-rebuilt; emitter-appended) ---
"""Pipeline reference for scband-event-token-projector-29738353557632 (READ-ONLY COPY).

The authoritative reference and input builder live on the scoring server;
editing this copy changes nothing except your own understanding.
"""

import jax, jax.numpy as jnp
import numpy as np

B, L, D = 1024, 200, 128
VOCAB = 100001  # hash_vocab + 1 (row 0 = padding)
NSRC = 9        # n_src + 1 (row 0 = padding)

def setup_inputs(seed: int = 0) -> dict:
    key = jax.random.key(seed)
    ks = jax.random.split(key, 24)
    item = jax.random.randint(ks[0], (B, L), 0, VOCAB, dtype=jnp.int32)
    src = jax.random.randint(ks[1], (B, L), 0, NSRC, dtype=jnp.int32)
    value = jax.random.normal(ks[2], (B, L), dtype=jnp.float32)
    dt = jax.random.uniform(ks[3], (B, L), dtype=jnp.float32)
    mask = jax.random.randint(ks[4], (B, L), 0, 2).astype(jnp.bool_)
    lab_flag = jax.random.randint(ks[5], (B, L), 0, 2, dtype=jnp.int32)
    mask_pos = jax.random.randint(ks[6], (B, L), 0, 2, dtype=jnp.int32)
    item_emb = (jax.random.normal(ks[7], (VOCAB, D), dtype=jnp.float32) * 0.02).at[0].set(0.0)
    src_emb = (jax.random.normal(ks[8], (NSRC, D), dtype=jnp.float32) * 0.02).at[0].set(0.0)
    flag_emb = (jax.random.normal(ks[9], (4, D), dtype=jnp.float32) * 0.02).at[0].set(0.0)
    vW1 = jax.random.normal(ks[10], (1, D), dtype=jnp.float32) * 0.5
    vb1 = jnp.zeros((D,), dtype=jnp.float32)
    vW2 = jax.random.normal(ks[11], (D, D), dtype=jnp.float32) * (1.0 / np.sqrt(D))
    vb2 = jnp.zeros((D,), dtype=jnp.float32)
    dW1 = jax.random.normal(ks[12], (1, D), dtype=jnp.float32) * 0.5
    db1 = jnp.zeros((D,), dtype=jnp.float32)
    dW2 = jax.random.normal(ks[13], (D, D), dtype=jnp.float32) * (1.0 / np.sqrt(D))
    db2 = jnp.zeros((D,), dtype=jnp.float32)
    mask_token = jax.random.normal(ks[14], (D,), dtype=jnp.float32) * 0.02
    gamma = jnp.ones((D,), dtype=jnp.float32)
    beta = jnp.zeros((D,), dtype=jnp.float32)
    return {"item": item, "src": src, "value": value, "dt": dt, "mask": mask,
            "lab_flag": lab_flag, "mask_pos": mask_pos,
            "item_emb": item_emb, "src_emb": src_emb, "flag_emb": flag_emb,
            "vW1": vW1, "vb1": vb1, "vW2": vW2, "vb2": vb2,
            "dW1": dW1, "db1": db1, "dW2": dW2, "db2": db2,
            "mask_token": mask_token, "gamma": gamma, "beta": beta}

def reference(item, src, value, dt, mask, lab_flag, mask_pos,
              item_emb, src_emb, flag_emb,
              vW1, vb1, vW2, vb2, dW1, db1, dW2, db2,
              mask_token, gamma, beta):
    # embedding gathers
    x = jnp.take(item_emb, item, axis=0) + jnp.take(src_emb, src, axis=0)
    # val_proj: Linear(1,d) -> SiLU -> Linear(d,d)
    v = value[..., None].astype(x.dtype)
    x = x + jax.nn.silu(v @ vW1 + vb1) @ vW2 + vb2
    # dt_proj
    t = dt[..., None].astype(x.dtype)
    x = x + jax.nn.silu(t @ dW1 + db1) @ dW2 + db2
    # lab flag mapping: <0 -> 1, >0 -> 3, ==0 -> 0
    mapped = jnp.where(lab_flag < 0, 1, jnp.where(lab_flag > 0, 3, 0))
    x = x + jnp.take(flag_emb, mapped, axis=0)
    # mask token injection
    x = x + mask_pos.astype(x.dtype)[..., None] * mask_token[None, None, :]
    # zero out padded events
    x = x * mask.astype(x.dtype)[..., None]
    # LayerNorm (eps=1e-5)
    mu = jnp.mean(x, axis=-1, keepdims=True)
    var = jnp.var(x, axis=-1, keepdims=True)
    xh = (x - mu) / jnp.sqrt(var + 1e-5)
    return xh * gamma + beta

if __name__ == "__main__":
    import jax
    _d = setup_inputs()
    print(jax.jit(kernel)(*tuple(_d.values())))

</pallas_src>

<mosaic_0001>
#map = affine_map<(d0, d1) -> (0, 0, 0)>
#map1 = affine_map<(d0, d1) -> (0, 0)>
module attributes {stable_mosaic.version = 14 : i64} {
  func.func @sc_gather(%arg0: i32, %arg1: i32, %arg2: memref<32x10x128xi32, #tpu.memory_space<hbm>>, %arg3: memref<100001x128xf32, #tpu.memory_space<hbm>>, %arg4: memref<40960x128xf32, #tpu.memory_space<hbm>>, %arg5: memref<10x128xi32, #tpu.memory_space<vmem>>, %arg6: memref<128x128xf32, #tpu.memory_space<vmem>>, %arg7: memref<!tpu.dma_semaphore, #tpu.memory_space<semaphore_mem>>) attributes {dimension_semantics = [#tpu.dimension_semantics<core_parallel>, #tpu.dimension_semantics<subcore_parallel>], iteration_bounds = array<i64: 2, 16>, scalar_prefetch = 0 : i64, scratch_operands = 3 : i64, tpu.core_type = #tpu.core_type<sc_vector_subcore>, window_params = [{transform_indices = #map}, {transform_indices = #map1}, {transform_indices = #map1}]} {
    %mul3A = arith.constant 2 : i32
    %mul3A_0 = arith.muli %arg1, %mul3A : i32
    %add3A = arith.addi %mul3A_0, %arg0 : i32
    "tpu.region"() ({
      %run_scoped3A = tpu.sem_alloc : memref<!tpu.dma_semaphore, #tpu.memory_space<semaphore_mem>>
      %dma_start3A = arith.constant 0 : i32
      %dma_start3A_6 = arith.constant 0 : i32
      %dma_start3A_7 = tpu.memref_slice %arg2[%add3A, %dma_start3A, %dma_start3A_6] : memref<32x10x128xi32, #tpu.memory_space<hbm>> -> memref<1x10x128xi32, #tpu.memory_space<hbm>>
      %dma_start3A_8 = tpu.memref_squeeze %dma_start3A_7 : memref<1x10x128xi32, #tpu.memory_space<hbm>> -> memref<10x128xi32, #tpu.memory_space<hbm>>
      %dma_start3A_9 = arith.constant 0 : i32
      %dma_start3A_10 = arith.constant 0 : i32
      %dma_start3A_11 = tpu.memref_slice %arg2[%add3A, %dma_start3A_9, %dma_start3A_10] : memref<32x10x128xi32, #tpu.memory_space<hbm>> -> memref<1x10x128xi32, #tpu.memory_space<hbm>>
      %dma_start3A_12 = tpu.memref_squeeze %dma_start3A_11 : memref<1x10x128xi32, #tpu.memory_space<hbm>> -> memref<10x128xi32, #tpu.memory_space<hbm>>
      tpu.enqueue_dma source(%dma_start3A_12 : memref<10x128xi32, #tpu.memory_space<hbm>>) target(%arg5 : memref<10x128xi32, #tpu.memory_space<vmem>>) target_semaphore(%run_scoped3A : memref<!tpu.dma_semaphore, #tpu.memory_space<semaphore_mem>>)
      %dma_wait3A = arith.constant 0 : i32
      %dma_wait3A_13 = arith.constant 0 : i32
      %dma_wait3A_14 = tpu.memref_slice %arg2[%add3A, %dma_wait3A, %dma_wait3A_13] : memref<32x10x128xi32, #tpu.memory_space<hbm>> -> memref<1x10x128xi32, #tpu.memory_space<hbm>>
      %dma_wait3A_15 = tpu.memref_squeeze %dma_wait3A_14 : memref<1x10x128xi32, #tpu.memory_space<hbm>> -> memref<10x128xi32, #tpu.memory_space<hbm>>
      %dma_wait3A_16 = arith.constant 0 : i32
      %dma_wait3A_17 = arith.constant 0 : i32
      %dma_wait3A_18 = tpu.memref_slice %arg2[%add3A, %dma_wait3A_16, %dma_wait3A_17] : memref<32x10x128xi32, #tpu.memory_space<hbm>> -> memref<1x10x128xi32, #tpu.memory_space<hbm>>
      %dma_wait3A_19 = tpu.memref_squeeze %dma_wait3A_18 : memref<1x10x128xi32, #tpu.memory_space<hbm>> -> memref<10x128xi32, #tpu.memory_space<hbm>>
      tpu.wait_dma2 semaphore(%run_scoped3A : memref<!tpu.dma_semaphore, #tpu.memory_space<semaphore_mem>>) src(%dma_wait3A_19 : memref<10x128xi32, #tpu.memory_space<hbm>>) dst(%arg5 : memref<10x128xi32, #tpu.memory_space<vmem>>)
      tpu.yield
    }) : () -> ()
    %scan3A = arith.constant 0 : i32
    %scan3A_1 = arith.constant 0 : i32
    %scan3A_2 = arith.constant 10 : i32
    %scan3A_3 = arith.addi %scan3A_1, %scan3A_2 : i32
    %scan3A_4 = arith.constant 1 : i32
    scf.for %scan3A_6 = %scan3A_1 to %scan3A_3 step %scan3A_4  : i32 {
      %dma_start3A = arith.constant 0 : i32
      %dma_start3A_7 = tpu.memref_slice %arg5[%scan3A_6, %dma_start3A] : memref<10x128xi32, #tpu.memory_space<vmem>> -> memref<1x128xi32, #tpu.memory_space<vmem>>
      %dma_start3A_8 = tpu.memref_squeeze %dma_start3A_7 : memref<1x128xi32, #tpu.memory_space<vmem>> -> memref<128xi32, #tpu.memory_space<vmem>>
      %dma_start3A_9 = arith.constant 0 : i32
      %dma_start3A_10 = arith.constant 0 : i32
      %dma_start3A_11 = tpu.memref_slice %arg3[%dma_start3A_9, %dma_start3A_10] : memref<100001x128xf32, #tpu.memory_space<hbm>> -> memref<100001x128xf32, #tpu.memory_space<hbm>>
      tpu.enqueue_indirect_dma source(%dma_start3A_11 : memref<100001x128xf32, #tpu.memory_space<hbm>>) target(%arg6 : memref<128x128xf32, #tpu.memory_space<vmem>>) offsets(%dma_start3A_8 : memref<128xi32, #tpu.memory_space<vmem>>) semaphore(%arg7 : memref<!tpu.dma_semaphore, #tpu.memory_space<semaphore_mem>>)
      %dma_wait3A = arith.constant 0 : i32
      %dma_wait3A_12 = tpu.memref_slice %arg5[%scan3A_6, %dma_wait3A] : memref<10x128xi32, #tpu.memory_space<vmem>> -> memref<1x128xi32, #tpu.memory_space<vmem>>
      %dma_wait3A_13 = tpu.memref_squeeze %dma_wait3A_12 : memref<1x128xi32, #tpu.memory_space<vmem>> -> memref<128xi32, #tpu.memory_space<vmem>>
      %dma_wait3A_14 = arith.constant 0 : i32
      %dma_wait3A_15 = arith.constant 0 : i32
      %dma_wait3A_16 = tpu.memref_slice %arg3[%dma_wait3A_14, %dma_wait3A_15] : memref<100001x128xf32, #tpu.memory_space<hbm>> -> memref<100001x128xf32, #tpu.memory_space<hbm>>
      tpu.wait_indirect_dma semaphore(%arg7 : memref<!tpu.dma_semaphore, #tpu.memory_space<semaphore_mem>>) src(%dma_wait3A_16 : memref<100001x128xf32, #tpu.memory_space<hbm>>) dst(%arg6 : memref<128x128xf32, #tpu.memory_space<vmem>>)
      %mul3A_17 = arith.constant 1280 : i32
      %mul3A_18 = arith.muli %add3A, %mul3A_17 : i32
      %mul3A_19 = arith.constant 128 : i32
      %mul3A_20 = arith.muli %scan3A_6, %mul3A_19 : i32
      %add3A_21 = arith.addi %mul3A_18, %mul3A_20 : i32
      "tpu.region"() ({
        %run_scoped3A = tpu.sem_alloc : memref<!tpu.dma_semaphore, #tpu.memory_space<semaphore_mem>>
        %dma_start3A_22 = arith.constant 0 : i32
        %dma_start3A_23 = tpu.memref_slice %arg4[%add3A_21, %dma_start3A_22] : memref<40960x128xf32, #tpu.memory_space<hbm>> -> memref<128x128xf32, #tpu.memory_space<hbm>>
        %dma_start3A_24 = arith.constant 0 : i32
        %dma_start3A_25 = tpu.memref_slice %arg4[%add3A_21, %dma_start3A_24] : memref<40960x128xf32, #tpu.memory_space<hbm>> -> memref<128x128xf32, #tpu.memory_space<hbm>>
        tpu.enqueue_dma source(%arg6 : memref<128x128xf32, #tpu.memory_space<vmem>>) target(%dma_start3A_25 : memref<128x128xf32, #tpu.memory_space<hbm>>) target_semaphore(%run_scoped3A : memref<!tpu.dma_semaphore, #tpu.memory_space<semaphore_mem>>)
        %dma_wait3A_26 = arith.constant 0 : i32
        %dma_wait3A_27 = tpu.memref_slice %arg4[%add3A_21, %dma_wait3A_26] : memref<40960x128xf32, #tpu.memory_space<hbm>> -> memref<128x128xf32, #tpu.memory_space<hbm>>
        %dma_wait3A_28 = arith.constant 0 : i32
        %dma_wait3A_29 = tpu.memref_slice %arg4[%add3A_21, %dma_wait3A_28] : memref<40960x128xf32, #tpu.memory_space<hbm>> -> memref<128x128xf32, #tpu.memory_space<hbm>>
        tpu.wait_dma2 semaphore(%run_scoped3A : memref<!tpu.dma_semaphore, #tpu.memory_space<semaphore_mem>>) src(%arg6 : memref<128x128xf32, #tpu.memory_space<vmem>>) dst(%dma_wait3A_29 : memref<128x128xf32, #tpu.memory_space<hbm>>)
        tpu.yield
      }) : () -> ()
    }
    %scan3A_5 = arith.constant 10 : i32
    return
  }
}

#map = affine_map<(d0, d1) -> (0, 0, 0)>
#map1 = affine_map<(d0, d1) -> (0, 0)>
module attributes {stable_mosaic.version = 14 : i64} {
  func.func @sc_gather(%arg0: i32, %arg1: i32, %arg2: memref<32x10x128xi32, #tpu.memory_space<hbm>>, %arg3: memref<100001x128xf32, #tpu.memory_space<hbm>>, %arg4: memref<40960x128xf32, #tpu.memory_space<hbm>>, %arg5: memref<10x128xi32, #tpu.memory_space<vmem>>, %arg6: memref<128x128xf32, #tpu.memory_space<vmem>>, %arg7: memref<!tpu.dma_semaphore, #tpu.memory_space<semaphore_mem>>) attributes {dimension_semantics = [#tpu.dimension_semantics<core_parallel>, #tpu.dimension_semantics<subcore_parallel>], iteration_bounds = array<i64: 2, 16>, scalar_prefetch = 0 : i64, scratch_operands = 3 : i64, tpu.core_type = #tpu.core_type<sc_vector_subcore>, window_params = [{transform_indices = #map}, {transform_indices = #map1}, {transform_indices = #map1}]} {
    %mul3A = arith.constant 2 : i32
    %mul3A_0 = arith.muli %arg1, %mul3A : i32
    %add3A = arith.addi %mul3A_0, %arg0 : i32
    "tpu.region"() ({
      %run_scoped3A = tpu.sem_alloc : memref<!tpu.dma_semaphore, #tpu.memory_space<semaphore_mem>>
      %dma_start3A = arith.constant 0 : i32
      %dma_start3A_6 = arith.constant 0 : i32
      %dma_start3A_7 = tpu.memref_slice %arg2[%add3A, %dma_start3A, %dma_start3A_6] : memref<32x10x128xi32, #tpu.memory_space<hbm>> -> memref<1x10x128xi32, #tpu.memory_space<hbm>>
      %dma_start3A_8 = tpu.memref_squeeze %dma_start3A_7 : memref<1x10x128xi32, #tpu.memory_space<hbm>> -> memref<10x128xi32, #tpu.memory_space<hbm>>
      %dma_start3A_9 = arith.constant 0 : i32
      %dma_start3A_10 = arith.constant 0 : i32
      %dma_start3A_11 = tpu.memref_slice %arg2[%add3A, %dma_start3A_9, %dma_start3A_10] : memref<32x10x128xi32, #tpu.memory_space<hbm>> -> memref<1x10x128xi32, #tpu.memory_space<hbm>>
      %dma_start3A_12 = tpu.memref_squeeze %dma_start3A_11 : memref<1x10x128xi32, #tpu.memory_space<hbm>> -> memref<10x128xi32, #tpu.memory_space<hbm>>
      tpu.enqueue_dma source(%dma_start3A_12 : memref<10x128xi32, #tpu.memory_space<hbm>>) target(%arg5 : memref<10x128xi32, #tpu.memory_space<vmem>>) target_semaphore(%run_scoped3A : memref<!tpu.dma_semaphore, #tpu.memory_space<semaphore_mem>>)
      %dma_wait3A = arith.constant 0 : i32
      %dma_wait3A_13 = arith.constant 0 : i32
      %dma_wait3A_14 = tpu.memref_slice %arg2[%add3A, %dma_wait3A, %dma_wait3A_13] : memref<32x10x128xi32, #tpu.memory_space<hbm>> -> memref<1x10x128xi32, #tpu.memory_space<hbm>>
      %dma_wait3A_15 = tpu.memref_squeeze %dma_wait3A_14 : memref<1x10x128xi32, #tpu.memory_space<hbm>> -> memref<10x128xi32, #tpu.memory_space<hbm>>
      %dma_wait3A_16 = arith.constant 0 : i32
      %dma_wait3A_17 = arith.constant 0 : i32
      %dma_wait3A_18 = tpu.memref_slice %arg2[%add3A, %dma_wait3A_16, %dma_wait3A_17] : memref<32x10x128xi32, #tpu.memory_space<hbm>> -> memref<1x10x128xi32, #tpu.memory_space<hbm>>
      %dma_wait3A_19 = tpu.memref_squeeze %dma_wait3A_18 : memref<1x10x128xi32, #tpu.memory_space<hbm>> -> memref<10x128xi32, #tpu.memory_space<hbm>>
      tpu.wait_dma2 semaphore(%run_scoped3A : memref<!tpu.dma_semaphore, #tpu.memory_space<semaphore_mem>>) src(%dma_wait3A_19 : memref<10x128xi32, #tpu.memory_space<hbm>>) dst(%arg5 : memref<10x128xi32, #tpu.memory_space<vmem>>)
      tpu.yield
    }) : () -> ()
    %scan3A = arith.constant 0 : i32
    %scan3A_1 = arith.constant 0 : i32
    %scan3A_2 = arith.constant 10 : i32
    %scan3A_3 = arith.addi %scan3A_1, %scan3A_2 : i32
    %scan3A_4 = arith.constant 1 : i32
    scf.for %scan3A_6 = %scan3A_1 to %scan3A_3 step %scan3A_4  : i32 {
      %dma_start3A = arith.constant 0 : i32
      %dma_start3A_7 = tpu.memref_slice %arg5[%scan3A_6, %dma_start3A] : memref<10x128xi32, #tpu.memory_space<vmem>> -> memref<1x128xi32, #tpu.memory_space<vmem>>
      %dma_start3A_8 = tpu.memref_squeeze %dma_start3A_7 : memref<1x128xi32, #tpu.memory_space<vmem>> -> memref<128xi32, #tpu.memory_space<vmem>>
      %dma_start3A_9 = arith.constant 0 : i32
      %dma_start3A_10 = arith.constant 0 : i32
      %dma_start3A_11 = tpu.memref_slice %arg3[%dma_start3A_9, %dma_start3A_10] : memref<100001x128xf32, #tpu.memory_space<hbm>> -> memref<100001x128xf32, #tpu.memory_space<hbm>>
      tpu.enqueue_indirect_dma source(%dma_start3A_11 : memref<100001x128xf32, #tpu.memory_space<hbm>>) target(%arg6 : memref<128x128xf32, #tpu.memory_space<vmem>>) offsets(%dma_start3A_8 : memref<128xi32, #tpu.memory_space<vmem>>) semaphore(%arg7 : memref<!tpu.dma_semaphore, #tpu.memory_space<semaphore_mem>>)
      %dma_wait3A = arith.constant 0 : i32
      %dma_wait3A_12 = tpu.memref_slice %arg5[%scan3A_6, %dma_wait3A] : memref<10x128xi32, #tpu.memory_space<vmem>> -> memref<1x128xi32, #tpu.memory_space<vmem>>
      %dma_wait3A_13 = tpu.memref_squeeze %dma_wait3A_12 : memref<1x128xi32, #tpu.memory_space<vmem>> -> memref<128xi32, #tpu.memory_space<vmem>>
      %dma_wait3A_14 = arith.constant 0 : i32
      %dma_wait3A_15 = arith.constant 0 : i32
      %dma_wait3A_16 = tpu.memref_slice %arg3[%dma_wait3A_14, %dma_wait3A_15] : memref<100001x128xf32, #tpu.memory_space<hbm>> -> memref<100001x128xf32, #tpu.memory_space<hbm>>
      tpu.wait_indirect_dma semaphore(%arg7 : memref<!tpu.dma_semaphore, #tpu.memory_space<semaphore_mem>>) src(%dma_wait3A_16 : memref<100001x128xf32, #tpu.memory_space<hbm>>) dst(%arg6 : memref<128x128xf32, #tpu.memory_space<vmem>>)
      %mul3A_17 = arith.constant 1280 : i32
      %mul3A_18 = arith.muli %add3A, %mul3A_17 : i32
      %mul3A_19 = arith.constant 128 : i32
      %mul3A_20 = arith.muli %scan3A_6, %mul3A_19 : i32
      %add3A_21 = arith.addi %mul3A_18, %mul3A_20 : i32
      "tpu.region"() ({
        %run_scoped3A = tpu.sem_alloc : memref<!tpu.dma_semaphore, #tpu.memory_space<semaphore_mem>>
        %dma_start3A_22 = arith.constant 0 : i32
        %dma_start3A_23 = tpu.memref_slice %arg4[%add3A_21, %dma_start3A_22] : memref<40960x128xf32, #tpu.memory_space<hbm>> -> memref<128x128xf32, #tpu.memory_space<hbm>>
        %dma_start3A_24 = arith.constant 0 : i32
        %dma_start3A_25 = tpu.memref_slice %arg4[%add3A_21, %dma_start3A_24] : memref<40960x128xf32, #tpu.memory_space<hbm>> -> memref<128x128xf32, #tpu.memory_space<hbm>>
        tpu.enqueue_dma source(%arg6 : memref<128x128xf32, #tpu.memory_space<vmem>>) target(%dma_start3A_25 : memref<128x128xf32, #tpu.memory_space<hbm>>) target_semaphore(%run_scoped3A : memref<!tpu.dma_semaphore, #tpu.memory_space<semaphore_mem>>)
        %dma_wait3A_26 = arith.constant 0 : i32
        %dma_wait3A_27 = tpu.memref_slice %arg4[%add3A_21, %dma_wait3A_26] : memref<40960x128xf32, #tpu.memory_space<hbm>> -> memref<128x128xf32, #tpu.memory_space<hbm>>
        %dma_wait3A_28 = arith.constant 0 : i32
        %dma_wait3A_29 = tpu.memref_slice %arg4[%add3A_21, %dma_wait3A_28] : memref<40960x128xf32, #tpu.memory_space<hbm>> -> memref<128x128xf32, #tpu.memory_space<hbm>>
        tpu.wait_dma2 semaphore(%run_scoped3A : memref<!tpu.dma_semaphore, #tpu.memory_space<semaphore_mem>>) src(%arg6 : memref<128x128xf32, #tpu.memory_space<vmem>>) dst(%dma_wait3A_29 : memref<128x128xf32, #tpu.memory_space<hbm>>)
        tpu.yield
      }) : () -> ()
    }
    %scan3A_5 = arith.constant 10 : i32
    return
  }
}

#map = affine_map<(d0, d1) -> (0, 0, 0)>
#map1 = affine_map<(d0, d1) -> (0, 0)>
module attributes {stable_mosaic.version = 14 : i64} {
  func.func @sc_gather(%arg0: i32, %arg1: i32, %arg2: memref<32x10x128xi32, #tpu.memory_space<hbm>>, %arg3: memref<100001x128xf32, #tpu.memory_space<hbm>>, %arg4: memref<40960x128xf32, #tpu.memory_space<hbm>>, %arg5: memref<10x128xi32, #tpu.memory_space<vmem>>, %arg6: memref<128x128xf32, #tpu.memory_space<vmem>>, %arg7: memref<!tpu.dma_semaphore, #tpu.memory_space<semaphore_mem>>) attributes {dimension_semantics = [#tpu.dimension_semantics<core_parallel>, #tpu.dimension_semantics<subcore_parallel>], iteration_bounds = array<i64: 2, 16>, scalar_prefetch = 0 : i64, scratch_operands = 3 : i64, tpu.core_type = #tpu.core_type<sc_vector_subcore>, window_params = [{transform_indices = #map}, {transform_indices = #map1}, {transform_indices = #map1}]} {
    %mul3A = arith.constant 2 : i32
    %mul3A_0 = arith.muli %arg1, %mul3A : i32
    %add3A = arith.addi %mul3A_0, %arg0 : i32
    "tpu.region"() ({
      %run_scoped3A = tpu.sem_alloc : memref<!tpu.dma_semaphore, #tpu.memory_space<semaphore_mem>>
      %dma_start3A = arith.constant 0 : i32
      %dma_start3A_6 = arith.constant 0 : i32
      %dma_start3A_7 = tpu.memref_slice %arg2[%add3A, %dma_start3A, %dma_start3A_6] : memref<32x10x128xi32, #tpu.memory_space<hbm>> -> memref<1x10x128xi32, #tpu.memory_space<hbm>>
      %dma_start3A_8 = tpu.memref_squeeze %dma_start3A_7 : memref<1x10x128xi32, #tpu.memory_space<hbm>> -> memref<10x128xi32, #tpu.memory_space<hbm>>
      %dma_start3A_9 = arith.constant 0 : i32
      %dma_start3A_10 = arith.constant 0 : i32
      %dma_start3A_11 = tpu.memref_slice %arg2[%add3A, %dma_start3A_9, %dma_start3A_10] : memref<32x10x128xi32, #tpu.memory_space<hbm>> -> memref<1x10x128xi32, #tpu.memory_space<hbm>>
      %dma_start3A_12 = tpu.memref_squeeze %dma_start3A_11 : memref<1x10x128xi32, #tpu.memory_space<hbm>> -> memref<10x128xi32, #tpu.memory_space<hbm>>
      tpu.enqueue_dma source(%dma_start3A_12 : memref<10x128xi32, #tpu.memory_space<hbm>>) target(%arg5 : memref<10x128xi32, #tpu.memory_space<vmem>>) target_semaphore(%run_scoped3A : memref<!tpu.dma_semaphore, #tpu.memory_space<semaphore_mem>>)
      %dma_wait3A = arith.constant 0 : i32
      %dma_wait3A_13 = arith.constant 0 : i32
      %dma_wait3A_14 = tpu.memref_slice %arg2[%add3A, %dma_wait3A, %dma_wait3A_13] : memref<32x10x128xi32, #tpu.memory_space<hbm>> -> memref<1x10x128xi32, #tpu.memory_space<hbm>>
      %dma_wait3A_15 = tpu.memref_squeeze %dma_wait3A_14 : memref<1x10x128xi32, #tpu.memory_space<hbm>> -> memref<10x128xi32, #tpu.memory_space<hbm>>
      %dma_wait3A_16 = arith.constant 0 : i32
      %dma_wait3A_17 = arith.constant 0 : i32
      %dma_wait3A_18 = tpu.memref_slice %arg2[%add3A, %dma_wait3A_16, %dma_wait3A_17] : memref<32x10x128xi32, #tpu.memory_space<hbm>> -> memref<1x10x128xi32, #tpu.memory_space<hbm>>
      %dma_wait3A_19 = tpu.memref_squeeze %dma_wait3A_18 : memref<1x10x128xi32, #tpu.memory_space<hbm>> -> memref<10x128xi32, #tpu.memory_space<hbm>>
      tpu.wait_dma2 semaphore(%run_scoped3A : memref<!tpu.dma_semaphore, #tpu.memory_space<semaphore_mem>>) src(%dma_wait3A_19 : memref<10x128xi32, #tpu.memory_space<hbm>>) dst(%arg5 : memref<10x128xi32, #tpu.memory_space<vmem>>)
      tpu.yield
    }) : () -> ()
    %scan3A = arith.constant 0 : i32
    %scan3A_1 = arith.constant 0 : i32
    %scan3A_2 = arith.constant 10 : i32
    %scan3A_3 = arith.addi %scan3A_1, %scan3A_2 : i32
    %scan3A_4 = arith.constant 1 : i32
    scf.for %scan3A_6 = %scan3A_1 to %scan3A_3 step %scan3A_4  : i32 {
      %dma_start3A = arith.constant 0 : i32
      %dma_start3A_7 = tpu.memref_slice %arg5[%scan3A_6, %dma_start3A] : memref<10x128xi32, #tpu.memory_space<vmem>> -> memref<1x128xi32, #tpu.memory_space<vmem>>
      %dma_start3A_8 = tpu.memref_squeeze %dma_start3A_7 : memref<1x128xi32, #tpu.memory_space<vmem>> -> memref<128xi32, #tpu.memory_space<vmem>>
      %dma_start3A_9 = arith.constant 0 : i32
      %dma_start3A_10 = arith.constant 0 : i32
      %dma_start3A_11 = tpu.memref_slice %arg3[%dma_start3A_9, %dma_start3A_10] : memref<100001x128xf32, #tpu.memory_space<hbm>> -> memref<100001x128xf32, #tpu.memory_space<hbm>>
      tpu.enqueue_indirect_dma source(%dma_start3A_11 : memref<100001x128xf32, #tpu.memory_space<hbm>>) target(%arg6 : memref<128x128xf32, #tpu.memory_space<vmem>>) offsets(%dma_start3A_8 : memref<128xi32, #tpu.memory_space<vmem>>) semaphore(%arg7 : memref<!tpu.dma_semaphore, #tpu.memory_space<semaphore_mem>>)
      %dma_wait3A = arith.constant 0 : i32
      %dma_wait3A_12 = tpu.memref_slice %arg5[%scan3A_6, %dma_wait3A] : memref<10x128xi32, #tpu.memory_space<vmem>> -> memref<1x128xi32, #tpu.memory_space<vmem>>
      %dma_wait3A_13 = tpu.memref_squeeze %dma_wait3A_12 : memref<1x128xi32, #tpu.memory_space<vmem>> -> memref<128xi32, #tpu.memory_space<vmem>>
      %dma_wait3A_14 = arith.constant 0 : i32
      %dma_wait3A_15 = arith.constant 0 : i32
      %dma_wait3A_16 = tpu.memref_slice %arg3[%dma_wait3A_14, %dma_wait3A_15] : memref<100001x128xf32, #tpu.memory_space<hbm>> -> memref<100001x128xf32, #tpu.memory_space<hbm>>
      tpu.wait_indirect_dma semaphore(%arg7 : memref<!tpu.dma_semaphore, #tpu.memory_space<semaphore_mem>>) src(%dma_wait3A_16 : memref<100001x128xf32, #tpu.memory_space<hbm>>) dst(%arg6 : memref<128x128xf32, #tpu.memory_space<vmem>>)
      %mul3A_17 = arith.constant 1280 : i32
      %mul3A_18 = arith.muli %add3A, %mul3A_17 : i32
      %mul3A_19 = arith.constant 128 : i32
      %mul3A_20 = arith.muli %scan3A_6, %mul3A_19 : i32
      %add3A_21 = arith.addi %mul3A_18, %mul3A_20 : i32
      "tpu.region"() ({
        %run_scoped3A = tpu.sem_alloc : memref<!tpu.dma_semaphore, #tpu.memory_space<semaphore_mem>>
        %dma_start3A_22 = arith.constant 0 : i32
        %dma_start3A_23 = tpu.memref_slice %arg4[%add3A_21, %dma_start3A_22] : memref<40960x128xf32, #tpu.memory_space<hbm>> -> memref<128x128xf32, #tpu.memory_space<hbm>>
        %dma_start3A_24 = arith.constant 0 : i32
        %dma_start3A_25 = tpu.memref_slice %arg4[%add3A_21, %dma_start3A_24] : memref<40960x128xf32, #tpu.memory_space<hbm>> -> memref<128x128xf32, #tpu.memory_space<hbm>>
        tpu.enqueue_dma source(%arg6 : memref<128x128xf32, #tpu.memory_space<vmem>>) target(%dma_start3A_25 : memref<128x128xf32, #tpu.memory_space<hbm>>) target_semaphore(%run_scoped3A : memref<!tpu.dma_semaphore, #tpu.memory_space<semaphore_mem>>)
        %dma_wait3A_26 = arith.constant 0 : i32
        %dma_wait3A_27 = tpu.memref_slice %arg4[%add3A_21, %dma_wait3A_26] : memref<40960x128xf32, #tpu.memory_space<hbm>> -> memref<128x128xf32, #tpu.memory_space<hbm>>
        %dma_wait3A_28 = arith.constant 0 : i32
        %dma_wait3A_29 = tpu.memref_slice %arg4[%add3A_21, %dma_wait3A_28] : memref<40960x128xf32, #tpu.memory_space<hbm>> -> memref<128x128xf32, #tpu.memory_space<hbm>>
        tpu.wait_dma2 semaphore(%run_scoped3A : memref<!tpu.dma_semaphore, #tpu.memory_space<semaphore_mem>>) src(%arg6 : memref<128x128xf32, #tpu.memory_space<vmem>>) dst(%dma_wait3A_29 : memref<128x128xf32, #tpu.memory_space<hbm>>)
        tpu.yield
      }) : () -> ()
    }
    %scan3A_5 = arith.constant 10 : i32
    return
  }
}

#map = affine_map<(d0, d1) -> (0, 0, 0)>
#map1 = affine_map<(d0, d1) -> (0, 0)>
module attributes {stable_mosaic.version = 14 : i64} {
  func.func @sc_gather(%arg0: i32, %arg1: i32, %arg2: memref<32x10x128xi32, #tpu.memory_space<hbm>>, %arg3: memref<100001x128xf32, #tpu.memory_space<hbm>>, %arg4: memref<40960x128xf32, #tpu.memory_space<hbm>>, %arg5: memref<10x128xi32, #tpu.memory_space<vmem>>, %arg6: memref<128x128xf32, #tpu.memory_space<vmem>>, %arg7: memref<!tpu.dma_semaphore, #tpu.memory_space<semaphore_mem>>) attributes {dimension_semantics = [#tpu.dimension_semantics<core_parallel>, #tpu.dimension_semantics<subcore_parallel>], iteration_bounds = array<i64: 2, 16>, scalar_prefetch = 0 : i64, scratch_operands = 3 : i64, tpu.core_type = #tpu.core_type<sc_vector_subcore>, window_params = [{transform_indices = #map}, {transform_indices = #map1}, {transform_indices = #map1}]} {
    %mul3A = arith.constant 2 : i32
    %mul3A_0 = arith.muli %arg1, %mul3A : i32
    %add3A = arith.addi %mul3A_0, %arg0 : i32
    "tpu.region"() ({
      %run_scoped3A = tpu.sem_alloc : memref<!tpu.dma_semaphore, #tpu.memory_space<semaphore_mem>>
      %dma_start3A = arith.constant 0 : i32
      %dma_start3A_6 = arith.constant 0 : i32
      %dma_start3A_7 = tpu.memref_slice %arg2[%add3A, %dma_start3A, %dma_start3A_6] : memref<32x10x128xi32, #tpu.memory_space<hbm>> -> memref<1x10x128xi32, #tpu.memory_space<hbm>>
      %dma_start3A_8 = tpu.memref_squeeze %dma_start3A_7 : memref<1x10x128xi32, #tpu.memory_space<hbm>> -> memref<10x128xi32, #tpu.memory_space<hbm>>
      %dma_start3A_9 = arith.constant 0 : i32
      %dma_start3A_10 = arith.constant 0 : i32
      %dma_start3A_11 = tpu.memref_slice %arg2[%add3A, %dma_start3A_9, %dma_start3A_10] : memref<32x10x128xi32, #tpu.memory_space<hbm>> -> memref<1x10x128xi32, #tpu.memory_space<hbm>>
      %dma_start3A_12 = tpu.memref_squeeze %dma_start3A_11 : memref<1x10x128xi32, #tpu.memory_space<hbm>> -> memref<10x128xi32, #tpu.memory_space<hbm>>
      tpu.enqueue_dma source(%dma_start3A_12 : memref<10x128xi32, #tpu.memory_space<hbm>>) target(%arg5 : memref<10x128xi32, #tpu.memory_space<vmem>>) target_semaphore(%run_scoped3A : memref<!tpu.dma_semaphore, #tpu.memory_space<semaphore_mem>>)
      %dma_wait3A = arith.constant 0 : i32
      %dma_wait3A_13 = arith.constant 0 : i32
      %dma_wait3A_14 = tpu.memref_slice %arg2[%add3A, %dma_wait3A, %dma_wait3A_13] : memref<32x10x128xi32, #tpu.memory_space<hbm>> -> memref<1x10x128xi32, #tpu.memory_space<hbm>>
      %dma_wait3A_15 = tpu.memref_squeeze %dma_wait3A_14 : memref<1x10x128xi32, #tpu.memory_space<hbm>> -> memref<10x128xi32, #tpu.memory_space<hbm>>
      %dma_wait3A_16 = arith.constant 0 : i32
      %dma_wait3A_17 = arith.constant 0 : i32
      %dma_wait3A_18 = tpu.memref_slice %arg2[%add3A, %dma_wait3A_16, %dma_wait3A_17] : memref<32x10x128xi32, #tpu.memory_space<hbm>> -> memref<1x10x128xi32, #tpu.memory_space<hbm>>
      %dma_wait3A_19 = tpu.memref_squeeze %dma_wait3A_18 : memref<1x10x128xi32, #tpu.memory_space<hbm>> -> memref<10x128xi32, #tpu.memory_space<hbm>>
      tpu.wait_dma2 semaphore(%run_scoped3A : memref<!tpu.dma_semaphore, #tpu.memory_space<semaphore_mem>>) src(%dma_wait3A_19 : memref<10x128xi32, #tpu.memory_space<hbm>>) dst(%arg5 : memref<10x128xi32, #tpu.memory_space<vmem>>)
      tpu.yield
    }) : () -> ()
    %scan3A = arith.constant 0 : i32
    %scan3A_1 = arith.constant 0 : i32
    %scan3A_2 = arith.constant 10 : i32
    %scan3A_3 = arith.addi %scan3A_1, %scan3A_2 : i32
    %scan3A_4 = arith.constant 1 : i32
    scf.for %scan3A_6 = %scan3A_1 to %scan3A_3 step %scan3A_4  : i32 {
      %dma_start3A = arith.constant 0 : i32
      %dma_start3A_7 = tpu.memref_slice %arg5[%scan3A_6, %dma_start3A] : memref<10x128xi32, #tpu.memory_space<vmem>> -> memref<1x128xi32, #tpu.memory_space<vmem>>
      %dma_start3A_8 = tpu.memref_squeeze %dma_start3A_7 : memref<1x128xi32, #tpu.memory_space<vmem>> -> memref<128xi32, #tpu.memory_space<vmem>>
      %dma_start3A_9 = arith.constant 0 : i32
      %dma_start3A_10 = arith.constant 0 : i32
      %dma_start3A_11 = tpu.memref_slice %arg3[%dma_start3A_9, %dma_start3A_10] : memref<100001x128xf32, #tpu.memory_space<hbm>> -> memref<100001x128xf32, #tpu.memory_space<hbm>>
      tpu.enqueue_indirect_dma source(%dma_start3A_11 : memref<100001x128xf32, #tpu.memory_space<hbm>>) target(%arg6 : memref<128x128xf32, #tpu.memory_space<vmem>>) offsets(%dma_start3A_8 : memref<128xi32, #tpu.memory_space<vmem>>) semaphore(%arg7 : memref<!tpu.dma_semaphore, #tpu.memory_space<semaphore_mem>>)
      %dma_wait3A = arith.constant 0 : i32
      %dma_wait3A_12 = tpu.memref_slice %arg5[%scan3A_6, %dma_wait3A] : memref<10x128xi32, #tpu.memory_space<vmem>> -> memref<1x128xi32, #tpu.memory_space<vmem>>
      %dma_wait3A_13 = tpu.memref_squeeze %dma_wait3A_12 : memref<1x128xi32, #tpu.memory_space<vmem>> -> memref<128xi32, #tpu.memory_space<vmem>>
      %dma_wait3A_14 = arith.constant 0 : i32
      %dma_wait3A_15 = arith.constant 0 : i32
      %dma_wait3A_16 = tpu.memref_slice %arg3[%dma_wait3A_14, %dma_wait3A_15] : memref<100001x128xf32, #tpu.memory_space<hbm>> -> memref<100001x128xf32, #tpu.memory_space<hbm>>
      tpu.wait_indirect_dma semaphore(%arg7 : memref<!tpu.dma_semaphore, #tpu.memory_space<semaphore_mem>>) src(%dma_wait3A_16 : memref<100001x128xf32, #tpu.memory_space<hbm>>) dst(%arg6 : memref<128x128xf32, #tpu.memory_space<vmem>>)
      %mul3A_17 = arith.constant 1280 : i32
      %mul3A_18 = arith.muli %add3A, %mul3A_17 : i32
      %mul3A_19 = arith.constant 128 : i32
      %mul3A_20 = arith.muli %scan3A_6, %mul3A_19 : i32
      %add3A_21 = arith.addi %mul3A_18, %mul3A_20 : i32
      "tpu.region"() ({
        %run_scoped3A = tpu.sem_alloc : memref<!tpu.dma_semaphore, #tpu.memory_space<semaphore_mem>>
        %dma_start3A_22 = arith.constant 0 : i32
        %dma_start3A_23 = tpu.memref_slice %arg4[%add3A_21, %dma_start3A_22] : memref<40960x128xf32, #tpu.memory_space<hbm>> -> memref<128x128xf32, #tpu.memory_space<hbm>>
        %dma_start3A_24 = arith.constant 0 : i32
        %dma_start3A_25 = tpu.memref_slice %arg4[%add3A_21, %dma_start3A_24] : memref<40960x128xf32, #tpu.memory_space<hbm>> -> memref<128x128xf32, #tpu.memory_space<hbm>>
        tpu.enqueue_dma source(%arg6 : memref<128x128xf32, #tpu.memory_space<vmem>>) target(%dma_start3A_25 : memref<128x128xf32, #tpu.memory_space<hbm>>) target_semaphore(%run_scoped3A : memref<!tpu.dma_semaphore, #tpu.memory_space<semaphore_mem>>)
        %dma_wait3A_26 = arith.constant 0 : i32
        %dma_wait3A_27 = tpu.memref_slice %arg4[%add3A_21, %dma_wait3A_26] : memref<40960x128xf32, #tpu.memory_space<hbm>> -> memref<128x128xf32, #tpu.memory_space<hbm>>
        %dma_wait3A_28 = arith.constant 0 : i32
        %dma_wait3A_29 = tpu.memref_slice %arg4[%add3A_21, %dma_wait3A_28] : memref<40960x128xf32, #tpu.memory_space<hbm>> -> memref<128x128xf32, #tpu.memory_space<hbm>>
        tpu.wait_dma2 semaphore(%run_scoped3A : memref<!tpu.dma_semaphore, #tpu.memory_space<semaphore_mem>>) src(%arg6 : memref<128x128xf32, #tpu.memory_space<vmem>>) dst(%dma_wait3A_29 : memref<128x128xf32, #tpu.memory_space<hbm>>)
        tpu.yield
      }) : () -> ()
    }
    %scan3A_5 = arith.constant 10 : i32
    return
  }
}

#map = affine_map<(d0, d1) -> (0, 0, 0)>
#map1 = affine_map<(d0, d1) -> (0, 0)>
module attributes {stable_mosaic.version = 14 : i64} {
  func.func @sc_gather(%arg0: i32, %arg1: i32, %arg2: memref<32x10x128xi32, #tpu.memory_space<hbm>>, %arg3: memref<100001x128xf32, #tpu.memory_space<hbm>>, %arg4: memref<40960x128xf32, #tpu.memory_space<hbm>>, %arg5: memref<10x128xi32, #tpu.memory_space<vmem>>, %arg6: memref<128x128xf32, #tpu.memory_space<vmem>>, %arg7: memref<!tpu.dma_semaphore, #tpu.memory_space<semaphore_mem>>) attributes {dimension_semantics = [#tpu.dimension_semantics<core_parallel>, #tpu.dimension_semantics<subcore_parallel>], iteration_bounds = array<i64: 2, 16>, scalar_prefetch = 0 : i64, scratch_operands = 3 : i64, tpu.core_type = #tpu.core_type<sc_vector_subcore>, window_params = [{transform_indices = #map}, {transform_indices = #map1}, {transform_indices = #map1}]} {
    %mul3A = arith.constant 2 : i32
    %mul3A_0 = arith.muli %arg1, %mul3A : i32
    %add3A = arith.addi %mul3A_0, %arg0 : i32
    "tpu.region"() ({
      %run_scoped3A = tpu.sem_alloc : memref<!tpu.dma_semaphore, #tpu.memory_space<semaphore_mem>>
      %dma_start3A = arith.constant 0 : i32
      %dma_start3A_6 = arith.constant 0 : i32
      %dma_start3A_7 = tpu.memref_slice %arg2[%add3A, %dma_start3A, %dma_start3A_6] : memref<32x10x128xi32, #tpu.memory_space<hbm>> -> memref<1x10x128xi32, #tpu.memory_space<hbm>>
      %dma_start3A_8 = tpu.memref_squeeze %dma_start3A_7 : memref<1x10x128xi32, #tpu.memory_space<hbm>> -> memref<10x128xi32, #tpu.memory_space<hbm>>
      %dma_start3A_9 = arith.constant 0 : i32
      %dma_start3A_10 = arith.constant 0 : i32
      %dma_start3A_11 = tpu.memref_slice %arg2[%add3A, %dma_start3A_9, %dma_start3A_10] : memref<32x10x128xi32, #tpu.memory_space<hbm>> -> memref<1x10x128xi32, #tpu.memory_space<hbm>>
      %dma_start3A_12 = tpu.memref_squeeze %dma_start3A_11 : memref<1x10x128xi32, #tpu.memory_space<hbm>> -> memref<10x128xi32, #tpu.memory_space<hbm>>
      tpu.enqueue_dma source(%dma_start3A_12 : memref<10x128xi32, #tpu.memory_space<hbm>>) target(%arg5 : memref<10x128xi32, #tpu.memory_space<vmem>>) target_semaphore(%run_scoped3A : memref<!tpu.dma_semaphore, #tpu.memory_space<semaphore_mem>>)
      %dma_wait3A = arith.constant 0 : i32
      %dma_wait3A_13 = arith.constant 0 : i32
      %dma_wait3A_14 = tpu.memref_slice %arg2[%add3A, %dma_wait3A, %dma_wait3A_13] : memref<32x10x128xi32, #tpu.memory_space<hbm>> -> memref<1x10x128xi32, #tpu.memory_space<hbm>>
      %dma_wait3A_15 = tpu.memref_squeeze %dma_wait3A_14 : memref<1x10x128xi32, #tpu.memory_space<hbm>> -> memref<10x128xi32, #tpu.memory_space<hbm>>
      %dma_wait3A_16 = arith.constant 0 : i32
      %dma_wait3A_17 = arith.constant 0 : i32
      %dma_wait3A_18 = tpu.memref_slice %arg2[%add3A, %dma_wait3A_16, %dma_wait3A_17] : memref<32x10x128xi32, #tpu.memory_space<hbm>> -> memref<1x10x128xi32, #tpu.memory_space<hbm>>
      %dma_wait3A_19 = tpu.memref_squeeze %dma_wait3A_18 : memref<1x10x128xi32, #tpu.memory_space<hbm>> -> memref<10x128xi32, #tpu.memory_space<hbm>>
      tpu.wait_dma2 semaphore(%run_scoped3A : memref<!tpu.dma_semaphore, #tpu.memory_space<semaphore_mem>>) src(%dma_wait3A_19 : memref<10x128xi32, #tpu.memory_space<hbm>>) dst(%arg5 : memref<10x128xi32, #tpu.memory_space<vmem>>)
      tpu.yield
    }) : () -> ()
    %scan3A = arith.constant 0 : i32
    %scan3A_1 = arith.constant 0 : i32
    %scan3A_2 = arith.constant 10 : i32
    %scan3A_3 = arith.addi %scan3A_1, %scan3A_2 : i32
    %scan3A_4 = arith.constant 1 : i32
    scf.for %scan3A_6 = %scan3A_1 to %scan3A_3 step %scan3A_4  : i32 {
      %dma_start3A = arith.constant 0 : i32
      %dma_start3A_7 = tpu.memref_slice %arg5[%scan3A_6, %dma_start3A] : memref<10x128xi32, #tpu.memory_space<vmem>> -> memref<1x128xi32, #tpu.memory_space<vmem>>
      %dma_start3A_8 = tpu.memref_squeeze %dma_start3A_7 : memref<1x128xi32, #tpu.memory_space<vmem>> -> memref<128xi32, #tpu.memory_space<vmem>>
      %dma_start3A_9 = arith.constant 0 : i32
      %dma_start3A_10 = arith.constant 0 : i32
      %dma_start3A_11 = tpu.memref_slice %arg3[%dma_start3A_9, %dma_start3A_10] : memref<100001x128xf32, #tpu.memory_space<hbm>> -> memref<100001x128xf32, #tpu.memory_space<hbm>>
      tpu.enqueue_indirect_dma source(%dma_start3A_11 : memref<100001x128xf32, #tpu.memory_space<hbm>>) target(%arg6 : memref<128x128xf32, #tpu.memory_space<vmem>>) offsets(%dma_start3A_8 : memref<128xi32, #tpu.memory_space<vmem>>) semaphore(%arg7 : memref<!tpu.dma_semaphore, #tpu.memory_space<semaphore_mem>>)
      %dma_wait3A = arith.constant 0 : i32
      %dma_wait3A_12 = tpu.memref_slice %arg5[%scan3A_6, %dma_wait3A] : memref<10x128xi32, #tpu.memory_space<vmem>> -> memref<1x128xi32, #tpu.memory_space<vmem>>
      %dma_wait3A_13 = tpu.memref_squeeze %dma_wait3A_12 : memref<1x128xi32, #tpu.memory_space<vmem>> -> memref<128xi32, #tpu.memory_space<vmem>>
      %dma_wait3A_14 = arith.constant 0 : i32
      %dma_wait3A_15 = arith.constant 0 : i32
      %dma_wait3A_16 = tpu.memref_slice %arg3[%dma_wait3A_14, %dma_wait3A_15] : memref<100001x128xf32, #tpu.memory_space<hbm>> -> memref<100001x128xf32, #tpu.memory_space<hbm>>
      tpu.wait_indirect_dma semaphore(%arg7 : memref<!tpu.dma_semaphore, #tpu.memory_space<semaphore_mem>>) src(%dma_wait3A_16 : memref<100001x128xf32, #tpu.memory_space<hbm>>) dst(%arg6 : memref<128x128xf32, #tpu.memory_space<vmem>>)
      %mul3A_17 = arith.constant 1280 : i32
      %mul3A_18 = arith.muli %add3A, %mul3A_17 : i32
      %mul3A_19 = arith.constant 128 : i32
      %mul3A_20 = arith.muli %scan3A_6, %mul3A_19 : i32
      %add3A_21 = arith.addi %mul3A_18, %mul3A_20 : i32
      "tpu.region"() ({
        %run_scoped3A = tpu.sem_alloc : memref<!tpu.dma_semaphore, #tpu.memory_space<semaphore_mem>>
        %dma_start3A_22 = arith.constant 0 : i32
        %dma_start3A_23 = tpu.memref_slice %arg4[%add3A_21, %dma_start3A_22] : memref<40960x128xf32, #tpu.memory_space<hbm>> -> memref<128x128xf32, #tpu.memory_space<hbm>>
        %dma_start3A_24 = arith.constant 0 : i32
        %dma_start3A_25 = tpu.memref_slice %arg4[%add3A_21, %dma_start3A_24] : memref<40960x128xf32, #tpu.memory_space<hbm>> -> memref<128x128xf32, #tpu.memory_space<hbm>>
        tpu.enqueue_dma source(%arg6 : memref<128x128xf32, #tpu.memory_space<vmem>>) target(%dma_start3A_25 : memref<128x128xf32, #tpu.memory_space<hbm>>) target_semaphore(%run_scoped3A : memref<!tpu.dma_semaphore, #tpu.memory_space<semaphore_mem>>)
        %dma_wait3A_26 = arith.constant 0 : i32
        %dma_wait3A_27 = tpu.memref_slice %arg4[%add3A_21, %dma_wait3A_26] : memref<40960x128xf32, #tpu.memory_space<hbm>> -> memref<128x128xf32, #tpu.memory_space<hbm>>
        %dma_wait3A_28 = arith.constant 0 : i32
        %dma_wait3A_29 = tpu.memref_slice %arg4[%add3A_21, %dma_wait3A_28] : memref<40960x128xf32, #tpu.memory_space<hbm>> -> memref<128x128xf32, #tpu.memory_space<hbm>>
        tpu.wait_dma2 semaphore(%run_scoped3A : memref<!tpu.dma_semaphore, #tpu.memory_space<semaphore_mem>>) src(%arg6 : memref<128x128xf32, #tpu.memory_space<vmem>>) dst(%dma_wait3A_29 : memref<128x128xf32, #tpu.memory_space<hbm>>)
        tpu.yield
      }) : () -> ()
    }
    %scan3A_5 = arith.constant 10 : i32
    return
  }
}

module attributes {stable_mosaic.version = 14 : i64} {
  func.func @_tc_body(%arg0: i32, %arg1: memref<2048x128xf32, #tpu.memory_space<vmem>>, %arg2: memref<4x2048xf32, #tpu.memory_space<vmem>>, %arg3: memref<4x384xf32, #tpu.memory_space<vmem>>, %arg4: memref<256x128xf32, #tpu.memory_space<vmem>>, %arg5: memref<128x128xf32, #tpu.memory_space<vmem>>, %arg6: memref<128x128xf32, #tpu.memory_space<vmem>>, %arg7: memref<2x128xf32, #tpu.memory_space<vmem>>, %arg8: memref<2048x128xf32, #tpu.memory_space<vmem>>) attributes {dimension_semantics = [#tpu.dimension_semantics<arbitrary>], iteration_bounds = array<i64: 20>, scalar_prefetch = 0 : i64, scratch_operands = 0 : i64, tpu.core_type = #tpu.core_type<tc>, window_params = [{transform_indices = @transform_0, window_bounds = array<i64: 2048, 128>}, {transform_indices = @transform_1, window_bounds = array<i64: 4, 2048>}, {pipeline_mode = #tpu.pipeline_mode<synchronous>, transform_indices = @transform_2, window_bounds = array<i64: 4, 384>}, {pipeline_mode = #tpu.pipeline_mode<synchronous>, transform_indices = @transform_3, window_bounds = array<i64: 256, 128>}, {pipeline_mode = #tpu.pipeline_mode<synchronous>, transform_indices = @transform_4, window_bounds = array<i64: 128, 128>}, {pipeline_mode = #tpu.pipeline_mode<synchronous>, transform_indices = @transform_5, window_bounds = array<i64: 128, 128>}, {pipeline_mode = #tpu.pipeline_mode<synchronous>, transform_indices = @transform_6, window_bounds = array<i64: 2, 128>}, {transform_indices = @transform_7, window_bounds = array<i64: 2048, 128>}]} {
    %get3A = arith.constant 0 : index
    %get3A_0 = arith.constant 0 : index
    %get3A_1 = vector.load %arg2[%get3A, %get3A_0] : memref<4x2048xf32, #tpu.memory_space<vmem>>, vector<4x2048xf32>
    %get3A_2 = arith.constant 0 : index
    %get3A_3 = arith.constant 0 : index
    %get3A_4 = vector.load %arg3[%get3A_2, %get3A_3] : memref<4x384xf32, #tpu.memory_space<vmem>>, vector<4x384xf32>
    %dot_general3A = arith.constant dense<0.000000e+00> : vector<2048x384xf32>
    %dot_general3A_5 = tpu.matmul %get3A_1, %get3A_4, %dot_general3A {dimension_numbers = #tpu.dot_dimension_numbers<[0], [0], [1], [1], [0, 1, 1, 1], [], []>, transpose_lhs_hint = false} : vector<4x2048xf32>, vector<4x384xf32>, vector<2048x384xf32> -> vector<2048x384xf32>
    %slice3A = vector.extract_strided_slice %dot_general3A_5 {offsets = [0, 0], sizes = [2048, 256], strides = [1, 1]} : vector<2048x384xf32> to vector<2048x256xf32>
    %slice3A_6 = vector.extract_strided_slice %dot_general3A_5 {offsets = [0, 256], sizes = [2048, 128], strides = [1, 1]} : vector<2048x384xf32> to vector<2048x128xf32>
    %ge3A = arith.constant 8.000000e+01 : f32
    %ge3A_7 = vector.broadcast %ge3A : f32 to vector<2048x128xf32>
    %ge3A_8 = arith.cmpf oge, %slice3A_6, %ge3A_7 : vector<2048x128xf32>
    %convert_element_type3A = arith.extui %ge3A_8 : vector<2048x128xi1> to vector<2048x128xi32>
    %convert_element_type3A_9 = arith.sitofp %convert_element_type3A : vector<2048x128xi32> to vector<2048x128xf32>
    %mul3A = arith.constant 8.000000e+01 : f32
    %mul3A_10 = vector.broadcast %mul3A : f32 to vector<2048x128xf32>
    %mul3A_11 = arith.mulf %mul3A_10, %convert_element_type3A_9 : vector<2048x128xf32>
    %sub3A = arith.subf %slice3A_6, %mul3A_11 : vector<2048x128xf32>
    %iota3A = tpu.iota {dimensions = array<i32: 1>} : vector<2048x128xi32>
    %convert_element_type3A_12 = arith.sitofp %iota3A : vector<2048x128xi32> to vector<2048x128xf32>
    %eq3A = arith.cmpf oeq, %sub3A, %convert_element_type3A_12 : vector<2048x128xf32>
    %convert_element_type3A_13 = arith.extui %eq3A : vector<2048x128xi1> to vector<2048x128xi32>
    %convert_element_type3A_14 = arith.sitofp %convert_element_type3A_13 : vector<2048x128xi32> to vector<2048x128xf32>
    %logistic3A = arith.negf %slice3A : vector<2048x256xf32>
    %logistic3A_15 = math.exp %logistic3A : vector<2048x256xf32>
    %logistic3A_16 = arith.constant 1.000000e+00 : f32
    %logistic3A_17 = vector.broadcast %logistic3A_16 : f32 to vector<2048x256xf32>
    %logistic3A_18 = arith.addf %logistic3A_17, %logistic3A_15 : vector<2048x256xf32>
    %logistic3A_19 = arith.divf %logistic3A_17, %logistic3A_18 : vector<2048x256xf32>
    %mul3A_20 = arith.mulf %slice3A, %logistic3A_19 : vector<2048x256xf32>
    %get3A_21 = arith.constant 0 : index
    %get3A_22 = arith.constant 0 : index
    %get3A_23 = vector.load %arg1[%get3A_21, %get3A_22] : memref<2048x128xf32, #tpu.memory_space<vmem>>, vector<2048x128xf32>
    %get3A_24 = arith.constant 0 : index
    %get3A_25 = arith.constant 0 : index
    %get3A_26 = vector.load %arg6[%get3A_24, %get3A_25] : memref<128x128xf32, #tpu.memory_space<vmem>>, vector<128x128xf32>
    %dot_general3A_27 = arith.constant dense<0.000000e+00> : vector<2048x128xf32>
    %dot_general3A_28 = tpu.matmul %get3A_23, %get3A_26, %dot_general3A_27 {dimension_numbers = #tpu.dot_dimension_numbers<[1], [0], [0], [1], [0, 0, 1, 1], [], []>, transpose_lhs_hint = false} : vector<2048x128xf32>, vector<128x128xf32>, vector<2048x128xf32> -> vector<2048x128xf32>
    %get3A_29 = arith.constant 0 : index
    %get3A_30 = arith.constant 0 : index
    %get3A_31 = vector.load %arg4[%get3A_29, %get3A_30] : memref<256x128xf32, #tpu.memory_space<vmem>>, vector<256x128xf32>
    %dot_general3A_32 = arith.constant dense<0.000000e+00> : vector<2048x128xf32>
    %dot_general3A_33 = tpu.matmul %mul3A_20, %get3A_31, %dot_general3A_32 {dimension_numbers = #tpu.dot_dimension_numbers<[1], [0], [0], [1], [0, 0, 1, 1], [], []>, transpose_lhs_hint = false} : vector<2048x256xf32>, vector<256x128xf32>, vector<2048x128xf32> -> vector<2048x128xf32>
    %add3A = arith.addf %dot_general3A_28, %dot_general3A_33 : vector<2048x128xf32>
    %get3A_34 = arith.constant 0 : index
    %get3A_35 = arith.constant 0 : index
    %get3A_36 = vector.load %arg5[%get3A_34, %get3A_35] : memref<128x128xf32, #tpu.memory_space<vmem>>, vector<128x128xf32>
    %dot_general3A_37 = arith.constant dense<0.000000e+00> : vector<2048x128xf32>
    %dot_general3A_38 = tpu.matmul %convert_element_type3A_14, %get3A_36, %dot_general3A_37 {dimension_numbers = #tpu.dot_dimension_numbers<[1], [0], [0], [1], [0, 0, 1, 1], [], []>, transpose_lhs_hint = false} : vector<2048x128xf32>, vector<128x128xf32>, vector<2048x128xf32> -> vector<2048x128xf32>
    %add3A_39 = arith.addf %add3A, %dot_general3A_38 : vector<2048x128xf32>
    %mul3A_40 = arith.mulf %add3A_39, %add3A_39 : vector<2048x128xf32>
    %broadcast_in_dim3A = arith.constant 7.812500e-03 : f32
    %broadcast_in_dim3A_41 = vector.broadcast %broadcast_in_dim3A : f32 to vector<128x128xf32>
    %dot_general3A_42 = arith.constant dense<0.000000e+00> : vector<2048x128xf32>
    %dot_general3A_43 = tpu.matmul %mul3A_40, %broadcast_in_dim3A_41, %dot_general3A_42 {dimension_numbers = #tpu.dot_dimension_numbers<[1], [0], [0], [1], [0, 0, 1, 1], [], []>, transpose_lhs_hint = false} : vector<2048x128xf32>, vector<128x128xf32>, vector<2048x128xf32> -> vector<2048x128xf32>
    %mul3A_44 = arith.mulf %convert_element_type3A_9, %dot_general3A_43 : vector<2048x128xf32>
    %add3A_45 = arith.constant 9.99999974E-6 : f32
    %add3A_46 = vector.broadcast %add3A_45 : f32 to vector<2048x128xf32>
    %add3A_47 = arith.addf %mul3A_44, %add3A_46 : vector<2048x128xf32>
    %rsqrt3A = math.rsqrt %add3A_47 : vector<2048x128xf32>
    %mul3A_48 = arith.mulf %convert_element_type3A_9, %rsqrt3A : vector<2048x128xf32>
    %mul3A_49 = arith.mulf %add3A_39, %mul3A_48 : vector<2048x128xf32>
    %get3A_50 = arith.constant 0 : index
    %get3A_51 = arith.constant 0 : index
    %get3A_52 = vector.load %arg7[%get3A_50, %get3A_51] : memref<2x128xf32, #tpu.memory_space<vmem>>, vector<1x128xf32>
    %mul3A_53 = vector.broadcast %get3A_52 : vector<1x128xf32> to vector<2048x128xf32>
    %mul3A_54 = arith.mulf %mul3A_49, %mul3A_53 : vector<2048x128xf32>
    %get3A_55 = arith.constant 1 : index
    %get3A_56 = arith.constant 0 : index
    %get3A_57 = vector.load %arg7[%get3A_55, %get3A_56] : memref<2x128xf32, #tpu.memory_space<vmem>>, vector<1x128xf32>
    %add3A_58 = vector.broadcast %get3A_57 : vector<1x128xf32> to vector<2048x128xf32>
    %add3A_59 = arith.addf %mul3A_54, %add3A_58 : vector<2048x128xf32>
    %swap3A = arith.constant 0 : index
    %swap3A_60 = arith.constant 0 : index
    %swap3A_61 = vector.load %arg8[%swap3A, %swap3A_60] : memref<2048x128xf32, #tpu.memory_space<vmem>>, vector<2048x128xf32>
    tpu.vector_store %arg8[%swap3A, %swap3A_60], %add3A_59 {strides = array<i32>} : memref<2048x128xf32, #tpu.memory_space<vmem>>, vector<2048x128xf32>,
    return
  }
  func.func @transform_0(%arg0: i32) -> (i32, i32) {
    %c0_i32 = arith.constant 0 : i32
    %c0_i32_0 = arith.constant 0 : i32
    return %arg0, %c0_i32 : i32, i32
  }
  func.func @transform_1(%arg0: i32) -> (i32, i32) {
    %add3A = arith.constant 0 : i32
    %add3A_0 = arith.addi %arg0, %add3A : i32
    %c0_i32 = arith.constant 0 : i32
    %c0_i32_1 = arith.constant 0 : i32
    return %c0_i32, %add3A_0 : i32, i32
  }
  func.func @transform_2(%arg0: i32) -> (i32, i32) {
    %c0_i32 = arith.constant 0 : i32
    %c0_i32_0 = arith.constant 0 : i32
    %c0_i32_1 = arith.constant 0 : i32
    return %c0_i32, %c0_i32_0 : i32, i32
  }
  func.func @transform_3(%arg0: i32) -> (i32, i32) {
    %c0_i32 = arith.constant 0 : i32
    %c0_i32_0 = arith.constant 0 : i32
    %c0_i32_1 = arith.constant 0 : i32
    return %c0_i32, %c0_i32_0 : i32, i32
  }
  func.func @transform_4(%arg0: i32) -> (i32, i32) {
    %c0_i32 = arith.constant 0 : i32
    %c0_i32_0 = arith.constant 0 : i32
    %c0_i32_1 = arith.constant 0 : i32
    return %c0_i32, %c0_i32_0 : i32, i32
  }
  func.func @transform_5(%arg0: i32) -> (i32, i32) {
    %c0_i32 = arith.constant 0 : i32
    %c0_i32_0 = arith.constant 0 : i32
    %c0_i32_1 = arith.constant 0 : i32
    return %c0_i32, %c0_i32_0 : i32, i32
  }
  func.func @transform_6(%arg0: i32) -> (i32, i32) {
    %c0_i32 = arith.constant 0 : i32
    %c0_i32_0 = arith.constant 0 : i32
    %c0_i32_1 = arith.constant 0 : i32
    return %c0_i32, %c0_i32_0 : i32, i32
  }
  func.func @transform_7(%arg0: i32) -> (i32, i32) {
    %add3A = arith.constant 0 : i32
    %add3A_0 = arith.addi %arg0, %add3A : i32
    %c0_i32 = arith.constant 0 : i32
    %c0_i32_1 = arith.constant 0 : i32
    return %add3A_0, %c0_i32 : i32, i32
  }
}

module attributes {stable_mosaic.version = 14 : i64} {
  func.func @_tc_body_alias(%arg0: i32, %arg1: memref<2048x128xf32, #tpu.memory_space<vmem>>, %arg2: memref<4x2048xf32, #tpu.memory_space<vmem>>, %arg3: memref<4x384xf32, #tpu.memory_space<vmem>>, %arg4: memref<256x128xf32, #tpu.memory_space<vmem>>, %arg5: memref<128x128xf32, #tpu.memory_space<vmem>>, %arg6: memref<128x128xf32, #tpu.memory_space<vmem>>, %arg7: memref<2x128xf32, #tpu.memory_space<vmem>>, %arg8: memref<8x128xf32, #tpu.memory_space<vmem>>, %arg9: memref<2048x128xf32, #tpu.memory_space<vmem>>) attributes {dimension_semantics = [#tpu.dimension_semantics<arbitrary>], iteration_bounds = array<i64: 20>, scalar_prefetch = 0 : i64, scratch_operands = 0 : i64, tpu.core_type = #tpu.core_type<tc>, window_params = [{transform_indices = @transform_0, window_bounds = array<i64: 2048, 128>}, {transform_indices = @transform_1, window_bounds = array<i64: 4, 2048>}, {pipeline_mode = #tpu.pipeline_mode<synchronous>, transform_indices = @transform_2, window_bounds = array<i64: 4, 384>}, {pipeline_mode = #tpu.pipeline_mode<synchronous>, transform_indices = @transform_3, window_bounds = array<i64: 256, 128>}, {pipeline_mode = #tpu.pipeline_mode<synchronous>, transform_indices = @transform_4, window_bounds = array<i64: 128, 128>}, {pipeline_mode = #tpu.pipeline_mode<synchronous>, transform_indices = @transform_5, window_bounds = array<i64: 128, 128>}, {pipeline_mode = #tpu.pipeline_mode<synchronous>, transform_indices = @transform_6, window_bounds = array<i64: 2, 128>}, {transform_indices = @transform_7, window_bounds = array<i64: 8, 128>}, {transform_indices = @transform_8, window_bounds = array<i64: 2048, 128>}]} {
    %get3A = arith.constant 0 : index
    %get3A_0 = arith.constant 0 : index
    %get3A_1 = vector.load %arg2[%get3A, %get3A_0] : memref<4x2048xf32, #tpu.memory_space<vmem>>, vector<4x2048xf32>
    %get3A_2 = arith.constant 0 : index
    %get3A_3 = arith.constant 0 : index
    %get3A_4 = vector.load %arg3[%get3A_2, %get3A_3] : memref<4x384xf32, #tpu.memory_space<vmem>>, vector<4x384xf32>
    %dot_general3A = arith.constant dense<0.000000e+00> : vector<2048x384xf32>
    %dot_general3A_5 = tpu.matmul %get3A_1, %get3A_4, %dot_general3A {dimension_numbers = #tpu.dot_dimension_numbers<[0], [0], [1], [1], [0, 1, 1, 1], [], []>, transpose_lhs_hint = false} : vector<4x2048xf32>, vector<4x384xf32>, vector<2048x384xf32> -> vector<2048x384xf32>
    %slice3A = vector.extract_strided_slice %dot_general3A_5 {offsets = [0, 0], sizes = [2048, 256], strides = [1, 1]} : vector<2048x384xf32> to vector<2048x256xf32>
    %slice3A_6 = vector.extract_strided_slice %dot_general3A_5 {offsets = [0, 256], sizes = [2048, 128], strides = [1, 1]} : vector<2048x384xf32> to vector<2048x128xf32>
    %ge3A = arith.constant 8.000000e+01 : f32
    %ge3A_7 = vector.broadcast %ge3A : f32 to vector<2048x128xf32>
    %ge3A_8 = arith.cmpf oge, %slice3A_6, %ge3A_7 : vector<2048x128xf32>
    %convert_element_type3A = arith.extui %ge3A_8 : vector<2048x128xi1> to vector<2048x128xi32>
    %convert_element_type3A_9 = arith.sitofp %convert_element_type3A : vector<2048x128xi32> to vector<2048x128xf32>
    %mul3A = arith.constant 8.000000e+01 : f32
    %mul3A_10 = vector.broadcast %mul3A : f32 to vector<2048x128xf32>
    %mul3A_11 = arith.mulf %mul3A_10, %convert_element_type3A_9 : vector<2048x128xf32>
    %sub3A = arith.subf %slice3A_6, %mul3A_11 : vector<2048x128xf32>
    %iota3A = tpu.iota {dimensions = array<i32: 1>} : vector<2048x128xi32>
    %convert_element_type3A_12 = arith.sitofp %iota3A : vector<2048x128xi32> to vector<2048x128xf32>
    %eq3A = arith.cmpf oeq, %sub3A, %convert_element_type3A_12 : vector<2048x128xf32>
    %convert_element_type3A_13 = arith.extui %eq3A : vector<2048x128xi1> to vector<2048x128xi32>
    %convert_element_type3A_14 = arith.sitofp %convert_element_type3A_13 : vector<2048x128xi32> to vector<2048x128xf32>
    %logistic3A = arith.negf %slice3A : vector<2048x256xf32>
    %logistic3A_15 = math.exp %logistic3A : vector<2048x256xf32>
    %logistic3A_16 = arith.constant 1.000000e+00 : f32
    %logistic3A_17 = vector.broadcast %logistic3A_16 : f32 to vector<2048x256xf32>
    %logistic3A_18 = arith.addf %logistic3A_17, %logistic3A_15 : vector<2048x256xf32>
    %logistic3A_19 = arith.divf %logistic3A_17, %logistic3A_18 : vector<2048x256xf32>
    %mul3A_20 = arith.mulf %slice3A, %logistic3A_19 : vector<2048x256xf32>
    %get3A_21 = arith.constant 0 : index
    %get3A_22 = arith.constant 0 : index
    %get3A_23 = vector.load %arg1[%get3A_21, %get3A_22] : memref<2048x128xf32, #tpu.memory_space<vmem>>, vector<2048x128xf32>
    %get3A_24 = arith.constant 0 : index
    %get3A_25 = arith.constant 0 : index
    %get3A_26 = vector.load %arg6[%get3A_24, %get3A_25] : memref<128x128xf32, #tpu.memory_space<vmem>>, vector<128x128xf32>
    %dot_general3A_27 = arith.constant dense<0.000000e+00> : vector<2048x128xf32>
    %dot_general3A_28 = tpu.matmul %get3A_23, %get3A_26, %dot_general3A_27 {dimension_numbers = #tpu.dot_dimension_numbers<[1], [0], [0], [1], [0, 0, 1, 1], [], []>, transpose_lhs_hint = false} : vector<2048x128xf32>, vector<128x128xf32>, vector<2048x128xf32> -> vector<2048x128xf32>
    %get3A_29 = arith.constant 0 : index
    %get3A_30 = arith.constant 0 : index
    %get3A_31 = vector.load %arg4[%get3A_29, %get3A_30] : memref<256x128xf32, #tpu.memory_space<vmem>>, vector<256x128xf32>
    %dot_general3A_32 = arith.constant dense<0.000000e+00> : vector<2048x128xf32>
    %dot_general3A_33 = tpu.matmul %mul3A_20, %get3A_31, %dot_general3A_32 {dimension_numbers = #tpu.dot_dimension_numbers<[1], [0], [0], [1], [0, 0, 1, 1], [], []>, transpose_lhs_hint = false} : vector<2048x256xf32>, vector<256x128xf32>, vector<2048x128xf32> -> vector<2048x128xf32>
    %add3A = arith.addf %dot_general3A_28, %dot_general3A_33 : vector<2048x128xf32>
    %get3A_34 = arith.constant 0 : index
    %get3A_35 = arith.constant 0 : index
    %get3A_36 = vector.load %arg5[%get3A_34, %get3A_35] : memref<128x128xf32, #tpu.memory_space<vmem>>, vector<128x128xf32>
    %dot_general3A_37 = arith.constant dense<0.000000e+00> : vector<2048x128xf32>
    %dot_general3A_38 = tpu.matmul %convert_element_type3A_14, %get3A_36, %dot_general3A_37 {dimension_numbers = #tpu.dot_dimension_numbers<[1], [0], [0], [1], [0, 0, 1, 1], [], []>, transpose_lhs_hint = false} : vector<2048x128xf32>, vector<128x128xf32>, vector<2048x128xf32> -> vector<2048x128xf32>
    %add3A_39 = arith.addf %add3A, %dot_general3A_38 : vector<2048x128xf32>
    %mul3A_40 = arith.mulf %add3A_39, %add3A_39 : vector<2048x128xf32>
    %broadcast_in_dim3A = arith.constant 7.812500e-03 : f32
    %broadcast_in_dim3A_41 = vector.broadcast %broadcast_in_dim3A : f32 to vector<128x128xf32>
    %dot_general3A_42 = arith.constant dense<0.000000e+00> : vector<2048x128xf32>
    %dot_general3A_43 = tpu.matmul %mul3A_40, %broadcast_in_dim3A_41, %dot_general3A_42 {dimension_numbers = #tpu.dot_dimension_numbers<[1], [0], [0], [1], [0, 0, 1, 1], [], []>, transpose_lhs_hint = false} : vector<2048x128xf32>, vector<128x128xf32>, vector<2048x128xf32> -> vector<2048x128xf32>
    %mul3A_44 = arith.mulf %convert_element_type3A_9, %dot_general3A_43 : vector<2048x128xf32>
    %add3A_45 = arith.constant 9.99999974E-6 : f32
    %add3A_46 = vector.broadcast %add3A_45 : f32 to vector<2048x128xf32>
    %add3A_47 = arith.addf %mul3A_44, %add3A_46 : vector<2048x128xf32>
    %rsqrt3A = math.rsqrt %add3A_47 : vector<2048x128xf32>
    %mul3A_48 = arith.mulf %convert_element_type3A_9, %rsqrt3A : vector<2048x128xf32>
    %mul3A_49 = arith.mulf %add3A_39, %mul3A_48 : vector<2048x128xf32>
    %get3A_50 = arith.constant 0 : index
    %get3A_51 = arith.constant 0 : index
    %get3A_52 = vector.load %arg7[%get3A_50, %get3A_51] : memref<2x128xf32, #tpu.memory_space<vmem>>, vector<1x128xf32>
    %mul3A_53 = vector.broadcast %get3A_52 : vector<1x128xf32> to vector<2048x128xf32>
    %mul3A_54 = arith.mulf %mul3A_49, %mul3A_53 : vector<2048x128xf32>
    %get3A_55 = arith.constant 1 : index
    %get3A_56 = arith.constant 0 : index
    %get3A_57 = vector.load %arg7[%get3A_55, %get3A_56] : memref<2x128xf32, #tpu.memory_space<vmem>>, vector<1x128xf32>
    %add3A_58 = vector.broadcast %get3A_57 : vector<1x128xf32> to vector<2048x128xf32>
    %add3A_59 = arith.addf %mul3A_54, %add3A_58 : vector<2048x128xf32>
    %swap3A = arith.constant 0 : index
    %swap3A_60 = arith.constant 0 : index
    %swap3A_61 = vector.load %arg9[%swap3A, %swap3A_60] : memref<2048x128xf32, #tpu.memory_space<vmem>>, vector<2048x128xf32>
    tpu.vector_store %arg9[%swap3A, %swap3A_60], %add3A_59 {strides = array<i32>} : memref<2048x128xf32, #tpu.memory_space<vmem>>, vector<2048x128xf32>,
    return
  }
  func.func @transform_0(%arg0: i32) -> (i32, i32) {
    %c0_i32 = arith.constant 0 : i32
    %c0_i32_0 = arith.constant 0 : i32
    return %arg0, %c0_i32 : i32, i32
  }
  func.func @transform_1(%arg0: i32) -> (i32, i32) {
    %add3A = arith.constant 20 : i32
    %add3A_0 = arith.addi %arg0, %add3A : i32
    %c0_i32 = arith.constant 0 : i32
    %c0_i32_1 = arith.constant 0 : i32
    return %c0_i32, %add3A_0 : i32, i32
  }
  func.func @transform_2(%arg0: i32) -> (i32, i32) {
    %c0_i32 = arith.constant 0 : i32
    %c0_i32_0 = arith.constant 0 : i32
    %c0_i32_1 = arith.constant 0 : i32
    return %c0_i32, %c0_i32_0 : i32, i32
  }
  func.func @transform_3(%arg0: i32) -> (i32, i32) {
    %c0_i32 = arith.constant 0 : i32
    %c0_i32_0 = arith.constant 0 : i32
    %c0_i32_1 = arith.constant 0 : i32
    return %c0_i32, %c0_i32_0 : i32, i32
  }
  func.func @transform_4(%arg0: i32) -> (i32, i32) {
    %c0_i32 = arith.constant 0 : i32
    %c0_i32_0 = arith.constant 0 : i32
    %c0_i32_1 = arith.constant 0 : i32
    return %c0_i32, %c0_i32_0 : i32, i32
  }
  func.func @transform_5(%arg0: i32) -> (i32, i32) {
    %c0_i32 = arith.constant 0 : i32
    %c0_i32_0 = arith.constant 0 : i32
    %c0_i32_1 = arith.constant 0 : i32
    return %c0_i32, %c0_i32_0 : i32, i32
  }
  func.func @transform_6(%arg0: i32) -> (i32, i32) {
    %c0_i32 = arith.constant 0 : i32
    %c0_i32_0 = arith.constant 0 : i32
    %c0_i32_1 = arith.constant 0 : i32
    return %c0_i32, %c0_i32_0 : i32, i32
  }
  func.func @transform_7(%arg0: i32) -> (i32, i32) {
    %c0_i32 = arith.constant 0 : i32
    %c0_i32_0 = arith.constant 0 : i32
    %c0_i32_1 = arith.constant 0 : i32
    return %c0_i32, %c0_i32_0 : i32, i32
  }
  func.func @transform_8(%arg0: i32) -> (i32, i32) {
    %add3A = arith.constant 20 : i32
    %add3A_0 = arith.addi %arg0, %add3A : i32
    %c0_i32 = arith.constant 0 : i32
    %c0_i32_1 = arith.constant 0 : i32
    return %add3A_0, %c0_i32 : i32, i32
  }
}

module attributes {stable_mosaic.version = 14 : i64} {
  func.func @_tc_body_alias(%arg0: i32, %arg1: memref<2048x128xf32, #tpu.memory_space<vmem>>, %arg2: memref<4x2048xf32, #tpu.memory_space<vmem>>, %arg3: memref<4x384xf32, #tpu.memory_space<vmem>>, %arg4: memref<256x128xf32, #tpu.memory_space<vmem>>, %arg5: memref<128x128xf32, #tpu.memory_space<vmem>>, %arg6: memref<128x128xf32, #tpu.memory_space<vmem>>, %arg7: memref<2x128xf32, #tpu.memory_space<vmem>>, %arg8: memref<8x128xf32, #tpu.memory_space<vmem>>, %arg9: memref<2048x128xf32, #tpu.memory_space<vmem>>) attributes {dimension_semantics = [#tpu.dimension_semantics<arbitrary>], iteration_bounds = array<i64: 20>, scalar_prefetch = 0 : i64, scratch_operands = 0 : i64, tpu.core_type = #tpu.core_type<tc>, window_params = [{transform_indices = @transform_0, window_bounds = array<i64: 2048, 128>}, {transform_indices = @transform_1, window_bounds = array<i64: 4, 2048>}, {pipeline_mode = #tpu.pipeline_mode<synchronous>, transform_indices = @transform_2, window_bounds = array<i64: 4, 384>}, {pipeline_mode = #tpu.pipeline_mode<synchronous>, transform_indices = @transform_3, window_bounds = array<i64: 256, 128>}, {pipeline_mode = #tpu.pipeline_mode<synchronous>, transform_indices = @transform_4, window_bounds = array<i64: 128, 128>}, {pipeline_mode = #tpu.pipeline_mode<synchronous>, transform_indices = @transform_5, window_bounds = array<i64: 128, 128>}, {pipeline_mode = #tpu.pipeline_mode<synchronous>, transform_indices = @transform_6, window_bounds = array<i64: 2, 128>}, {transform_indices = @transform_7, window_bounds = array<i64: 8, 128>}, {transform_indices = @transform_8, window_bounds = array<i64: 2048, 128>}]} {
    %get3A = arith.constant 0 : index
    %get3A_0 = arith.constant 0 : index
    %get3A_1 = vector.load %arg2[%get3A, %get3A_0] : memref<4x2048xf32, #tpu.memory_space<vmem>>, vector<4x2048xf32>
    %get3A_2 = arith.constant 0 : index
    %get3A_3 = arith.constant 0 : index
    %get3A_4 = vector.load %arg3[%get3A_2, %get3A_3] : memref<4x384xf32, #tpu.memory_space<vmem>>, vector<4x384xf32>
    %dot_general3A = arith.constant dense<0.000000e+00> : vector<2048x384xf32>
    %dot_general3A_5 = tpu.matmul %get3A_1, %get3A_4, %dot_general3A {dimension_numbers = #tpu.dot_dimension_numbers<[0], [0], [1], [1], [0, 1, 1, 1], [], []>, transpose_lhs_hint = false} : vector<4x2048xf32>, vector<4x384xf32>, vector<2048x384xf32> -> vector<2048x384xf32>
    %slice3A = vector.extract_strided_slice %dot_general3A_5 {offsets = [0, 0], sizes = [2048, 256], strides = [1, 1]} : vector<2048x384xf32> to vector<2048x256xf32>
    %slice3A_6 = vector.extract_strided_slice %dot_general3A_5 {offsets = [0, 256], sizes = [2048, 128], strides = [1, 1]} : vector<2048x384xf32> to vector<2048x128xf32>
    %ge3A = arith.constant 8.000000e+01 : f32
    %ge3A_7 = vector.broadcast %ge3A : f32 to vector<2048x128xf32>
    %ge3A_8 = arith.cmpf oge, %slice3A_6, %ge3A_7 : vector<2048x128xf32>
    %convert_element_type3A = arith.extui %ge3A_8 : vector<2048x128xi1> to vector<2048x128xi32>
    %convert_element_type3A_9 = arith.sitofp %convert_element_type3A : vector<2048x128xi32> to vector<2048x128xf32>
    %mul3A = arith.constant 8.000000e+01 : f32
    %mul3A_10 = vector.broadcast %mul3A : f32 to vector<2048x128xf32>
    %mul3A_11 = arith.mulf %mul3A_10, %convert_element_type3A_9 : vector<2048x128xf32>
    %sub3A = arith.subf %slice3A_6, %mul3A_11 : vector<2048x128xf32>
    %iota3A = tpu.iota {dimensions = array<i32: 1>} : vector<2048x128xi32>
    %convert_element_type3A_12 = arith.sitofp %iota3A : vector<2048x128xi32> to vector<2048x128xf32>
    %eq3A = arith.cmpf oeq, %sub3A, %convert_element_type3A_12 : vector<2048x128xf32>
    %convert_element_type3A_13 = arith.extui %eq3A : vector<2048x128xi1> to vector<2048x128xi32>
    %convert_element_type3A_14 = arith.sitofp %convert_element_type3A_13 : vector<2048x128xi32> to vector<2048x128xf32>
    %logistic3A = arith.negf %slice3A : vector<2048x256xf32>
    %logistic3A_15 = math.exp %logistic3A : vector<2048x256xf32>
    %logistic3A_16 = arith.constant 1.000000e+00 : f32
    %logistic3A_17 = vector.broadcast %logistic3A_16 : f32 to vector<2048x256xf32>
    %logistic3A_18 = arith.addf %logistic3A_17, %logistic3A_15 : vector<2048x256xf32>
    %logistic3A_19 = arith.divf %logistic3A_17, %logistic3A_18 : vector<2048x256xf32>
    %mul3A_20 = arith.mulf %slice3A, %logistic3A_19 : vector<2048x256xf32>
    %get3A_21 = arith.constant 0 : index
    %get3A_22 = arith.constant 0 : index
    %get3A_23 = vector.load %arg1[%get3A_21, %get3A_22] : memref<2048x128xf32, #tpu.memory_space<vmem>>, vector<2048x128xf32>
    %get3A_24 = arith.constant 0 : index
    %get3A_25 = arith.constant 0 : index
    %get3A_26 = vector.load %arg6[%get3A_24, %get3A_25] : memref<128x128xf32, #tpu.memory_space<vmem>>, vector<128x128xf32>
    %dot_general3A_27 = arith.constant dense<0.000000e+00> : vector<2048x128xf32>
    %dot_general3A_28 = tpu.matmul %get3A_23, %get3A_26, %dot_general3A_27 {dimension_numbers = #tpu.dot_dimension_numbers<[1], [0], [0], [1], [0, 0, 1, 1], [], []>, transpose_lhs_hint = false} : vector<2048x128xf32>, vector<128x128xf32>, vector<2048x128xf32> -> vector<2048x128xf32>
    %get3A_29 = arith.constant 0 : index
    %get3A_30 = arith.constant 0 : index
    %get3A_31 = vector.load %arg4[%get3A_29, %get3A_30] : memref<256x128xf32, #tpu.memory_space<vmem>>, vector<256x128xf32>
    %dot_general3A_32 = arith.constant dense<0.000000e+00> : vector<2048x128xf32>
    %dot_general3A_33 = tpu.matmul %mul3A_20, %get3A_31, %dot_general3A_32 {dimension_numbers = #tpu.dot_dimension_numbers<[1], [0], [0], [1], [0, 0, 1, 1], [], []>, transpose_lhs_hint = false} : vector<2048x256xf32>, vector<256x128xf32>, vector<2048x128xf32> -> vector<2048x128xf32>
    %add3A = arith.addf %dot_general3A_28, %dot_general3A_33 : vector<2048x128xf32>
    %get3A_34 = arith.constant 0 : index
    %get3A_35 = arith.constant 0 : index
    %get3A_36 = vector.load %arg5[%get3A_34, %get3A_35] : memref<128x128xf32, #tpu.memory_space<vmem>>, vector<128x128xf32>
    %dot_general3A_37 = arith.constant dense<0.000000e+00> : vector<2048x128xf32>
    %dot_general3A_38 = tpu.matmul %convert_element_type3A_14, %get3A_36, %dot_general3A_37 {dimension_numbers = #tpu.dot_dimension_numbers<[1], [0], [0], [1], [0, 0, 1, 1], [], []>, transpose_lhs_hint = false} : vector<2048x128xf32>, vector<128x128xf32>, vector<2048x128xf32> -> vector<2048x128xf32>
    %add3A_39 = arith.addf %add3A, %dot_general3A_38 : vector<2048x128xf32>
    %mul3A_40 = arith.mulf %add3A_39, %add3A_39 : vector<2048x128xf32>
    %broadcast_in_dim3A = arith.constant 7.812500e-03 : f32
    %broadcast_in_dim3A_41 = vector.broadcast %broadcast_in_dim3A : f32 to vector<128x128xf32>
    %dot_general3A_42 = arith.constant dense<0.000000e+00> : vector<2048x128xf32>
    %dot_general3A_43 = tpu.matmul %mul3A_40, %broadcast_in_dim3A_41, %dot_general3A_42 {dimension_numbers = #tpu.dot_dimension_numbers<[1], [0], [0], [1], [0, 0, 1, 1], [], []>, transpose_lhs_hint = false} : vector<2048x128xf32>, vector<128x128xf32>, vector<2048x128xf32> -> vector<2048x128xf32>
    %mul3A_44 = arith.mulf %convert_element_type3A_9, %dot_general3A_43 : vector<2048x128xf32>
    %add3A_45 = arith.constant 9.99999974E-6 : f32
    %add3A_46 = vector.broadcast %add3A_45 : f32 to vector<2048x128xf32>
    %add3A_47 = arith.addf %mul3A_44, %add3A_46 : vector<2048x128xf32>
    %rsqrt3A = math.rsqrt %add3A_47 : vector<2048x128xf32>
    %mul3A_48 = arith.mulf %convert_element_type3A_9, %rsqrt3A : vector<2048x128xf32>
    %mul3A_49 = arith.mulf %add3A_39, %mul3A_48 : vector<2048x128xf32>
    %get3A_50 = arith.constant 0 : index
    %get3A_51 = arith.constant 0 : index
    %get3A_52 = vector.load %arg7[%get3A_50, %get3A_51] : memref<2x128xf32, #tpu.memory_space<vmem>>, vector<1x128xf32>
    %mul3A_53 = vector.broadcast %get3A_52 : vector<1x128xf32> to vector<2048x128xf32>
    %mul3A_54 = arith.mulf %mul3A_49, %mul3A_53 : vector<2048x128xf32>
    %get3A_55 = arith.constant 1 : index
    %get3A_56 = arith.constant 0 : index
    %get3A_57 = vector.load %arg7[%get3A_55, %get3A_56] : memref<2x128xf32, #tpu.memory_space<vmem>>, vector<1x128xf32>
    %add3A_58 = vector.broadcast %get3A_57 : vector<1x128xf32> to vector<2048x128xf32>
    %add3A_59 = arith.addf %mul3A_54, %add3A_58 : vector<2048x128xf32>
    %swap3A = arith.constant 0 : index
    %swap3A_60 = arith.constant 0 : index
    %swap3A_61 = vector.load %arg9[%swap3A, %swap3A_60] : memref<2048x128xf32, #tpu.memory_space<vmem>>, vector<2048x128xf32>
    tpu.vector_store %arg9[%swap3A, %swap3A_60], %add3A_59 {strides = array<i32>} : memref<2048x128xf32, #tpu.memory_space<vmem>>, vector<2048x128xf32>,
    return
  }
  func.func @transform_0(%arg0: i32) -> (i32, i32) {
    %c0_i32 = arith.constant 0 : i32
    %c0_i32_0 = arith.constant 0 : i32
    return %arg0, %c0_i32 : i32, i32
  }
  func.func @transform_1(%arg0: i32) -> (i32, i32) {
    %add3A = arith.constant 40 : i32
    %add3A_0 = arith.addi %arg0, %add3A : i32
    %c0_i32 = arith.constant 0 : i32
    %c0_i32_1 = arith.constant 0 : i32
    return %c0_i32, %add3A_0 : i32, i32
  }
  func.func @transform_2(%arg0: i32) -> (i32, i32) {
    %c0_i32 = arith.constant 0 : i32
    %c0_i32_0 = arith.constant 0 : i32
    %c0_i32_1 = arith.constant 0 : i32
    return %c0_i32, %c0_i32_0 : i32, i32
  }
  func.func @transform_3(%arg0: i32) -> (i32, i32) {
    %c0_i32 = arith.constant 0 : i32
    %c0_i32_0 = arith.constant 0 : i32
    %c0_i32_1 = arith.constant 0 : i32
    return %c0_i32, %c0_i32_0 : i32, i32
  }
  func.func @transform_4(%arg0: i32) -> (i32, i32) {
    %c0_i32 = arith.constant 0 : i32
    %c0_i32_0 = arith.constant 0 : i32
    %c0_i32_1 = arith.constant 0 : i32
    return %c0_i32, %c0_i32_0 : i32, i32
  }
  func.func @transform_5(%arg0: i32) -> (i32, i32) {
    %c0_i32 = arith.constant 0 : i32
    %c0_i32_0 = arith.constant 0 : i32
    %c0_i32_1 = arith.constant 0 : i32
    return %c0_i32, %c0_i32_0 : i32, i32
  }
  func.func @transform_6(%arg0: i32) -> (i32, i32) {
    %c0_i32 = arith.constant 0 : i32
    %c0_i32_0 = arith.constant 0 : i32
    %c0_i32_1 = arith.constant 0 : i32
    return %c0_i32, %c0_i32_0 : i32, i32
  }
  func.func @transform_7(%arg0: i32) -> (i32, i32) {
    %c0_i32 = arith.constant 0 : i32
    %c0_i32_0 = arith.constant 0 : i32
    %c0_i32_1 = arith.constant 0 : i32
    return %c0_i32, %c0_i32_0 : i32, i32
  }
  func.func @transform_8(%arg0: i32) -> (i32, i32) {
    %add3A = arith.constant 40 : i32
    %add3A_0 = arith.addi %arg0, %add3A : i32
    %c0_i32 = arith.constant 0 : i32
    %c0_i32_1 = arith.constant 0 : i32
    return %add3A_0, %c0_i32 : i32, i32
  }
}

module attributes {stable_mosaic.version = 14 : i64} {
  func.func @_tc_body_alias(%arg0: i32, %arg1: memref<2048x128xf32, #tpu.memory_space<vmem>>, %arg2: memref<4x2048xf32, #tpu.memory_space<vmem>>, %arg3: memref<4x384xf32, #tpu.memory_space<vmem>>, %arg4: memref<256x128xf32, #tpu.memory_space<vmem>>, %arg5: memref<128x128xf32, #tpu.memory_space<vmem>>, %arg6: memref<128x128xf32, #tpu.memory_space<vmem>>, %arg7: memref<2x128xf32, #tpu.memory_space<vmem>>, %arg8: memref<8x128xf32, #tpu.memory_space<vmem>>, %arg9: memref<2048x128xf32, #tpu.memory_space<vmem>>) attributes {dimension_semantics = [#tpu.dimension_semantics<arbitrary>], iteration_bounds = array<i64: 20>, scalar_prefetch = 0 : i64, scratch_operands = 0 : i64, tpu.core_type = #tpu.core_type<tc>, window_params = [{transform_indices = @transform_0, window_bounds = array<i64: 2048, 128>}, {transform_indices = @transform_1, window_bounds = array<i64: 4, 2048>}, {pipeline_mode = #tpu.pipeline_mode<synchronous>, transform_indices = @transform_2, window_bounds = array<i64: 4, 384>}, {pipeline_mode = #tpu.pipeline_mode<synchronous>, transform_indices = @transform_3, window_bounds = array<i64: 256, 128>}, {pipeline_mode = #tpu.pipeline_mode<synchronous>, transform_indices = @transform_4, window_bounds = array<i64: 128, 128>}, {pipeline_mode = #tpu.pipeline_mode<synchronous>, transform_indices = @transform_5, window_bounds = array<i64: 128, 128>}, {pipeline_mode = #tpu.pipeline_mode<synchronous>, transform_indices = @transform_6, window_bounds = array<i64: 2, 128>}, {transform_indices = @transform_7, window_bounds = array<i64: 8, 128>}, {transform_indices = @transform_8, window_bounds = array<i64: 2048, 128>}]} {
    %get3A = arith.constant 0 : index
    %get3A_0 = arith.constant 0 : index
    %get3A_1 = vector.load %arg2[%get3A, %get3A_0] : memref<4x2048xf32, #tpu.memory_space<vmem>>, vector<4x2048xf32>
    %get3A_2 = arith.constant 0 : index
    %get3A_3 = arith.constant 0 : index
    %get3A_4 = vector.load %arg3[%get3A_2, %get3A_3] : memref<4x384xf32, #tpu.memory_space<vmem>>, vector<4x384xf32>
    %dot_general3A = arith.constant dense<0.000000e+00> : vector<2048x384xf32>
    %dot_general3A_5 = tpu.matmul %get3A_1, %get3A_4, %dot_general3A {dimension_numbers = #tpu.dot_dimension_numbers<[0], [0], [1], [1], [0, 1, 1, 1], [], []>, transpose_lhs_hint = false} : vector<4x2048xf32>, vector<4x384xf32>, vector<2048x384xf32> -> vector<2048x384xf32>
    %slice3A = vector.extract_strided_slice %dot_general3A_5 {offsets = [0, 0], sizes = [2048, 256], strides = [1, 1]} : vector<2048x384xf32> to vector<2048x256xf32>
    %slice3A_6 = vector.extract_strided_slice %dot_general3A_5 {offsets = [0, 256], sizes = [2048, 128], strides = [1, 1]} : vector<2048x384xf32> to vector<2048x128xf32>
    %ge3A = arith.constant 8.000000e+01 : f32
    %ge3A_7 = vector.broadcast %ge3A : f32 to vector<2048x128xf32>
    %ge3A_8 = arith.cmpf oge, %slice3A_6, %ge3A_7 : vector<2048x128xf32>
    %convert_element_type3A = arith.extui %ge3A_8 : vector<2048x128xi1> to vector<2048x128xi32>
    %convert_element_type3A_9 = arith.sitofp %convert_element_type3A : vector<2048x128xi32> to vector<2048x128xf32>
    %mul3A = arith.constant 8.000000e+01 : f32
    %mul3A_10 = vector.broadcast %mul3A : f32 to vector<2048x128xf32>
    %mul3A_11 = arith.mulf %mul3A_10, %convert_element_type3A_9 : vector<2048x128xf32>
    %sub3A = arith.subf %slice3A_6, %mul3A_11 : vector<2048x128xf32>
    %iota3A = tpu.iota {dimensions = array<i32: 1>} : vector<2048x128xi32>
    %convert_element_type3A_12 = arith.sitofp %iota3A : vector<2048x128xi32> to vector<2048x128xf32>
    %eq3A = arith.cmpf oeq, %sub3A, %convert_element_type3A_12 : vector<2048x128xf32>
    %convert_element_type3A_13 = arith.extui %eq3A : vector<2048x128xi1> to vector<2048x128xi32>
    %convert_element_type3A_14 = arith.sitofp %convert_element_type3A_13 : vector<2048x128xi32> to vector<2048x128xf32>
    %logistic3A = arith.negf %slice3A : vector<2048x256xf32>
    %logistic3A_15 = math.exp %logistic3A : vector<2048x256xf32>
    %logistic3A_16 = arith.constant 1.000000e+00 : f32
    %logistic3A_17 = vector.broadcast %logistic3A_16 : f32 to vector<2048x256xf32>
    %logistic3A_18 = arith.addf %logistic3A_17, %logistic3A_15 : vector<2048x256xf32>
    %logistic3A_19 = arith.divf %logistic3A_17, %logistic3A_18 : vector<2048x256xf32>
    %mul3A_20 = arith.mulf %slice3A, %logistic3A_19 : vector<2048x256xf32>
    %get3A_21 = arith.constant 0 : index
    %get3A_22 = arith.constant 0 : index
    %get3A_23 = vector.load %arg1[%get3A_21, %get3A_22] : memref<2048x128xf32, #tpu.memory_space<vmem>>, vector<2048x128xf32>
    %get3A_24 = arith.constant 0 : index
    %get3A_25 = arith.constant 0 : index
    %get3A_26 = vector.load %arg6[%get3A_24, %get3A_25] : memref<128x128xf32, #tpu.memory_space<vmem>>, vector<128x128xf32>
    %dot_general3A_27 = arith.constant dense<0.000000e+00> : vector<2048x128xf32>
    %dot_general3A_28 = tpu.matmul %get3A_23, %get3A_26, %dot_general3A_27 {dimension_numbers = #tpu.dot_dimension_numbers<[1], [0], [0], [1], [0, 0, 1, 1], [], []>, transpose_lhs_hint = false} : vector<2048x128xf32>, vector<128x128xf32>, vector<2048x128xf32> -> vector<2048x128xf32>
    %get3A_29 = arith.constant 0 : index
    %get3A_30 = arith.constant 0 : index
    %get3A_31 = vector.load %arg4[%get3A_29, %get3A_30] : memref<256x128xf32, #tpu.memory_space<vmem>>, vector<256x128xf32>
    %dot_general3A_32 = arith.constant dense<0.000000e+00> : vector<2048x128xf32>
    %dot_general3A_33 = tpu.matmul %mul3A_20, %get3A_31, %dot_general3A_32 {dimension_numbers = #tpu.dot_dimension_numbers<[1], [0], [0], [1], [0, 0, 1, 1], [], []>, transpose_lhs_hint = false} : vector<2048x256xf32>, vector<256x128xf32>, vector<2048x128xf32> -> vector<2048x128xf32>
    %add3A = arith.addf %dot_general3A_28, %dot_general3A_33 : vector<2048x128xf32>
    %get3A_34 = arith.constant 0 : index
    %get3A_35 = arith.constant 0 : index
    %get3A_36 = vector.load %arg5[%get3A_34, %get3A_35] : memref<128x128xf32, #tpu.memory_space<vmem>>, vector<128x128xf32>
    %dot_general3A_37 = arith.constant dense<0.000000e+00> : vector<2048x128xf32>
    %dot_general3A_38 = tpu.matmul %convert_element_type3A_14, %get3A_36, %dot_general3A_37 {dimension_numbers = #tpu.dot_dimension_numbers<[1], [0], [0], [1], [0, 0, 1, 1], [], []>, transpose_lhs_hint = false} : vector<2048x128xf32>, vector<128x128xf32>, vector<2048x128xf32> -> vector<2048x128xf32>
    %add3A_39 = arith.addf %add3A, %dot_general3A_38 : vector<2048x128xf32>
    %mul3A_40 = arith.mulf %add3A_39, %add3A_39 : vector<2048x128xf32>
    %broadcast_in_dim3A = arith.constant 7.812500e-03 : f32
    %broadcast_in_dim3A_41 = vector.broadcast %broadcast_in_dim3A : f32 to vector<128x128xf32>
    %dot_general3A_42 = arith.constant dense<0.000000e+00> : vector<2048x128xf32>
    %dot_general3A_43 = tpu.matmul %mul3A_40, %broadcast_in_dim3A_41, %dot_general3A_42 {dimension_numbers = #tpu.dot_dimension_numbers<[1], [0], [0], [1], [0, 0, 1, 1], [], []>, transpose_lhs_hint = false} : vector<2048x128xf32>, vector<128x128xf32>, vector<2048x128xf32> -> vector<2048x128xf32>
    %mul3A_44 = arith.mulf %convert_element_type3A_9, %dot_general3A_43 : vector<2048x128xf32>
    %add3A_45 = arith.constant 9.99999974E-6 : f32
    %add3A_46 = vector.broadcast %add3A_45 : f32 to vector<2048x128xf32>
    %add3A_47 = arith.addf %mul3A_44, %add3A_46 : vector<2048x128xf32>
    %rsqrt3A = math.rsqrt %add3A_47 : vector<2048x128xf32>
    %mul3A_48 = arith.mulf %convert_element_type3A_9, %rsqrt3A : vector<2048x128xf32>
    %mul3A_49 = arith.mulf %add3A_39, %mul3A_48 : vector<2048x128xf32>
    %get3A_50 = arith.constant 0 : index
    %get3A_51 = arith.constant 0 : index
    %get3A_52 = vector.load %arg7[%get3A_50, %get3A_51] : memref<2x128xf32, #tpu.memory_space<vmem>>, vector<1x128xf32>
    %mul3A_53 = vector.broadcast %get3A_52 : vector<1x128xf32> to vector<2048x128xf32>
    %mul3A_54 = arith.mulf %mul3A_49, %mul3A_53 : vector<2048x128xf32>
    %get3A_55 = arith.constant 1 : index
    %get3A_56 = arith.constant 0 : index
    %get3A_57 = vector.load %arg7[%get3A_55, %get3A_56] : memref<2x128xf32, #tpu.memory_space<vmem>>, vector<1x128xf32>
    %add3A_58 = vector.broadcast %get3A_57 : vector<1x128xf32> to vector<2048x128xf32>
    %add3A_59 = arith.addf %mul3A_54, %add3A_58 : vector<2048x128xf32>
    %swap3A = arith.constant 0 : index
    %swap3A_60 = arith.constant 0 : index
    %swap3A_61 = vector.load %arg9[%swap3A, %swap3A_60] : memref<2048x128xf32, #tpu.memory_space<vmem>>, vector<2048x128xf32>
    tpu.vector_store %arg9[%swap3A, %swap3A_60], %add3A_59 {strides = array<i32>} : memref<2048x128xf32, #tpu.memory_space<vmem>>, vector<2048x128xf32>,
    return
  }
  func.func @transform_0(%arg0: i32) -> (i32, i32) {
    %c0_i32 = arith.constant 0 : i32
    %c0_i32_0 = arith.constant 0 : i32
    return %arg0, %c0_i32 : i32, i32
  }
  func.func @transform_1(%arg0: i32) -> (i32, i32) {
    %add3A = arith.constant 60 : i32
    %add3A_0 = arith.addi %arg0, %add3A : i32
    %c0_i32 = arith.constant 0 : i32
    %c0_i32_1 = arith.constant 0 : i32
    return %c0_i32, %add3A_0 : i32, i32
  }
  func.func @transform_2(%arg0: i32) -> (i32, i32) {
    %c0_i32 = arith.constant 0 : i32
    %c0_i32_0 = arith.constant 0 : i32
    %c0_i32_1 = arith.constant 0 : i32
    return %c0_i32, %c0_i32_0 : i32, i32
  }
  func.func @transform_3(%arg0: i32) -> (i32, i32) {
    %c0_i32 = arith.constant 0 : i32
    %c0_i32_0 = arith.constant 0 : i32
    %c0_i32_1 = arith.constant 0 : i32
    return %c0_i32, %c0_i32_0 : i32, i32
  }
  func.func @transform_4(%arg0: i32) -> (i32, i32) {
    %c0_i32 = arith.constant 0 : i32
    %c0_i32_0 = arith.constant 0 : i32
    %c0_i32_1 = arith.constant 0 : i32
    return %c0_i32, %c0_i32_0 : i32, i32
  }
  func.func @transform_5(%arg0: i32) -> (i32, i32) {
    %c0_i32 = arith.constant 0 : i32
    %c0_i32_0 = arith.constant 0 : i32
    %c0_i32_1 = arith.constant 0 : i32
    return %c0_i32, %c0_i32_0 : i32, i32
  }
  func.func @transform_6(%arg0: i32) -> (i32, i32) {
    %c0_i32 = arith.constant 0 : i32
    %c0_i32_0 = arith.constant 0 : i32
    %c0_i32_1 = arith.constant 0 : i32
    return %c0_i32, %c0_i32_0 : i32, i32
  }
  func.func @transform_7(%arg0: i32) -> (i32, i32) {
    %c0_i32 = arith.constant 0 : i32
    %c0_i32_0 = arith.constant 0 : i32
    %c0_i32_1 = arith.constant 0 : i32
    return %c0_i32, %c0_i32_0 : i32, i32
  }
  func.func @transform_8(%arg0: i32) -> (i32, i32) {
    %add3A = arith.constant 60 : i32
    %add3A_0 = arith.addi %arg0, %add3A : i32
    %c0_i32 = arith.constant 0 : i32
    %c0_i32_1 = arith.constant 0 : i32
    return %add3A_0, %c0_i32 : i32, i32
  }
}

module attributes {stable_mosaic.version = 14 : i64} {
  func.func @_tc_body_alias(%arg0: i32, %arg1: memref<2048x128xf32, #tpu.memory_space<vmem>>, %arg2: memref<4x2048xf32, #tpu.memory_space<vmem>>, %arg3: memref<4x384xf32, #tpu.memory_space<vmem>>, %arg4: memref<256x128xf32, #tpu.memory_space<vmem>>, %arg5: memref<128x128xf32, #tpu.memory_space<vmem>>, %arg6: memref<128x128xf32, #tpu.memory_space<vmem>>, %arg7: memref<2x128xf32, #tpu.memory_space<vmem>>, %arg8: memref<8x128xf32, #tpu.memory_space<vmem>>, %arg9: memref<2048x128xf32, #tpu.memory_space<vmem>>) attributes {dimension_semantics = [#tpu.dimension_semantics<arbitrary>], iteration_bounds = array<i64: 20>, scalar_prefetch = 0 : i64, scratch_operands = 0 : i64, tpu.core_type = #tpu.core_type<tc>, window_params = [{transform_indices = @transform_0, window_bounds = array<i64: 2048, 128>}, {transform_indices = @transform_1, window_bounds = array<i64: 4, 2048>}, {pipeline_mode = #tpu.pipeline_mode<synchronous>, transform_indices = @transform_2, window_bounds = array<i64: 4, 384>}, {pipeline_mode = #tpu.pipeline_mode<synchronous>, transform_indices = @transform_3, window_bounds = array<i64: 256, 128>}, {pipeline_mode = #tpu.pipeline_mode<synchronous>, transform_indices = @transform_4, window_bounds = array<i64: 128, 128>}, {pipeline_mode = #tpu.pipeline_mode<synchronous>, transform_indices = @transform_5, window_bounds = array<i64: 128, 128>}, {pipeline_mode = #tpu.pipeline_mode<synchronous>, transform_indices = @transform_6, window_bounds = array<i64: 2, 128>}, {transform_indices = @transform_7, window_bounds = array<i64: 8, 128>}, {transform_indices = @transform_8, window_bounds = array<i64: 2048, 128>}]} {
    %get3A = arith.constant 0 : index
    %get3A_0 = arith.constant 0 : index
    %get3A_1 = vector.load %arg2[%get3A, %get3A_0] : memref<4x2048xf32, #tpu.memory_space<vmem>>, vector<4x2048xf32>
    %get3A_2 = arith.constant 0 : index
    %get3A_3 = arith.constant 0 : index
    %get3A_4 = vector.load %arg3[%get3A_2, %get3A_3] : memref<4x384xf32, #tpu.memory_space<vmem>>, vector<4x384xf32>
    %dot_general3A = arith.constant dense<0.000000e+00> : vector<2048x384xf32>
    %dot_general3A_5 = tpu.matmul %get3A_1, %get3A_4, %dot_general3A {dimension_numbers = #tpu.dot_dimension_numbers<[0], [0], [1], [1], [0, 1, 1, 1], [], []>, transpose_lhs_hint = false} : vector<4x2048xf32>, vector<4x384xf32>, vector<2048x384xf32> -> vector<2048x384xf32>
    %slice3A = vector.extract_strided_slice %dot_general3A_5 {offsets = [0, 0], sizes = [2048, 256], strides = [1, 1]} : vector<2048x384xf32> to vector<2048x256xf32>
    %slice3A_6 = vector.extract_strided_slice %dot_general3A_5 {offsets = [0, 256], sizes = [2048, 128], strides = [1, 1]} : vector<2048x384xf32> to vector<2048x128xf32>
    %ge3A = arith.constant 8.000000e+01 : f32
    %ge3A_7 = vector.broadcast %ge3A : f32 to vector<2048x128xf32>
    %ge3A_8 = arith.cmpf oge, %slice3A_6, %ge3A_7 : vector<2048x128xf32>
    %convert_element_type3A = arith.extui %ge3A_8 : vector<2048x128xi1> to vector<2048x128xi32>
    %convert_element_type3A_9 = arith.sitofp %convert_element_type3A : vector<2048x128xi32> to vector<2048x128xf32>
    %mul3A = arith.constant 8.000000e+01 : f32
    %mul3A_10 = vector.broadcast %mul3A : f32 to vector<2048x128xf32>
    %mul3A_11 = arith.mulf %mul3A_10, %convert_element_type3A_9 : vector<2048x128xf32>
    %sub3A = arith.subf %slice3A_6, %mul3A_11 : vector<2048x128xf32>
    %iota3A = tpu.iota {dimensions = array<i32: 1>} : vector<2048x128xi32>
    %convert_element_type3A_12 = arith.sitofp %iota3A : vector<2048x128xi32> to vector<2048x128xf32>
    %eq3A = arith.cmpf oeq, %sub3A, %convert_element_type3A_12 : vector<2048x128xf32>
    %convert_element_type3A_13 = arith.extui %eq3A : vector<2048x128xi1> to vector<2048x128xi32>
    %convert_element_type3A_14 = arith.sitofp %convert_element_type3A_13 : vector<2048x128xi32> to vector<2048x128xf32>
    %logistic3A = arith.negf %slice3A : vector<2048x256xf32>
    %logistic3A_15 = math.exp %logistic3A : vector<2048x256xf32>
    %logistic3A_16 = arith.constant 1.000000e+00 : f32
    %logistic3A_17 = vector.broadcast %logistic3A_16 : f32 to vector<2048x256xf32>
    %logistic3A_18 = arith.addf %logistic3A_17, %logistic3A_15 : vector<2048x256xf32>
    %logistic3A_19 = arith.divf %logistic3A_17, %logistic3A_18 : vector<2048x256xf32>
    %mul3A_20 = arith.mulf %slice3A, %logistic3A_19 : vector<2048x256xf32>
    %get3A_21 = arith.constant 0 : index
    %get3A_22 = arith.constant 0 : index
    %get3A_23 = vector.load %arg1[%get3A_21, %get3A_22] : memref<2048x128xf32, #tpu.memory_space<vmem>>, vector<2048x128xf32>
    %get3A_24 = arith.constant 0 : index
    %get3A_25 = arith.constant 0 : index
    %get3A_26 = vector.load %arg6[%get3A_24, %get3A_25] : memref<128x128xf32, #tpu.memory_space<vmem>>, vector<128x128xf32>
    %dot_general3A_27 = arith.constant dense<0.000000e+00> : vector<2048x128xf32>
    %dot_general3A_28 = tpu.matmul %get3A_23, %get3A_26, %dot_general3A_27 {dimension_numbers = #tpu.dot_dimension_numbers<[1], [0], [0], [1], [0, 0, 1, 1], [], []>, transpose_lhs_hint = false} : vector<2048x128xf32>, vector<128x128xf32>, vector<2048x128xf32> -> vector<2048x128xf32>
    %get3A_29 = arith.constant 0 : index
    %get3A_30 = arith.constant 0 : index
    %get3A_31 = vector.load %arg4[%get3A_29, %get3A_30] : memref<256x128xf32, #tpu.memory_space<vmem>>, vector<256x128xf32>
    %dot_general3A_32 = arith.constant dense<0.000000e+00> : vector<2048x128xf32>
    %dot_general3A_33 = tpu.matmul %mul3A_20, %get3A_31, %dot_general3A_32 {dimension_numbers = #tpu.dot_dimension_numbers<[1], [0], [0], [1], [0, 0, 1, 1], [], []>, transpose_lhs_hint = false} : vector<2048x256xf32>, vector<256x128xf32>, vector<2048x128xf32> -> vector<2048x128xf32>
    %add3A = arith.addf %dot_general3A_28, %dot_general3A_33 : vector<2048x128xf32>
    %get3A_34 = arith.constant 0 : index
    %get3A_35 = arith.constant 0 : index
    %get3A_36 = vector.load %arg5[%get3A_34, %get3A_35] : memref<128x128xf32, #tpu.memory_space<vmem>>, vector<128x128xf32>
    %dot_general3A_37 = arith.constant dense<0.000000e+00> : vector<2048x128xf32>
    %dot_general3A_38 = tpu.matmul %convert_element_type3A_14, %get3A_36, %dot_general3A_37 {dimension_numbers = #tpu.dot_dimension_numbers<[1], [0], [0], [1], [0, 0, 1, 1], [], []>, transpose_lhs_hint = false} : vector<2048x128xf32>, vector<128x128xf32>, vector<2048x128xf32> -> vector<2048x128xf32>
    %add3A_39 = arith.addf %add3A, %dot_general3A_38 : vector<2048x128xf32>
    %mul3A_40 = arith.mulf %add3A_39, %add3A_39 : vector<2048x128xf32>
    %broadcast_in_dim3A = arith.constant 7.812500e-03 : f32
    %broadcast_in_dim3A_41 = vector.broadcast %broadcast_in_dim3A : f32 to vector<128x128xf32>
    %dot_general3A_42 = arith.constant dense<0.000000e+00> : vector<2048x128xf32>
    %dot_general3A_43 = tpu.matmul %mul3A_40, %broadcast_in_dim3A_41, %dot_general3A_42 {dimension_numbers = #tpu.dot_dimension_numbers<[1], [0], [0], [1], [0, 0, 1, 1], [], []>, transpose_lhs_hint = false} : vector<2048x128xf32>, vector<128x128xf32>, vector<2048x128xf32> -> vector<2048x128xf32>
    %mul3A_44 = arith.mulf %convert_element_type3A_9, %dot_general3A_43 : vector<2048x128xf32>
    %add3A_45 = arith.constant 9.99999974E-6 : f32
    %add3A_46 = vector.broadcast %add3A_45 : f32 to vector<2048x128xf32>
    %add3A_47 = arith.addf %mul3A_44, %add3A_46 : vector<2048x128xf32>
    %rsqrt3A = math.rsqrt %add3A_47 : vector<2048x128xf32>
    %mul3A_48 = arith.mulf %convert_element_type3A_9, %rsqrt3A : vector<2048x128xf32>
    %mul3A_49 = arith.mulf %add3A_39, %mul3A_48 : vector<2048x128xf32>
    %get3A_50 = arith.constant 0 : index
    %get3A_51 = arith.constant 0 : index
    %get3A_52 = vector.load %arg7[%get3A_50, %get3A_51] : memref<2x128xf32, #tpu.memory_space<vmem>>, vector<1x128xf32>
    %mul3A_53 = vector.broadcast %get3A_52 : vector<1x128xf32> to vector<2048x128xf32>
    %mul3A_54 = arith.mulf %mul3A_49, %mul3A_53 : vector<2048x128xf32>
    %get3A_55 = arith.constant 1 : index
    %get3A_56 = arith.constant 0 : index
    %get3A_57 = vector.load %arg7[%get3A_55, %get3A_56] : memref<2x128xf32, #tpu.memory_space<vmem>>, vector<1x128xf32>
    %add3A_58 = vector.broadcast %get3A_57 : vector<1x128xf32> to vector<2048x128xf32>
    %add3A_59 = arith.addf %mul3A_54, %add3A_58 : vector<2048x128xf32>
    %swap3A = arith.constant 0 : index
    %swap3A_60 = arith.constant 0 : index
    %swap3A_61 = vector.load %arg9[%swap3A, %swap3A_60] : memref<2048x128xf32, #tpu.memory_space<vmem>>, vector<2048x128xf32>
    tpu.vector_store %arg9[%swap3A, %swap3A_60], %add3A_59 {strides = array<i32>} : memref<2048x128xf32, #tpu.memory_space<vmem>>, vector<2048x128xf32>,
    return
  }
  func.func @transform_0(%arg0: i32) -> (i32, i32) {
    %c0_i32 = arith.constant 0 : i32
    %c0_i32_0 = arith.constant 0 : i32
    return %arg0, %c0_i32 : i32, i32
  }
  func.func @transform_1(%arg0: i32) -> (i32, i32) {
    %add3A = arith.constant 80 : i32
    %add3A_0 = arith.addi %arg0, %add3A : i32
    %c0_i32 = arith.constant 0 : i32
    %c0_i32_1 = arith.constant 0 : i32
    return %c0_i32, %add3A_0 : i32, i32
  }
  func.func @transform_2(%arg0: i32) -> (i32, i32) {
    %c0_i32 = arith.constant 0 : i32
    %c0_i32_0 = arith.constant 0 : i32
    %c0_i32_1 = arith.constant 0 : i32
    return %c0_i32, %c0_i32_0 : i32, i32
  }
  func.func @transform_3(%arg0: i32) -> (i32, i32) {
    %c0_i32 = arith.constant 0 : i32
    %c0_i32_0 = arith.constant 0 : i32
    %c0_i32_1 = arith.constant 0 : i32
    return %c0_i32, %c0_i32_0 : i32, i32
  }
  func.func @transform_4(%arg0: i32) -> (i32, i32) {
    %c0_i32 = arith.constant 0 : i32
    %c0_i32_0 = arith.constant 0 : i32
    %c0_i32_1 = arith.constant 0 : i32
    return %c0_i32, %c0_i32_0 : i32, i32
  }
  func.func @transform_5(%arg0: i32) -> (i32, i32) {
    %c0_i32 = arith.constant 0 : i32
    %c0_i32_0 = arith.constant 0 : i32
    %c0_i32_1 = arith.constant 0 : i32
    return %c0_i32, %c0_i32_0 : i32, i32
  }
  func.func @transform_6(%arg0: i32) -> (i32, i32) {
    %c0_i32 = arith.constant 0 : i32
    %c0_i32_0 = arith.constant 0 : i32
    %c0_i32_1 = arith.constant 0 : i32
    return %c0_i32, %c0_i32_0 : i32, i32
  }
  func.func @transform_7(%arg0: i32) -> (i32, i32) {
    %c0_i32 = arith.constant 0 : i32
    %c0_i32_0 = arith.constant 0 : i32
    %c0_i32_1 = arith.constant 0 : i32
    return %c0_i32, %c0_i32_0 : i32, i32
  }
  func.func @transform_8(%arg0: i32) -> (i32, i32) {
    %add3A = arith.constant 80 : i32
    %add3A_0 = arith.addi %arg0, %add3A : i32
    %c0_i32 = arith.constant 0 : i32
    %c0_i32_1 = arith.constant 0 : i32
    return %add3A_0, %c0_i32 : i32, i32
  }
}

</mosaic_0001>

<sc_bundles>
// kernel: kernel.12.cloned.1.call-start
scs
__scs_entry_jumppad:
0x0: {  	(pc) =	sbr.rel $0x88, $3  }
0x1: {  	(tag) =	ssettag $0x0;
	lr =	simm.s32 $0x1  }
0x2: {  	[smem:$0x3F8C] =	sst lr;
	_ =	strace $0xD0000000  }
0x3: {  	_ = 	snop  }
0x4: {  	_ = 	snop  }
0x5: {  	_ = 	snop  }
0x6: {  	_ = 	snop  }
0x7: {  	_ = 	snop  }
__scs_overlays_trampoline_lowered:
0x8: {  	[smem:$0x3F9B] =	sst s0  }
0x9: {  	[smem:$0x3F9C] =	sst s1  }
0xa: {  	[smem:$0x3F9D] =	sst s2  }
0xb: {  	[smem:$0x3F9E] =	sst s3  }
0xc: {  	[smem:$0x3F9F] =	sst s4  }
0xd: {  	[smem:$0x3FA0] =	sst s5  }
0xe: {  	[smem:$0x3FA1] =	sst s6  }
0xf: {  	[smem:$0x3FA2] =	sst s7  }
0x10: {  	[smem:$0x3FA3] =	sst s8  }
0x11: {  	[smem:$0x3FA4] =	sst s9;
	s0 =	simm.s32 @!p0 $0x0  }
0x12: {  	s1 =	sld [smem:$0x3F8A];
	s0 =	simm.s32 @p0 $0x1  }
0x13: {  	[smem:$0x3FA5] =	sst s0;
	s0 =	simm.s32 @!p1 $0x0  }
0x14: {  	s2 =	sld [smem:$0x3F89];
	s0 =	simm.s32 @p1 $0x1  }
0x15: {  	[smem:$0x3FA6] =	sst s0;
	s0 =	simm.s32 @!p2 $0x0  }
0x16: {  	s3 =	sld [smem:$0x3FDB];
	s0 =	simm.s32 @p2 $0x1  }
0x17: {  	s4 =	simm.s32 $0x1BF5;
	[smem:$0x3FA8] =	sst s0  }
0x18: {  	s0 =	sld [smem:$0x3F8B];
	_ =	swait.ge [sflag:s4], $0x0  }
0x19: {  	s7 =	sld [smem:$0x3F8C]  }
0x1a: {  	s8 =	sadd.s32 $0xFFFFE003, lr  }
0x1b: {  	s9 =	sadd.s32 $0xFFFFFEF7, lr;
	s5 =	simm.s32 $0xFFFFFFFF;
	p2 =	slt.u32 s8, $0xFFFFF086  }
0x1c: {  	p1 =	slt.u32 s9, $0xF7A;
	s5 =	simm.s32 @!p2 $0x0  }
0x1d: {  	s5 =	simm.s32 @p1 $0x1;
	p0 =	seq.s32 s7, s2  }
0x1e: {  	s7 =	smul.u32 @!p0 $0xF7A, s2;
	p2 =	seq.s32 @!p0 s5, $0x0  }
0x1f: {  	s9 =	smul.u32 $0xF7A, s1;
	s8 =	simm.s32 @!p0 $0x1BF5;
	p2 =	por !p2, p0  }
0x20: {  	[sflag:s8] =	ssyncset.s32 @!p0 $0xFFFFF086;
	s6 =	sadd.s32 @!p0 s3, s7;
	s7 =	simm.s32 @!p0 $0x108  }
0x21: {  	s3 =	sadd.s32 s3, s9;
	s6 =	sadd.s32 @!p0 $0x88, s6;
	s7 =	simm.s32 @p2 $0x1082  }
0x22: {  	[simem:s7], [sflag:s8] =	dma.local @!p0 [hbm:s6], $0xF7A  }
0x23: {  	s9 =	sor.u32 $0xD0000000, s2;
	s6 =	simm.s32 $0x108;
	_ =	swait.ge @!p0 [sflag:s8], $0x0  }
0x24: {  	s3 =	sadd.s32 $0x88, s3;
	s6 =	simm.s32 @!p1 $0x1082;
	[sflag:s4] =	ssyncset.s32 $0xFFFFF086  }
0x25: {  	[simem:s6], [sflag:s4] =	dma.local [hbm:s3], $0xF7A  }
0x26: {  	[smem:$0x3F8C] =	sst s1;
	(tag) =	ssettag s2;
	_ =	strace s9  }
0x27: {  	s1 =	sld [smem:$0x3F9C]  }
0x28: {  	s2 =	sld [smem:$0x3F9D]  }
0x29: {  	s4 =	sld [smem:$0x3F9F]  }
0x2a: {  	p0 =	seq.s32 s5, $0x0;
	s5 =	sld [smem:$0x3FA0]  }
0x2b: {  	s6 =	sld [smem:$0x3FA1]  }
0x2c: {  	s7 =	sld [smem:$0x3FA2]  }
0x2d: {  	s3 =	simm.s32 $0x108;
	s8 =	sld [smem:$0x3FA3]  }
0x2e: {  	s3 =	simm.s32 @!p0 $0x1082;
	s9 =	sld [smem:$0x3FA4]  }
0x2f: {  	lr =	sadd.s32 s0, s3;
	s0 =	sld [smem:$0x3F9B]  }
0x30: {  	s3 =	sld [smem:$0x3F9E]  }
0x31: {  	[smem:$0x3FA7] =	sst s10  }
0x32: {  	s10 =	sld [smem:$0x3FA5];
	_ =	sdelay $0x3  }
0x33: {  	p0 =	seq.s32 s10, $0x1;
	s10 =	sld [smem:$0x3FA7];
	_ =	sdelay $0x3  }
0x34: {  	[smem:$0x3FA7] =	sst s10  }
0x35: {  	s10 =	sld [smem:$0x3FA6];
	_ =	sdelay $0x3  }
0x36: {  	p1 =	seq.s32 s10, $0x1;
	s10 =	sld [smem:$0x3FA7];
	_ =	sdelay $0x3  }
0x37: {  	[smem:$0x3FA7] =	sst s10  }
0x38: {  	s10 =	sld [smem:$0x3FA8]  }
0x39: {  	_ = 	snop;
	(pc) =	sbr.ind lr, $3  }
0x3a: {  	_ = 	snop  }
0x3b: {  	_ = 	snop  }
0x3c: {  	p2 =	seq.s32 s10, $0x1;
	s10 =	sld [smem:$0x3FA7]  }
0x3d: {  	_ =	shalt  }
0x3e: {  	_ =	shalt  }
0x3f: {  	_ =	shalt  }
0x40: {  	_ =	shalt  }
0x41: {  	_ =	shalt  }
0x42: {  	_ =	shalt  }
0x43: {  	_ =	shalt  }
0x44: {  	_ =	shalt  }
0x45: {  	_ =	shalt  }
0x46: {  	_ =	shalt  }
0x47: {  	_ =	shalt  }
0x48: {  	_ =	shalt  }
0x49: {  	_ =	shalt  }
0x4a: {  	_ =	shalt  }
0x4b: {  	_ =	shalt  }
0x4c: {  	_ =	shalt  }
0x4d: {  	_ =	shalt  }
0x4e: {  	_ =	shalt  }
0x4f: {  	_ =	shalt  }
0x50: {  	_ =	shalt  }
0x51: {  	_ =	shalt  }
0x52: {  	_ =	shalt  }
0x53: {  	_ =	shalt  }
0x54: {  	_ =	shalt  }
0x55: {  	_ =	shalt  }
0x56: {  	_ =	shalt  }
0x57: {  	_ =	shalt  }
0x58: {  	_ =	shalt  }
0x59: {  	_ =	shalt  }
0x5a: {  	_ =	shalt  }
0x5b: {  	_ =	shalt  }
0x5c: {  	_ =	shalt  }
0x5d: {  	_ =	shalt  }
0x5e: {  	_ =	shalt  }
0x5f: {  	_ =	shalt  }
0x60: {  	_ =	shalt  }
0x61: {  	_ =	shalt  }
0x62: {  	_ =	shalt  }
0x63: {  	_ =	shalt  }
0x64: {  	_ =	shalt  }
0x65: {  	_ =	shalt  }
0x66: {  	_ =	shalt  }
0x67: {  	_ =	shalt  }
0x68: {  	_ =	shalt  }
0x69: {  	_ =	shalt  }
0x6a: {  	_ =	shalt  }
0x6b: {  	_ =	shalt  }
0x6c: {  	_ =	shalt  }
0x6d: {  	_ =	shalt  }
0x6e: {  	_ =	shalt  }
0x6f: {  	_ =	shalt  }
0x70: {  	_ =	shalt  }
0x71: {  	_ =	shalt  }
0x72: {  	_ =	shalt  }
0x73: {  	_ =	shalt  }
0x74: {  	_ =	shalt  }
0x75: {  	_ =	shalt  }
0x76: {  	_ =	shalt  }
0x77: {  	_ =	shalt  }
0x78: {  	_ =	shalt  }
0x79: {  	_ =	shalt  }
0x7a: {  	_ =	shalt  }
0x7b: {  	_ =	shalt  }
0x7c: {  	_ =	shalt  }
0x7d: {  	_ =	shalt  }
0x7e: {  	_ =	shalt  }
0x7f: {  	_ =	shalt  }
0x80: {  	_ =	shalt  }
0x81: {  	_ =	shalt  }
0x82: {  	_ =	shalt  }
0x83: {  	_ =	shalt  }
0x84: {  	_ =	shalt  }
0x85: {  	_ =	shalt  }
0x86: {  	_ =	shalt  }
0x87: {  	_ =	shalt  }
.Lfunc_end0:
.L_simem_size_0:
called_computation_lowered:
.L_overlay_start_0:
0x88: {  	s2 =	sld [smem:$0x3FD9]  }
0x89: {  	s3 =	sld [smem:$0x3FFE];
	_ =	sdelay $0x1  }
0x8a: {  	s1 =	srdreg.scid  }
0x8b: {  	s0 =	sand.u32 $0x1, s1  }
0x8c: {  	s17 =	sshll.u32 s0, $0xA;
	s2 =	sadd.s32 s3, s2  }
0x8d: {  	s2 =	sadd.s32 s2, s17  }
0x8e: {  	[smem:$0x3FB3] =	sst s2  }
0x8f: {  	_ = 	snop  }
0x90: {  	s2 =	sld [smem:$0x3FC2]  }
0x91: {  	s18 =	sld [smem:$0x3FD0];
	(tm) =	ssettm $0x1  }
0x92: {  	s4 =	sld [smem:$0x3FFB];
	_ =	sdelay $0x3  }
0x93: {  	_ =	strace s4  }
0x94: {  	s4 =	sld [smem:$0x3FFC];
	_ =	sdelay $0x3  }
0x95: {  	_ =	strace s4  }
0x96: {  	s4 =	sld [smem:$0x3FFD];
	_ =	sdelay $0x3  }
0x97: {  	_ =	strace s4  }
0x98: {  	_ =	strace $0x8FFFFFFF  }
0x99: {  	s19 =	sld [smem:$0x3FDB];
	_ =	sdelay $0x1  }
0x9a: {  	s5 =	simm.s32 $_scs_section_size  }
0x9b: {  	s6 =	simm.s32 $_size__tile_overlayer_lowered;
	s7 =	simm.s32 $_tile_overlayer_lowered  }
0x9c: {  	s22 =	simm.s32 $0x1BFF;
	s21 =	sshll.u32 s7, $0x1;
	s4 =	sadd.s32 s5, s19  }
0x9d: {  	s8 =	simm.s32 $0x0;
	s20 =	sshll.u32 s6, $0x1;
	s6 =	sadd.s32 s21, s4  }
0x9e: {  	[timem:s8], [sflag:s22] =	dma.local [hbm:s6], s20  }
0x9f: {  	_ =	swait.ge [sflag:s22], s20  }
0xa0: {  	s5 =	ssub.s32 $0x0, s20;
	[sflag:s22] =	ssyncset.done $0x0  }
0xa1: {  	[sflag:s22] =	ssyncadd.s32 s5;
	_ =	sdelay $0x1  }
0xa2: {  	s23 =	simm.s32 $0x1B8B  }
0xa3: {  	_ =	swait.ge [sflag:s23], $0x1  }
0xa4: {  	[sflag:s23] =	ssyncset.done $0x0  }
0xa5: {  	s25 =	simm.s32 $0x1B8E;
	s24 =	sld [smem:$0x3FFE];
	[sflag:s23] =	ssyncadd.s32 $0xFFFFFFFF  }
0xa6: {  	s26 =	simm.s32 $execute0_lowered;
	[smem:$0x3FD2] =	sst s25  }
0xa7: {  	s6 =	sshll.u32 s26, $0x1;
	_ =	strace $0x80000046;
	[dreg:$0x1] =	wrdreg $0xFFFFFFFF  }
0xa8: {  	s28 =	simm.s32 $_size_execute0_lowered;
	s4 =	sadd.s32 s4, s6;
	[dreg:$0x0] =	wrdreg $0x0  }
0xa9: {  	s6 =	sshll.u32 s28, $0x1;
	[dreg:$0x2] =	wrdreg s4  }
0xaa: {  	[dreg:$0x3] =	wrdreg s6  }
0xab: {  	[dreg:$0x4] =	wrdreg $0xC0  }
0xac: {  	_ =	task [dreg:s8], $0x5FFFF  }
0xad: {  	[dreg:$0x1] =	wrdreg $0xFFFFFFFF  }
0xae: {  	[dreg:$0x0] =	wrdreg $0x60  }
0xaf: {  	[dreg:$0x2] =	wrdreg s18  }
0xb0: {  	[dreg:$0x3] =	wrdreg s2  }
0xb1: {  	[dreg:$0x4] =	wrdreg s24  }
0xb2: {  	[dreg:$0x5] =	wrdreg $0x9  }
0xb3: {  	_ =	task.clear_ibuf [dreg:s8], $0x6FFFF;
	_ =	strace $0x90000046  }
0xb4: {  	s29 =	simm.s32 $0x9;
	_ =	strace $0x80000048  }
0xb5: {  	_ =	swait.ge [sflag:s29], $0x1  }
0xb6: {  	[sflag:s29] =	ssyncadd.s32 $0xFFFFFFFF  }
0xb7: {  	_ =	strace $0x90000048  }
0xb8: {  	_ =	sfence  }
0xb9: {  	s30 =	sld [smem:$0x0];
	_ =	sdelay $0x2  }
0xba: {  	s31 =	sshll.u32 s1, $0xD;
	s1 =	sshrl.u32 s1, $0x2  }
0xbb: {  	s3 =	sand.u32 $0x4000, s31;
	s1 =	sadd.s32 s1, s30  }
0xbc: {  	s0 =	sor.u32 s3, s0;
	s1 =	sshll.u32 s1, $0x11  }
0xbd: {  	s0 =	sor.u32 s1, s0  }
0xbe: {  	s0 =	sadd.s32 $0x8F2B, s0  }
0xbf: {  	[sflag:s0] =	ssyncadd.remote.s32 $0x1  }
0xc0: {  	_ =	sfence.sel $0xFFFF  }
0xc1: {  	[dreg:$0x0] =	wrdreg $0xFFFFFFFF;
	(pc) =	sbr.abs _section_cstart, $3  }
0xc2: {  	[dreg:$0x1] =	wrdreg $0xFFFFFFFF  }
0xc3: {  	_ =	task.clear_ibuf [dreg:s8], $0x2FFFF;
	_ =	strace $0x9FFFFFFF  }
0xc4: {  	(tm) =	ssettm $0x7FFFFFFF  }
0xc5: {  	_ =	shalt  }
tec
execute0_lowered:
.L_overlay_start_1:
0x0: {  	(tag) =	ssettag $0x1  }
0x1: {  	s4 =	rddreg [dreg:$0x0]  }
0x2: {  	s2 =	rddreg [dreg:$0x1]  }
0x3: {  	s1 =	srdreg.scid;
	s0 =	stileid.u32  }
0x4: {  	s9 =	rddreg [dreg:$0x2];
	s25 =	sand.u32 $0x1, s1;
	s5 =	sshll.u32 s0, $0x1  }
0x5: {  	s3 =	simm.s32 $0x0;
	s1 =	rddreg [dreg:$0x3];
	s6 =	sor.u32 s25, s5  }
0x6: {  	[smem:$0x7FF] =	sst s3;
	s5 =	sshll.u32 s6, $0x8  }
0x7: {  	_ =	strace $0x80000047;
	s5 =	sadd.s32 s4, s5;
	s4 =	simm.s32 $0x2  }
0x8: {  	[tilespmem:s3], [sflag:$0x2] =	stream.linear.gather [hbm4b:s5+s3], $0x500, $0x38;
	[tilespmem:$0x4800] =	vst v63  }
0x9: {  	_ =	swait.ge [sflag:s4], $0x500  }
0xa: {  	s7 =	simm.s32 $0x800;
	s8 =	simm.s32 $0x1;
	[sflag:s4] =	ssyncset.done $0x0  }
0xb: {  	s10 =	smul.u32 $0x5000, s6;
	s6 =	simm.s32 $0x80;
	[sflag:s4] =	ssyncadd.s32 $0xFFFFFB00  }
0xc: {  	[tilespmem:s7], [sflag:$0x1] =	stream.indirect.gather [hbm4b:s2+s6], $0x80, s3, s6, $0xb8;
	[tilespmem:$0x4800] =	vst v63  }
0xd: {  	_ =	swait.ge [sflag:s8], $0x4000  }
0xe: {  	s26 =	sadd.s32 s10, s9;
	[sflag:s8] =	ssyncset.done $0x0  }
0xf: {  	s9 =	sadd.s32 $0xBC00, s26;
	[sflag:s8] =	ssyncadd.s32 $0xFFFFC000  }
0x10: {  	[hbm4b:s9+s3] =	stream.linear.scatter [tilespmem:s7], [sflag:$0x2], $0x4000, $0x38;
	[tilespmem:$0x4800] =	vst v63  }
0x11: {  	_ =	swait.ge [sflag:s4], $0x4000  }
0x12: {  	[sflag:s4] =	ssyncset.done $0x0  }
0x13: {  	[sflag:s4] =	ssyncadd.s32 $0xFFFFC000  }
0x14: {  	[tilespmem:s7], [sflag:$0x1] =	stream.indirect.gather [hbm4b:s2+s6], $0x80, s6, s6, $0xb8;
	[tilespmem:$0x4800] =	vst v63  }
0x15: {  	_ =	swait.ge [sflag:s8], $0x4000  }
0x16: {  	[sflag:s8] =	ssyncset.done $0x0  }
0x17: {  	s10 =	sadd.s32 $0xC400, s26;
	[sflag:s8] =	ssyncadd.s32 $0xFFFFC000  }
0x18: {  	[hbm4b:s10+s3] =	stream.linear.scatter [tilespmem:s7], [sflag:$0x2], $0x4000, $0x38;
	[tilespmem:$0x4800] =	vst v63  }
0x19: {  	_ =	swait.ge [sflag:s4], $0x4000  }
0x1a: {  	[sflag:s4] =	ssyncset.done $0x0  }
0x1b: {  	s11 =	simm.s32 $0x100;
	[sflag:s4] =	ssyncadd.s32 $0xFFFFC000  }
0x1c: {  	[tilespmem:s7], [sflag:$0x1] =	stream.indirect.gather [hbm4b:s2+s6], $0x80, s11, s6, $0xb8;
	[tilespmem:$0x4800] =	vst v63  }
0x1d: {  	_ =	swait.ge [sflag:s8], $0x4000  }
0x1e: {  	[sflag:s8] =	ssyncset.done $0x0  }
0x1f: {  	s12 =	sadd.s32 $0xCC00, s26;
	[sflag:s8] =	ssyncadd.s32 $0xFFFFC000  }
0x20: {  	[hbm4b:s12+s3] =	stream.linear.scatter [tilespmem:s7], [sflag:$0x2], $0x4000, $0x38;
	[tilespmem:$0x4800] =	vst v63  }
0x21: {  	_ =	swait.ge [sflag:s4], $0x4000  }
0x22: {  	[sflag:s4] =	ssyncset.done $0x0  }
0x23: {  	s13 =	simm.s32 $0x180;
	[sflag:s4] =	ssyncadd.s32 $0xFFFFC000  }
0x24: {  	[tilespmem:s7], [sflag:$0x1] =	stream.indirect.gather [hbm4b:s2+s6], $0x80, s13, s6, $0xb8;
	[tilespmem:$0x4800] =	vst v63  }
0x25: {  	_ =	swait.ge [sflag:s8], $0x4000  }
0x26: {  	[sflag:s8] =	ssyncset.done $0x0  }
0x27: {  	s14 =	sadd.s32 $0xD400, s26;
	[sflag:s8] =	ssyncadd.s32 $0xFFFFC000  }
0x28: {  	[hbm4b:s14+s3] =	stream.linear.scatter [tilespmem:s7], [sflag:$0x2], $0x4000, $0x38;
	[tilespmem:$0x4800] =	vst v63  }
0x29: {  	_ =	swait.ge [sflag:s4], $0x4000  }
0x2a: {  	[sflag:s4] =	ssyncset.done $0x0  }
0x2b: {  	s15 =	simm.s32 $0x200;
	[sflag:s4] =	ssyncadd.s32 $0xFFFFC000  }
0x2c: {  	[tilespmem:s7], [sflag:$0x1] =	stream.indirect.gather [hbm4b:s2+s6], $0x80, s15, s6, $0xb8;
	[tilespmem:$0x4800] =	vst v63  }
0x2d: {  	_ =	swait.ge [sflag:s8], $0x4000  }
0x2e: {  	[sflag:s8] =	ssyncset.done $0x0  }
0x2f: {  	s16 =	sadd.s32 $0xDC00, s26;
	[sflag:s8] =	ssyncadd.s32 $0xFFFFC000  }
0x30: {  	[hbm4b:s16+s3] =	stream.linear.scatter [tilespmem:s7], [sflag:$0x2], $0x4000, $0x38;
	[tilespmem:$0x4800] =	vst v63  }
0x31: {  	_ =	swait.ge [sflag:s4], $0x4000  }
0x32: {  	[sflag:s4] =	ssyncset.done $0x0  }
0x33: {  	s17 =	simm.s32 $0x280;
	[sflag:s4] =	ssyncadd.s32 $0xFFFFC000  }
0x34: {  	[tilespmem:s7], [sflag:$0x1] =	stream.indirect.gather [hbm4b:s2+s6], $0x80, s17, s6, $0xb8;
	[tilespmem:$0x4800] =	vst v63  }
0x35: {  	_ =	swait.ge [sflag:s8], $0x4000  }
0x36: {  	[sflag:s8] =	ssyncset.done $0x0  }
0x37: {  	s18 =	sadd.s32 $0xE400, s26;
	[sflag:s8] =	ssyncadd.s32 $0xFFFFC000  }
0x38: {  	[hbm4b:s18+s3] =	stream.linear.scatter [tilespmem:s7], [sflag:$0x2], $0x4000, $0x38;
	[tilespmem:$0x4800] =	vst v63  }
0x39: {  	_ =	swait.ge [sflag:s4], $0x4000  }
0x3a: {  	[sflag:s4] =	ssyncset.done $0x0  }
0x3b: {  	s19 =	simm.s32 $0x300;
	[sflag:s4] =	ssyncadd.s32 $0xFFFFC000  }
0x3c: {  	[tilespmem:s7], [sflag:$0x1] =	stream.indirect.gather [hbm4b:s2+s6], $0x80, s19, s6, $0xb8;
	[tilespmem:$0x4800] =	vst v63  }
0x3d: {  	_ =	swait.ge [sflag:s8], $0x4000  }
0x3e: {  	[sflag:s8] =	ssyncset.done $0x0  }
0x3f: {  	s20 =	sadd.s32 $0xEC00, s26;
	[sflag:s8] =	ssyncadd.s32 $0xFFFFC000  }
0x40: {  	[hbm4b:s20+s3] =	stream.linear.scatter [tilespmem:s7], [sflag:$0x2], $0x4000, $0x38;
	[tilespmem:$0x4800] =	vst v63  }
0x41: {  	_ =	swait.ge [sflag:s4], $0x4000  }
0x42: {  	[sflag:s4] =	ssyncset.done $0x0  }
0x43: {  	s21 =	simm.s32 $0x380;
	[sflag:s4] =	ssyncadd.s32 $0xFFFFC000  }
0x44: {  	[tilespmem:s7], [sflag:$0x1] =	stream.indirect.gather [hbm4b:s2+s6], $0x80, s21, s6, $0xb8;
	[tilespmem:$0x4800] =	vst v63  }
0x45: {  	_ =	swait.ge [sflag:s8], $0x4000  }
0x46: {  	[sflag:s8] =	ssyncset.done $0x0  }
0x47: {  	s22 =	sadd.s32 $0xF400, s26;
	[sflag:s8] =	ssyncadd.s32 $0xFFFFC000  }
0x48: {  	[hbm4b:s22+s3] =	stream.linear.scatter [tilespmem:s7], [sflag:$0x2], $0x4000, $0x38;
	[tilespmem:$0x4800] =	vst v63  }
0x49: {  	_ =	swait.ge [sflag:s4], $0x4000  }
0x4a: {  	[sflag:s4] =	ssyncset.done $0x0  }
0x4b: {  	s23 =	simm.s32 $0x400;
	[sflag:s4] =	ssyncadd.s32 $0xFFFFC000  }
0x4c: {  	[tilespmem:s7], [sflag:$0x1] =	stream.indirect.gather [hbm4b:s2+s6], $0x80, s23, s6, $0xb8;
	[tilespmem:$0x4800] =	vst v63  }
0x4d: {  	_ =	swait.ge [sflag:s8], $0x4000  }
0x4e: {  	[sflag:s8] =	ssyncset.done $0x0  }
0x4f: {  	s28 =	ssub.s32 $0x2, s25;
	s24 =	sadd.s32 $0xFC00, s26;
	[sflag:s8] =	ssyncadd.s32 $0xFFFFC000  }
0x50: {  	[hbm4b:s24+s3] =	stream.linear.scatter [tilespmem:s7], [sflag:$0x2], $0x4000, $0x38;
	[tilespmem:$0x4800] =	vst v63  }
0x51: {  	s29 =	sshrl.u32 s28, $0x1;
	_ =	swait.ge [sflag:s4], $0x4000  }
0x52: {  	s28 =	ssub.s32 s28, s29;
	[sflag:s4] =	ssyncset.done $0x0  }
0x53: {  	s25 =	simm.s32 $0x480;
	s28 =	smax.u32 s28, $0x1;
	[sflag:s4] =	ssyncadd.s32 $0xFFFFC000  }
0x54: {  	[tilespmem:s7], [sflag:$0x1] =	stream.indirect.gather [hbm4b:s2+s6], $0x80, s25, s6, $0xb8;
	[tilespmem:$0x4800] =	vst v63  }
0x55: {  	p0 =	sne.s32 s28, $0x1;
	_ =	swait.ge [sflag:s8], $0x4000  }
.Ltmp0:
0x56: {  	[sflag:s8] =	ssyncset.done $0x0;
	(pc) =	sbr.rel @!p0 .LBB2_2-.Ltmp0, $4  }
0x57: {  	s26 =	sadd.s32 $0x10400, s26;
	[sflag:s8] =	ssyncadd.s32 $0xFFFFC000  }
0x58: {  	[hbm4b:s26+s3] =	stream.linear.scatter [tilespmem:s7], [sflag:$0x2], $0x4000, $0x38;
	[tilespmem:$0x4800] =	vst v63  }
0x59: {  	_ =	swait.ge [sflag:s4], $0x4000  }
0x5a: {  	s28 =	sadd.s32 $0xFFFFFFFF, s28;
	[sflag:s4] =	ssyncset.done $0x0  }
.LBB2_1:
0x5b: {  	p0 =	sne.s32 s28, $0x1;
	s28 =	sadd.s32 $0xFFFFFFFF, s28;
	[sflag:s4] =	ssyncadd.s32 $0xFFFFC000  }
0x5c: {  	[tilespmem:s3], [sflag:$0x2] =	stream.linear.gather [hbm4b:s5+s3], $0x500, $0x38;
	[tilespmem:$0x4800] =	vst v63  }
0x5d: {  	_ =	swait.ge [sflag:s4], $0x500  }
0x5e: {  	[sflag:s4] =	ssyncset.done $0x0  }
0x5f: {  	[sflag:s4] =	ssyncadd.s32 $0xFFFFFB00  }
0x60: {  	[tilespmem:s7], [sflag:$0x1] =	stream.indirect.gather [hbm4b:s2+s6], $0x80, s3, s6, $0xb8;
	[tilespmem:$0x4800] =	vst v63  }
0x61: {  	_ =	swait.ge [sflag:s8], $0x4000  }
0x62: {  	[sflag:s8] =	ssyncset.done $0x0  }
0x63: {  	[sflag:s8] =	ssyncadd.s32 $0xFFFFC000  }
0x64: {  	[hbm4b:s9+s3] =	stream.linear.scatter [tilespmem:s7], [sflag:$0x2], $0x4000, $0x38;
	[tilespmem:$0x4800] =	vst v63  }
0x65: {  	_ =	swait.ge [sflag:s4], $0x4000  }
0x66: {  	[sflag:s4] =	ssyncset.done $0x0  }
0x67: {  	[sflag:s4] =	ssyncadd.s32 $0xFFFFC000  }
0x68: {  	[tilespmem:s7], [sflag:$0x1] =	stream.indirect.gather [hbm4b:s2+s6], $0x80, s6, s6, $0xb8;
	[tilespmem:$0x4800] =	vst v63  }
0x69: {  	_ =	swait.ge [sflag:s8], $0x4000  }
0x6a: {  	[sflag:s8] =	ssyncset.done $0x0  }
0x6b: {  	[sflag:s8] =	ssyncadd.s32 $0xFFFFC000  }
0x6c: {  	[hbm4b:s10+s3] =	stream.linear.scatter [tilespmem:s7], [sflag:$0x2], $0x4000, $0x38;
	[tilespmem:$0x4800] =	vst v63  }
0x6d: {  	_ =	swait.ge [sflag:s4], $0x4000  }
0x6e: {  	[sflag:s4] =	ssyncset.done $0x0  }
0x6f: {  	[sflag:s4] =	ssyncadd.s32 $0xFFFFC000  }
0x70: {  	[tilespmem:s7], [sflag:$0x1] =	stream.indirect.gather [hbm4b:s2+s6], $0x80, s11, s6, $0xb8;
	[tilespmem:$0x4800] =	vst v63  }
0x71: {  	_ =	swait.ge [sflag:s8], $0x4000  }
0x72: {  	[sflag:s8] =	ssyncset.done $0x0  }
0x73: {  	[sflag:s8] =	ssyncadd.s32 $0xFFFFC000  }
0x74: {  	[hbm4b:s12+s3] =	stream.linear.scatter [tilespmem:s7], [sflag:$0x2], $0x4000, $0x38;
	[tilespmem:$0x4800] =	vst v63  }
0x75: {  	_ =	swait.ge [sflag:s4], $0x4000  }
0x76: {  	[sflag:s4] =	ssyncset.done $0x0  }
0x77: {  	[sflag:s4] =	ssyncadd.s32 $0xFFFFC000  }
0x78: {  	[tilespmem:s7], [sflag:$0x1] =	stream.indirect.gather [hbm4b:s2+s6], $0x80, s13, s6, $0xb8;
	[tilespmem:$0x4800] =	vst v63  }
0x79: {  	_ =	swait.ge [sflag:s8], $0x4000  }
0x7a: {  	[sflag:s8] =	ssyncset.done $0x0  }
0x7b: {  	[sflag:s8] =	ssyncadd.s32 $0xFFFFC000  }
0x7c: {  	[hbm4b:s14+s3] =	stream.linear.scatter [tilespmem:s7], [sflag:$0x2], $0x4000, $0x38;
	[tilespmem:$0x4800] =	vst v63  }
0x7d: {  	_ =	swait.ge [sflag:s4], $0x4000  }
0x7e: {  	[sflag:s4] =	ssyncset.done $0x0  }
0x7f: {  	[sflag:s4] =	ssyncadd.s32 $0xFFFFC000  }
0x80: {  	[tilespmem:s7], [sflag:$0x1] =	stream.indirect.gather [hbm4b:s2+s6], $0x80, s15, s6, $0xb8;
	[tilespmem:$0x4800] =	vst v63  }
0x81: {  	_ =	swait.ge [sflag:s8], $0x4000  }
0x82: {  	[sflag:s8] =	ssyncset.done $0x0  }
0x83: {  	[sflag:s8] =	ssyncadd.s32 $0xFFFFC000  }
0x84: {  	[hbm4b:s16+s3] =	stream.linear.scatter [tilespmem:s7], [sflag:$0x2], $0x4000, $0x38;
	[tilespmem:$0x4800] =	vst v63  }
0x85: {  	_ =	swait.ge [sflag:s4], $0x4000  }
0x86: {  	[sflag:s4] =	ssyncset.done $0x0  }
0x87: {  	[sflag:s4] =	ssyncadd.s32 $0xFFFFC000  }
0x88: {  	[tilespmem:s7], [sflag:$0x1] =	stream.indirect.gather [hbm4b:s2+s6], $0x80, s17, s6, $0xb8;
	[tilespmem:$0x4800] =	vst v63  }
0x89: {  	_ =	swait.ge [sflag:s8], $0x4000  }
0x8a: {  	[sflag:s8] =	ssyncset.done $0x0  }
0x8b: {  	[sflag:s8] =	ssyncadd.s32 $0xFFFFC000  }
0x8c: {  	[hbm4b:s18+s3] =	stream.linear.scatter [tilespmem:s7], [sflag:$0x2], $0x4000, $0x38;
	[tilespmem:$0x4800] =	vst v63  }
0x8d: {  	_ =	swait.ge [sflag:s4], $0x4000  }
0x8e: {  	[sflag:s4] =	ssyncset.done $0x0  }
0x8f: {  	[sflag:s4] =	ssyncadd.s32 $0xFFFFC000  }
0x90: {  	[tilespmem:s7], [sflag:$0x1] =	stream.indirect.gather [hbm4b:s2+s6], $0x80, s19, s6, $0xb8;
	[tilespmem:$0x4800] =	vst v63  }
0x91: {  	_ =	swait.ge [sflag:s8], $0x4000  }
0x92: {  	[sflag:s8] =	ssyncset.done $0x0  }
0x93: {  	[sflag:s8] =	ssyncadd.s32 $0xFFFFC000  }
0x94: {  	[hbm4b:s20+s3] =	stream.linear.scatter [tilespmem:s7], [sflag:$0x2], $0x4000, $0x38;
	[tilespmem:$0x4800] =	vst v63  }
0x95: {  	_ =	swait.ge [sflag:s4], $0x4000  }
0x96: {  	[sflag:s4] =	ssyncset.done $0x0  }
0x97: {  	[sflag:s4] =	ssyncadd.s32 $0xFFFFC000  }
0x98: {  	[tilespmem:s7], [sflag:$0x1] =	stream.indirect.gather [hbm4b:s2+s6], $0x80, s21, s6, $0xb8;
	[tilespmem:$0x4800] =	vst v63  }
0x99: {  	_ =	swait.ge [sflag:s8], $0x4000  }
0x9a: {  	[sflag:s8] =	ssyncset.done $0x0  }
0x9b: {  	[sflag:s8] =	ssyncadd.s32 $0xFFFFC000  }
0x9c: {  	[hbm4b:s22+s3] =	stream.linear.scatter [tilespmem:s7], [sflag:$0x2], $0x4000, $0x38;
	[tilespmem:$0x4800] =	vst v63  }
0x9d: {  	_ =	swait.ge [sflag:s4], $0x4000  }
0x9e: {  	[sflag:s4] =	ssyncset.done $0x0  }
0x9f: {  	[sflag:s4] =	ssyncadd.s32 $0xFFFFC000  }
0xa0: {  	[tilespmem:s7], [sflag:$0x1] =	stream.indirect.gather [hbm4b:s2+s6], $0x80, s23, s6, $0xb8;
	[tilespmem:$0x4800] =	vst v63  }
0xa1: {  	_ =	swait.ge [sflag:s8], $0x4000  }
0xa2: {  	[sflag:s8] =	ssyncset.done $0x0  }
0xa3: {  	[sflag:s8] =	ssyncadd.s32 $0xFFFFC000  }
0xa4: {  	[hbm4b:s24+s3] =	stream.linear.scatter [tilespmem:s7], [sflag:$0x2], $0x4000, $0x38;
	[tilespmem:$0x4800] =	vst v63  }
0xa5: {  	_ =	swait.ge [sflag:s4], $0x4000  }
0xa6: {  	[sflag:s4] =	ssyncset.done $0x0  }
0xa7: {  	[sflag:s4] =	ssyncadd.s32 $0xFFFFC000  }
0xa8: {  	[tilespmem:s7], [sflag:$0x1] =	stream.indirect.gather [hbm4b:s2+s6], $0x80, s25, s6, $0xb8;
	[tilespmem:$0x4800] =	vst v63  }
0xa9: {  	_ =	swait.ge [sflag:s8], $0x4000  }
.Ltmp1:
0xaa: {  	[sflag:s8] =	ssyncset.done $0x0;
	(pc) =	sbr.rel @p0 .LBB2_1-.Ltmp1, $4  }
0xab: {  	[sflag:s8] =	ssyncadd.s32 $0xFFFFC000  }
0xac: {  	[hbm4b:s26+s3] =	stream.linear.scatter [tilespmem:s7], [sflag:$0x2], $0x4000, $0x38;
	[tilespmem:$0x4800] =	vst v63  }
0xad: {  	_ =	swait.ge [sflag:s4], $0x4000  }
0xae: {  	[sflag:s4] =	ssyncset.done $0x0  }
.LBB2_2:
0xaf: {  	[sflag:s4] =	ssyncadd.s32 $0xFFFFC000  }
0xb0: {  	_ =	sfence.sel $0x180000  }
0xb1: {  	[bflag:$0x0] =	sbarrier.arrive $0xFFFF  }
0xb2: {  	p0 =	sne.s32 s0, $0x0;
	_ =	strace $0x90000047  }
0xb3: {  	s0 =	sadd.s32 @!p0 $0x100000, s1;
	[bflag:$0x2] =	sbarrier.arrive $0xFFFF  }
0xb4: {  	[sflag:s0] =	ssyncadd.tile.s32 @!p0 $0x1;
	_ =	shalt  }
.Lfunc_end2:
_tile_overlayer_lowered:
.L_overlay_start_2:
0xb5: {  	(tag) =	ssettag $0x2  }
0xb6: {  	s0 =	rddreg [dreg:$0x0];
	s2 =	stileid.u32  }
0xb7: {  	s1 =	rddreg [dreg:$0x1];
	p0 =	sne.s32 s2, $0x0  }
0xb8: {  	s3 =	rddreg [dreg:$0x2];
	[bflag:$0x3] =	sbarrier.arrive $0xFFFF;
	s2 =	simm.s32 @!p0 $0x1C02  }
0xb9: {  	[timem:s3], [sflag:s2] =	dma.local @!p0 [hbm:s0], s1  }
0xba: {  	s0 =	simm.s32 @!p0 $0x2  }
0xbb: {  	_ =	swait.ge @!p0 [sflag:s0], s1  }
0xbc: {  	s1 =	ssub.s32 @!p0 $0x0, s1;
	[sflag:s0] =	ssyncset.done @!p0 $0x0  }
0xbd: {  	[sflag:s0] =	ssyncadd.s32 @!p0 s1  }
0xbe: {  	[bflag:$0x3] =	sbarrier.arrive $0xFFFF  }
0xbf: {  	_ =	shalt  }

// kernel: kernel.15.cloned.1.call-start
scs
__scs_entry_jumppad:
0x0: {  	(pc) =	sbr.rel $0x88, $3  }
0x1: {  	(tag) =	ssettag $0x0;
	lr =	simm.s32 $0x1  }
0x2: {  	[smem:$0x3F8C] =	sst lr;
	_ =	strace $0xD0000000  }
0x3: {  	_ = 	snop  }
0x4: {  	_ = 	snop  }
0x5: {  	_ = 	snop  }
0x6: {  	_ = 	snop  }
0x7: {  	_ = 	snop  }
__scs_overlays_trampoline_lowered:
0x8: {  	[smem:$0x3F9B] =	sst s0  }
0x9: {  	[smem:$0x3F9C] =	sst s1  }
0xa: {  	[smem:$0x3F9D] =	sst s2  }
0xb: {  	[smem:$0x3F9E] =	sst s3  }
0xc: {  	[smem:$0x3F9F] =	sst s4  }
0xd: {  	[smem:$0x3FA0] =	sst s5  }
0xe: {  	[smem:$0x3FA1] =	sst s6  }
0xf: {  	[smem:$0x3FA2] =	sst s7  }
0x10: {  	[smem:$0x3FA3] =	sst s8  }
0x11: {  	[smem:$0x3FA4] =	sst s9;
	s0 =	simm.s32 @!p0 $0x0  }
0x12: {  	s1 =	sld [smem:$0x3F8A];
	s0 =	simm.s32 @p0 $0x1  }
0x13: {  	[smem:$0x3FA5] =	sst s0;
	s0 =	simm.s32 @!p1 $0x0  }
0x14: {  	s2 =	sld [smem:$0x3F89];
	s0 =	simm.s32 @p1 $0x1  }
0x15: {  	[smem:$0x3FA6] =	sst s0;
	s0 =	simm.s32 @!p2 $0x0  }
0x16: {  	s3 =	sld [smem:$0x3FDB];
	s0 =	simm.s32 @p2 $0x1  }
0x17: {  	s4 =	simm.s32 $0x1BF5;
	[smem:$0x3FA8] =	sst s0  }
0x18: {  	s0 =	sld [smem:$0x3F8B];
	_ =	swait.ge [sflag:s4], $0x0  }
0x19: {  	s7 =	sld [smem:$0x3F8C]  }
0x1a: {  	s8 =	sadd.s32 $0xFFFFE003, lr  }
0x1b: {  	s9 =	sadd.s32 $0xFFFFFEF7, lr;
	s5 =	simm.s32 $0xFFFFFFFF;
	p2 =	slt.u32 s8, $0xFFFFF086  }
0x1c: {  	p1 =	slt.u32 s9, $0xF7A;
	s5 =	simm.s32 @!p2 $0x0  }
0x1d: {  	s5 =	simm.s32 @p1 $0x1;
	p0 =	seq.s32 s7, s2  }
0x1e: {  	s7 =	smul.u32 @!p0 $0xF7A, s2;
	p2 =	seq.s32 @!p0 s5, $0x0  }
0x1f: {  	s9 =	smul.u32 $0xF7A, s1;
	s8 =	simm.s32 @!p0 $0x1BF5;
	p2 =	por !p2, p0  }
0x20: {  	[sflag:s8] =	ssyncset.s32 @!p0 $0xFFFFF086;
	s6 =	sadd.s32 @!p0 s3, s7;
	s7 =	simm.s32 @!p0 $0x108  }
0x21: {  	s3 =	sadd.s32 s3, s9;
	s6 =	sadd.s32 @!p0 $0x88, s6;
	s7 =	simm.s32 @p2 $0x1082  }
0x22: {  	[simem:s7], [sflag:s8] =	dma.local @!p0 [hbm:s6], $0xF7A  }
0x23: {  	s9 =	sor.u32 $0xD0000000, s2;
	s6 =	simm.s32 $0x108;
	_ =	swait.ge @!p0 [sflag:s8], $0x0  }
0x24: {  	s3 =	sadd.s32 $0x88, s3;
	s6 =	simm.s32 @!p1 $0x1082;
	[sflag:s4] =	ssyncset.s32 $0xFFFFF086  }
0x25: {  	[simem:s6], [sflag:s4] =	dma.local [hbm:s3], $0xF7A  }
0x26: {  	[smem:$0x3F8C] =	sst s1;
	(tag) =	ssettag s2;
	_ =	strace s9  }
0x27: {  	s1 =	sld [smem:$0x3F9C]  }
0x28: {  	s2 =	sld [smem:$0x3F9D]  }
0x29: {  	s4 =	sld [smem:$0x3F9F]  }
0x2a: {  	p0 =	seq.s32 s5, $0x0;
	s5 =	sld [smem:$0x3FA0]  }
0x2b: {  	s6 =	sld [smem:$0x3FA1]  }
0x2c: {  	s7 =	sld [smem:$0x3FA2]  }
0x2d: {  	s3 =	simm.s32 $0x108;
	s8 =	sld [smem:$0x3FA3]  }
0x2e: {  	s3 =	simm.s32 @!p0 $0x1082;
	s9 =	sld [smem:$0x3FA4]  }
0x2f: {  	lr =	sadd.s32 s0, s3;
	s0 =	sld [smem:$0x3F9B]  }
0x30: {  	s3 =	sld [smem:$0x3F9E]  }
0x31: {  	[smem:$0x3FA7] =	sst s10  }
0x32: {  	s10 =	sld [smem:$0x3FA5];
	_ =	sdelay $0x3  }
0x33: {  	p0 =	seq.s32 s10, $0x1;
	s10 =	sld [smem:$0x3FA7];
	_ =	sdelay $0x3  }
0x34: {  	[smem:$0x3FA7] =	sst s10  }
0x35: {  	s10 =	sld [smem:$0x3FA6];
	_ =	sdelay $0x3  }
0x36: {  	p1 =	seq.s32 s10, $0x1;
	s10 =	sld [smem:$0x3FA7];
	_ =	sdelay $0x3  }
0x37: {  	[smem:$0x3FA7] =	sst s10  }
0x38: {  	s10 =	sld [smem:$0x3FA8]  }
0x39: {  	_ = 	snop;
	(pc) =	sbr.ind lr, $3  }
0x3a: {  	_ = 	snop  }
0x3b: {  	_ = 	snop  }
0x3c: {  	p2 =	seq.s32 s10, $0x1;
	s10 =	sld [smem:$0x3FA7]  }
0x3d: {  	_ =	shalt  }
0x3e: {  	_ =	shalt  }
0x3f: {  	_ =	shalt  }
0x40: {  	_ =	shalt  }
0x41: {  	_ =	shalt  }
0x42: {  	_ =	shalt  }
0x43: {  	_ =	shalt  }
0x44: {  	_ =	shalt  }
0x45: {  	_ =	shalt  }
0x46: {  	_ =	shalt  }
0x47: {  	_ =	shalt  }
0x48: {  	_ =	shalt  }
0x49: {  	_ =	shalt  }
0x4a: {  	_ =	shalt  }
0x4b: {  	_ =	shalt  }
0x4c: {  	_ =	shalt  }
0x4d: {  	_ =	shalt  }
0x4e: {  	_ =	shalt  }
0x4f: {  	_ =	shalt  }
0x50: {  	_ =	shalt  }
0x51: {  	_ =	shalt  }
0x52: {  	_ =	shalt  }
0x53: {  	_ =	shalt  }
0x54: {  	_ =	shalt  }
0x55: {  	_ =	shalt  }
0x56: {  	_ =	shalt  }
0x57: {  	_ =	shalt  }
0x58: {  	_ =	shalt  }
0x59: {  	_ =	shalt  }
0x5a: {  	_ =	shalt  }
0x5b: {  	_ =	shalt  }
0x5c: {  	_ =	shalt  }
0x5d: {  	_ =	shalt  }
0x5e: {  	_ =	shalt  }
0x5f: {  	_ =	shalt  }
0x60: {  	_ =	shalt  }
0x61: {  	_ =	shalt  }
0x62: {  	_ =	shalt  }
0x63: {  	_ =	shalt  }
0x64: {  	_ =	shalt  }
0x65: {  	_ =	shalt  }
0x66: {  	_ =	shalt  }
0x67: {  	_ =	shalt  }
0x68: {  	_ =	shalt  }
0x69: {  	_ =	shalt  }
0x6a: {  	_ =	shalt  }
0x6b: {  	_ =	shalt  }
0x6c: {  	_ =	shalt  }
0x6d: {  	_ =	shalt  }
0x6e: {  	_ =	shalt  }
0x6f: {  	_ =	shalt  }
0x70: {  	_ =	shalt  }
0x71: {  	_ =	shalt  }
0x72: {  	_ =	shalt  }
0x73: {  	_ =	shalt  }
0x74: {  	_ =	shalt  }
0x75: {  	_ =	shalt  }
0x76: {  	_ =	shalt  }
0x77: {  	_ =	shalt  }
0x78: {  	_ =	shalt  }
0x79: {  	_ =	shalt  }
0x7a: {  	_ =	shalt  }
0x7b: {  	_ =	shalt  }
0x7c: {  	_ =	shalt  }
0x7d: {  	_ =	shalt  }
0x7e: {  	_ =	shalt  }
0x7f: {  	_ =	shalt  }
0x80: {  	_ =	shalt  }
0x81: {  	_ =	shalt  }
0x82: {  	_ =	shalt  }
0x83: {  	_ =	shalt  }
0x84: {  	_ =	shalt  }
0x85: {  	_ =	shalt  }
0x86: {  	_ =	shalt  }
0x87: {  	_ =	shalt  }
.Lfunc_end0:
.L_simem_size_0:
called_computation.1_lowered:
.L_overlay_start_0:
0x88: {  	s2 =	sld [smem:$0x3FD9]  }
0x89: {  	s3 =	sld [smem:$0x3FFE];
	_ =	sdelay $0x1  }
0x8a: {  	s1 =	srdreg.scid  }
0x8b: {  	s0 =	sand.u32 $0x1, s1  }
0x8c: {  	s17 =	sshll.u32 s0, $0xA;
	s2 =	sadd.s32 s3, s2  }
0x8d: {  	s2 =	sadd.s32 s2, s17  }
0x8e: {  	[smem:$0x3FB3] =	sst s2  }
0x8f: {  	_ = 	snop  }
0x90: {  	s18 =	sld [smem:$0x3FC2];
	(tm) =	ssettm $0x1  }
0x91: {  	s19 =	sld [smem:$0x3FFB];
	_ =	sdelay $0x3  }
0x92: {  	_ =	strace s19  }
0x93: {  	s2 =	sld [smem:$0x3FFC];
	_ =	sdelay $0x3  }
0x94: {  	_ =	strace s2  }
0x95: {  	s2 =	sld [smem:$0x3FFD];
	_ =	sdelay $0x3  }
0x96: {  	_ =	strace s2  }
0x97: {  	_ =	strace $0x8FFFFFFF  }
0x98: {  	s20 =	sld [smem:$0x3FDB];
	_ =	sdelay $0x1  }
0x99: {  	s4 =	simm.s32 $_scs_section_size  }
0x9a: {  	s5 =	simm.s32 $_size__tile_overlayer_lowered;
	s6 =	simm.s32 $_tile_overlayer_lowered  }
0x9b: {  	s7 =	simm.s32 $0x1BFF;
	s21 =	sshll.u32 s6, $0x1;
	s4 =	sadd.s32 s4, s20  }
0x9c: {  	s22 =	simm.s32 $0x0;
	s5 =	sshll.u32 s5, $0x1;
	s6 =	sadd.s32 s21, s4  }
0x9d: {  	[timem:s22], [sflag:s7] =	dma.local [hbm:s6], s5  }
0x9e: {  	_ =	swait.ge [sflag:s7], s5  }
0x9f: {  	s5 =	ssub.s32 $0x0, s5;
	[sflag:s7] =	ssyncset.done $0x0  }
0xa0: {  	[sflag:s7] =	ssyncadd.s32 s5;
	_ =	sdelay $0x1  }
0xa1: {  	s23 =	simm.s32 $0x1B8B  }
0xa2: {  	_ =	swait.ge [sflag:s23], $0x1  }
0xa3: {  	[sflag:s23] =	ssyncset.done $0x0  }
0xa4: {  	[sflag:s23] =	ssyncadd.s32 $0xFFFFFFFF  }
0xa5: {  	s5 =	sld [smem:$0x0]  }
0xa6: {  	s6 =	sand.u32 $0xFFFFFFFE, s1  }
0xa7: {  	p0 =	sne.s32 s1, s6  }
0xa8: {  	s6 =	sshll.u32 @p0 s6, $0xE  }
0xa9: {  	s6 =	sadd.s32 @p0 $0x11B8D, s6;
	s7 =	sshll.u32 @p0 s5, $0x11  }
0xaa: {  	s6 =	sor.u32 @p0 s7, s6  }
0xab: {  	[sflag:s6] =	ssyncadd.remote.s32 @p0 $0x1;
	_ =	sdelay $0x1  }
0xac: {  	s6 =	simm.s32 @p0 $0x1B8D  }
0xad: {  	_ =	swait.eq @p0 [sflag:s6], $0x1  }
0xae: {  	[sflag:s6] =	ssyncadd.s32 @p0 $0xFFFFFFFF  }
0xaf: {  	s7 =	sshll.u32 @!p0 s1, $0xE  }
0xb0: {  	s7 =	sor.u32 @!p0 $0x4000, s7;
	s6 =	simm.s32 @!p0 $0x1B8D  }
0xb1: {  	s5 =	sshll.u32 @!p0 s5, $0x11;
	s7 =	sadd.s32 @!p0 $0x11B8D, s7;
	_ =	swait.eq @!p0 [sflag:s6], $0x1  }
0xb2: {  	s5 =	sor.u32 @!p0 s5, s7;
	[sflag:s6] =	ssyncadd.s32 @!p0 $0xFFFFFFFF  }
0xb3: {  	s25 =	simm.s32 $0x1B8E;
	s24 =	sld [smem:$0x3FFE];
	[sflag:s5] =	ssyncadd.remote.s32 @!p0 $0x1  }
0xb4: {  	s26 =	simm.s32 $execute0_lowered;
	[smem:$0x3FD2] =	sst s25  }
0xb5: {  	s6 =	sshll.u32 s26, $0x1;
	_ =	strace $0x80000049;
	[dreg:$0x1] =	wrdreg $0xFFFFFFFF  }
0xb6: {  	s28 =	simm.s32 $_size_execute0_lowered;
	s4 =	sadd.s32 s4, s6;
	[dreg:$0x0] =	wrdreg $0x0  }
0xb7: {  	s6 =	sshll.u32 s28, $0x1;
	[dreg:$0x2] =	wrdreg s4  }
0xb8: {  	[dreg:$0x3] =	wrdreg s6  }
0xb9: {  	[dreg:$0x4] =	wrdreg $0xC0  }
0xba: {  	_ =	task [dreg:s22], $0x5FFFF  }
0xbb: {  	[dreg:$0x1] =	wrdreg $0xFFFFFFFF  }
0xbc: {  	[dreg:$0x0] =	wrdreg $0x60  }
0xbd: {  	[dreg:$0x2] =	wrdreg s24  }
0xbe: {  	[dreg:$0x3] =	wrdreg s18  }
0xbf: {  	[dreg:$0x4] =	wrdreg $0xA  }
0xc0: {  	_ =	task.clear_ibuf [dreg:s22], $0x5FFFF;
	_ =	strace $0x90000049  }
0xc1: {  	s29 =	simm.s32 $0xA;
	_ =	strace $0x8000004B  }
0xc2: {  	_ =	swait.ge [sflag:s29], $0x1  }
0xc3: {  	[sflag:s29] =	ssyncadd.s32 $0xFFFFFFFF  }
0xc4: {  	_ =	strace $0x9000004B  }
0xc5: {  	_ =	sfence  }
0xc6: {  	s30 =	sld [smem:$0x0];
	_ =	sdelay $0x2  }
0xc7: {  	s31 =	sshll.u32 s1, $0xD;
	s1 =	sshrl.u32 s1, $0x2  }
0xc8: {  	s4 =	sand.u32 $0x4000, s31;
	s1 =	sadd.s32 s1, s30  }
0xc9: {  	s0 =	sor.u32 s4, s0;
	s1 =	sshll.u32 s1, $0x11  }
0xca: {  	s0 =	sor.u32 s1, s0  }
0xcb: {  	s0 =	sadd.s32 $0x8F2B, s0  }
0xcc: {  	[sflag:s0] =	ssyncadd.remote.s32 $0x1  }
0xcd: {  	_ =	sfence.sel $0xFFFF  }
0xce: {  	[dreg:$0x0] =	wrdreg $0xFFFFFFFF;
	(pc) =	sbr.abs _section_cstart, $3  }
0xcf: {  	[dreg:$0x1] =	wrdreg $0xFFFFFFFF  }
0xd0: {  	_ =	task.clear_ibuf [dreg:s22], $0x2FFFF;
	_ =	strace $0x9FFFFFFF  }
0xd1: {  	(tm) =	ssettm $0x7FFFFFFF  }
tec
execute0_lowered:
.L_overlay_start_1:
0x0: {  	(tag) =	ssettag $0x1  }
0x1: {  	s1 =	srdreg.scid;
	s0 =	stileid.u32  }
0x2: {  	s9 =	rddreg [dreg:$0x0];
	s25 =	sand.u32 $0x1, s1;
	s31 =	sshll.u32 s0, $0x1  }
0x3: {  	s2 =	rddreg [dreg:$0x1];
	s6 =	sor.u32 s25, s31  }
0x4: {  	s3 =	simm.s32 $0x0;
	s1 =	rddreg [dreg:$0x2];
	s4 =	sshll.u32 s6, $0x8  }
0x5: {  	[smem:$0x7FF] =	sst s3;
	s4 =	sadd.s32 s4, s9  }
0x6: {  	_ =	strace $0x8000004A;
	s5 =	sadd.s32 $0x3C00, s4;
	s4 =	simm.s32 $0x2  }
0x7: {  	[tilespmem:s3], [sflag:$0x2] =	stream.linear.gather [hbm4b:s5+s3], $0x500, $0x38;
	[tilespmem:$0x4800] =	vst v63  }
0x8: {  	_ =	swait.ge [sflag:s4], $0x500  }
0x9: {  	s7 =	simm.s32 $0x800;
	s8 =	simm.s32 $0x1;
	[sflag:s4] =	ssyncset.done $0x0  }
0xa: {  	s10 =	smul.u32 $0x5000, s6;
	s6 =	simm.s32 $0x80;
	[sflag:s4] =	ssyncadd.s32 $0xFFFFFB00  }
0xb: {  	[tilespmem:s7], [sflag:$0x1] =	stream.indirect.gather [hbm4b:s2+s6], $0x80, s3, s6, $0xb8;
	[tilespmem:$0x4800] =	vst v63  }
0xc: {  	_ =	swait.ge [sflag:s8], $0x4000  }
0xd: {  	s26 =	sadd.s32 s10, s9;
	[sflag:s8] =	ssyncset.done $0x0  }
0xe: {  	s9 =	sadd.s32 $0xABC00, s26;
	[sflag:s8] =	ssyncadd.s32 $0xFFFFC000  }
0xf: {  	[hbm4b:s9+s3] =	stream.linear.scatter [tilespmem:s7], [sflag:$0x2], $0x4000, $0x38;
	[tilespmem:$0x4800] =	vst v63  }
0x10: {  	_ =	swait.ge [sflag:s4], $0x4000  }
0x11: {  	[sflag:s4] =	ssyncset.done $0x0  }
0x12: {  	[sflag:s4] =	ssyncadd.s32 $0xFFFFC000  }
0x13: {  	[tilespmem:s7], [sflag:$0x1] =	stream.indirect.gather [hbm4b:s2+s6], $0x80, s6, s6, $0xb8;
	[tilespmem:$0x4800] =	vst v63  }
0x14: {  	_ =	swait.ge [sflag:s8], $0x4000  }
0x15: {  	[sflag:s8] =	ssyncset.done $0x0  }
0x16: {  	s10 =	sadd.s32 $0xAC400, s26;
	[sflag:s8] =	ssyncadd.s32 $0xFFFFC000  }
0x17: {  	[hbm4b:s10+s3] =	stream.linear.scatter [tilespmem:s7], [sflag:$0x2], $0x4000, $0x38;
	[tilespmem:$0x4800] =	vst v63  }
0x18: {  	_ =	swait.ge [sflag:s4], $0x4000  }
0x19: {  	[sflag:s4] =	ssyncset.done $0x0  }
0x1a: {  	s11 =	simm.s32 $0x100;
	[sflag:s4] =	ssyncadd.s32 $0xFFFFC000  }
0x1b: {  	[tilespmem:s7], [sflag:$0x1] =	stream.indirect.gather [hbm4b:s2+s6], $0x80, s11, s6, $0xb8;
	[tilespmem:$0x4800] =	vst v63  }
0x1c: {  	_ =	swait.ge [sflag:s8], $0x4000  }
0x1d: {  	[sflag:s8] =	ssyncset.done $0x0  }
0x1e: {  	s12 =	sadd.s32 $0xACC00, s26;
	[sflag:s8] =	ssyncadd.s32 $0xFFFFC000  }
0x1f: {  	[hbm4b:s12+s3] =	stream.linear.scatter [tilespmem:s7], [sflag:$0x2], $0x4000, $0x38;
	[tilespmem:$0x4800] =	vst v63  }
0x20: {  	_ =	swait.ge [sflag:s4], $0x4000  }
0x21: {  	[sflag:s4] =	ssyncset.done $0x0  }
0x22: {  	s13 =	simm.s32 $0x180;
	[sflag:s4] =	ssyncadd.s32 $0xFFFFC000  }
0x23: {  	[tilespmem:s7], [sflag:$0x1] =	stream.indirect.gather [hbm4b:s2+s6], $0x80, s13, s6, $0xb8;
	[tilespmem:$0x4800] =	vst v63  }
0x24: {  	_ =	swait.ge [sflag:s8], $0x4000  }
0x25: {  	[sflag:s8] =	ssyncset.done $0x0  }
0x26: {  	s14 =	sadd.s32 $0xAD400, s26;
	[sflag:s8] =	ssyncadd.s32 $0xFFFFC000  }
0x27: {  	[hbm4b:s14+s3] =	stream.linear.scatter [tilespmem:s7], [sflag:$0x2], $0x4000, $0x38;
	[tilespmem:$0x4800] =	vst v63  }
0x28: {  	_ =	swait.ge [sflag:s4], $0x4000  }
0x29: {  	[sflag:s4] =	ssyncset.done $0x0  }
0x2a: {  	s15 =	simm.s32 $0x200;
	[sflag:s4] =	ssyncadd.s32 $0xFFFFC000  }
0x2b: {  	[tilespmem:s7], [sflag:$0x1] =	stream.indirect.gather [hbm4b:s2+s6], $0x80, s15, s6, $0xb8;
	[tilespmem:$0x4800] =	vst v63  }
0x2c: {  	_ =	swait.ge [sflag:s8], $0x4000  }
0x2d: {  	[sflag:s8] =	ssyncset.done $0x0  }
0x2e: {  	s16 =	sadd.s32 $0xADC00, s26;
	[sflag:s8] =	ssyncadd.s32 $0xFFFFC000  }
0x2f: {  	[hbm4b:s16+s3] =	stream.linear.scatter [tilespmem:s7], [sflag:$0x2], $0x4000, $0x38;
	[tilespmem:$0x4800] =	vst v63  }
0x30: {  	_ =	swait.ge [sflag:s4], $0x4000  }
0x31: {  	[sflag:s4] =	ssyncset.done $0x0  }
0x32: {  	s17 =	simm.s32 $0x280;
	[sflag:s4] =	ssyncadd.s32 $0xFFFFC000  }
0x33: {  	[tilespmem:s7], [sflag:$0x1] =	stream.indirect.gather [hbm4b:s2+s6], $0x80, s17, s6, $0xb8;
	[tilespmem:$0x4800] =	vst v63  }
0x34: {  	_ =	swait.ge [sflag:s8], $0x4000  }
0x35: {  	[sflag:s8] =	ssyncset.done $0x0  }
0x36: {  	s18 =	sadd.s32 $0xAE400, s26;
	[sflag:s8] =	ssyncadd.s32 $0xFFFFC000  }
0x37: {  	[hbm4b:s18+s3] =	stream.linear.scatter [tilespmem:s7], [sflag:$0x2], $0x4000, $0x38;
	[tilespmem:$0x4800] =	vst v63  }
0x38: {  	_ =	swait.ge [sflag:s4], $0x4000  }
0x39: {  	[sflag:s4] =	ssyncset.done $0x0  }
0x3a: {  	s19 =	simm.s32 $0x300;
	[sflag:s4] =	ssyncadd.s32 $0xFFFFC000  }
0x3b: {  	[tilespmem:s7], [sflag:$0x1] =	stream.indirect.gather [hbm4b:s2+s6], $0x80, s19, s6, $0xb8;
	[tilespmem:$0x4800] =	vst v63  }
0x3c: {  	_ =	swait.ge [sflag:s8], $0x4000  }
0x3d: {  	[sflag:s8] =	ssyncset.done $0x0  }
0x3e: {  	s20 =	sadd.s32 $0xAEC00, s26;
	[sflag:s8] =	ssyncadd.s32 $0xFFFFC000  }
0x3f: {  	[hbm4b:s20+s3] =	stream.linear.scatter [tilespmem:s7], [sflag:$0x2], $0x4000, $0x38;
	[tilespmem:$0x4800] =	vst v63  }
0x40: {  	_ =	swait.ge [sflag:s4], $0x4000  }
0x41: {  	[sflag:s4] =	ssyncset.done $0x0  }
0x42: {  	s21 =	simm.s32 $0x380;
	[sflag:s4] =	ssyncadd.s32 $0xFFFFC000  }
0x43: {  	[tilespmem:s7], [sflag:$0x1] =	stream.indirect.gather [hbm4b:s2+s6], $0x80, s21, s6, $0xb8;
	[tilespmem:$0x4800] =	vst v63  }
0x44: {  	_ =	swait.ge [sflag:s8], $0x4000  }
0x45: {  	[sflag:s8] =	ssyncset.done $0x0  }
0x46: {  	s22 =	sadd.s32 $0xAF400, s26;
	[sflag:s8] =	ssyncadd.s32 $0xFFFFC000  }
0x47: {  	[hbm4b:s22+s3] =	stream.linear.scatter [tilespmem:s7], [sflag:$0x2], $0x4000, $0x38;
	[tilespmem:$0x4800] =	vst v63  }
0x48: {  	_ =	swait.ge [sflag:s4], $0x4000  }
0x49: {  	[sflag:s4] =	ssyncset.done $0x0  }
0x4a: {  	s23 =	simm.s32 $0x400;
	[sflag:s4] =	ssyncadd.s32 $0xFFFFC000  }
0x4b: {  	[tilespmem:s7], [sflag:$0x1] =	stream.indirect.gather [hbm4b:s2+s6], $0x80, s23, s6, $0xb8;
	[tilespmem:$0x4800] =	vst v63  }
0x4c: {  	_ =	swait.ge [sflag:s8], $0x4000  }
0x4d: {  	[sflag:s8] =	ssyncset.done $0x0  }
0x4e: {  	s28 =	ssub.s32 $0x2, s25;
	s24 =	sadd.s32 $0xAFC00, s26;
	[sflag:s8] =	ssyncadd.s32 $0xFFFFC000  }
0x4f: {  	[hbm4b:s24+s3] =	stream.linear.scatter [tilespmem:s7], [sflag:$0x2], $0x4000, $0x38;
	[tilespmem:$0x4800] =	vst v63  }
0x50: {  	s29 =	sshrl.u32 s28, $0x1;
	_ =	swait.ge [sflag:s4], $0x4000  }
0x51: {  	s28 =	ssub.s32 s28, s29;
	[sflag:s4] =	ssyncset.done $0x0  }
0x52: {  	s25 =	simm.s32 $0x480;
	s28 =	smax.u32 s28, $0x1;
	[sflag:s4] =	ssyncadd.s32 $0xFFFFC000  }
0x53: {  	[tilespmem:s7], [sflag:$0x1] =	stream.indirect.gather [hbm4b:s2+s6], $0x80, s25, s6, $0xb8;
	[tilespmem:$0x4800] =	vst v63  }
0x54: {  	p0 =	sne.s32 s28, $0x1;
	_ =	swait.ge [sflag:s8], $0x4000  }
.Ltmp0:
0x55: {  	[sflag:s8] =	ssyncset.done $0x0;
	(pc) =	sbr.rel @!p0 .LBB2_2-.Ltmp0, $4  }
0x56: {  	s26 =	sadd.s32 $0xB0400, s26;
	[sflag:s8] =	ssyncadd.s32 $0xFFFFC000  }
0x57: {  	[hbm4b:s26+s3] =	stream.linear.scatter [tilespmem:s7], [sflag:$0x2], $0x4000, $0x38;
	[tilespmem:$0x4800] =	vst v63  }
0x58: {  	_ =	swait.ge [sflag:s4], $0x4000  }
0x59: {  	s28 =	sadd.s32 $0xFFFFFFFF, s28;
	[sflag:s4] =	ssyncset.done $0x0  }
.LBB2_1:
0x5a: {  	p0 =	sne.s32 s28, $0x1;
	s28 =	sadd.s32 $0xFFFFFFFF, s28;
	[sflag:s4] =	ssyncadd.s32 $0xFFFFC000  }
0x5b: {  	[tilespmem:s3], [sflag:$0x2] =	stream.linear.gather [hbm4b:s5+s3], $0x500, $0x38;
	[tilespmem:$0x4800] =	vst v63  }
0x5c: {  	_ =	swait.ge [sflag:s4], $0x500  }
0x5d: {  	[sflag:s4] =	ssyncset.done $0x0  }
0x5e: {  	[sflag:s4] =	ssyncadd.s32 $0xFFFFFB00  }
0x5f: {  	[tilespmem:s7], [sflag:$0x1] =	stream.indirect.gather [hbm4b:s2+s6], $0x80, s3, s6, $0xb8;
	[tilespmem:$0x4800] =	vst v63  }
0x60: {  	_ =	swait.ge [sflag:s8], $0x4000  }
0x61: {  	[sflag:s8] =	ssyncset.done $0x0  }
0x62: {  	[sflag:s8] =	ssyncadd.s32 $0xFFFFC000  }
0x63: {  	[hbm4b:s9+s3] =	stream.linear.scatter [tilespmem:s7], [sflag:$0x2], $0x4000, $0x38;
	[tilespmem:$0x4800] =	vst v63  }
0x64: {  	_ =	swait.ge [sflag:s4], $0x4000  }
0x65: {  	[sflag:s4] =	ssyncset.done $0x0  }
0x66: {  	[sflag:s4] =	ssyncadd.s32 $0xFFFFC000  }
0x67: {  	[tilespmem:s7], [sflag:$0x1] =	stream.indirect.gather [hbm4b:s2+s6], $0x80, s6, s6, $0xb8;
	[tilespmem:$0x4800] =	vst v63  }
0x68: {  	_ =	swait.ge [sflag:s8], $0x4000  }
0x69: {  	[sflag:s8] =	ssyncset.done $0x0  }
0x6a: {  	[sflag:s8] =	ssyncadd.s32 $0xFFFFC000  }
0x6b: {  	[hbm4b:s10+s3] =	stream.linear.scatter [tilespmem:s7], [sflag:$0x2], $0x4000, $0x38;
	[tilespmem:$0x4800] =	vst v63  }
0x6c: {  	_ =	swait.ge [sflag:s4], $0x4000  }
0x6d: {  	[sflag:s4] =	ssyncset.done $0x0  }
0x6e: {  	[sflag:s4] =	ssyncadd.s32 $0xFFFFC000  }
0x6f: {  	[tilespmem:s7], [sflag:$0x1] =	stream.indirect.gather [hbm4b:s2+s6], $0x80, s11, s6, $0xb8;
	[tilespmem:$0x4800] =	vst v63  }
0x70: {  	_ =	swait.ge [sflag:s8], $0x4000  }
0x71: {  	[sflag:s8] =	ssyncset.done $0x0  }
0x72: {  	[sflag:s8] =	ssyncadd.s32 $0xFFFFC000  }
0x73: {  	[hbm4b:s12+s3] =	stream.linear.scatter [tilespmem:s7], [sflag:$0x2], $0x4000, $0x38;
	[tilespmem:$0x4800] =	vst v63  }
0x74: {  	_ =	swait.ge [sflag:s4], $0x4000  }
0x75: {  	[sflag:s4] =	ssyncset.done $0x0  }
0x76: {  	[sflag:s4] =	ssyncadd.s32 $0xFFFFC000  }
0x77: {  	[tilespmem:s7], [sflag:$0x1] =	stream.indirect.gather [hbm4b:s2+s6], $0x80, s13, s6, $0xb8;
	[tilespmem:$0x4800] =	vst v63  }
0x78: {  	_ =	swait.ge [sflag:s8], $0x4000  }
0x79: {  	[sflag:s8] =	ssyncset.done $0x0  }
0x7a: {  	[sflag:s8] =	ssyncadd.s32 $0xFFFFC000  }
0x7b: {  	[hbm4b:s14+s3] =	stream.linear.scatter [tilespmem:s7], [sflag:$0x2], $0x4000, $0x38;
	[tilespmem:$0x4800] =	vst v63  }
0x7c: {  	_ =	swait.ge [sflag:s4], $0x4000  }
0x7d: {  	[sflag:s4] =	ssyncset.done $0x0  }
0x7e: {  	[sflag:s4] =	ssyncadd.s32 $0xFFFFC000  }
0x7f: {  	[tilespmem:s7], [sflag:$0x1] =	stream.indirect.gather [hbm4b:s2+s6], $0x80, s15, s6, $0xb8;
	[tilespmem:$0x4800] =	vst v63  }
0x80: {  	_ =	swait.ge [sflag:s8], $0x4000  }
0x81: {  	[sflag:s8] =	ssyncset.done $0x0  }
0x82: {  	[sflag:s8] =	ssyncadd.s32 $0xFFFFC000  }
0x83: {  	[hbm4b:s16+s3] =	stream.linear.scatter [tilespmem:s7], [sflag:$0x2], $0x4000, $0x38;
	[tilespmem:$0x4800] =	vst v63  }
0x84: {  	_ =	swait.ge [sflag:s4], $0x4000  }
0x85: {  	[sflag:s4] =	ssyncset.done $0x0  }
0x86: {  	[sflag:s4] =	ssyncadd.s32 $0xFFFFC000  }
0x87: {  	[tilespmem:s7], [sflag:$0x1] =	stream.indirect.gather [hbm4b:s2+s6], $0x80, s17, s6, $0xb8;
	[tilespmem:$0x4800] =	vst v63  }
0x88: {  	_ =	swait.ge [sflag:s8], $0x4000  }
0x89: {  	[sflag:s8] =	ssyncset.done $0x0  }
0x8a: {  	[sflag:s8] =	ssyncadd.s32 $0xFFFFC000  }
0x8b: {  	[hbm4b:s18+s3] =	stream.linear.scatter [tilespmem:s7], [sflag:$0x2], $0x4000, $0x38;
	[tilespmem:$0x4800] =	vst v63  }
0x8c: {  	_ =	swait.ge [sflag:s4], $0x4000  }
0x8d: {  	[sflag:s4] =	ssyncset.done $0x0  }
0x8e: {  	[sflag:s4] =	ssyncadd.s32 $0xFFFFC000  }
0x8f: {  	[tilespmem:s7], [sflag:$0x1] =	stream.indirect.gather [hbm4b:s2+s6], $0x80, s19, s6, $0xb8;
	[tilespmem:$0x4800] =	vst v63  }
0x90: {  	_ =	swait.ge [sflag:s8], $0x4000  }
0x91: {  	[sflag:s8] =	ssyncset.done $0x0  }
0x92: {  	[sflag:s8] =	ssyncadd.s32 $0xFFFFC000  }
0x93: {  	[hbm4b:s20+s3] =	stream.linear.scatter [tilespmem:s7], [sflag:$0x2], $0x4000, $0x38;
	[tilespmem:$0x4800] =	vst v63  }
0x94: {  	_ =	swait.ge [sflag:s4], $0x4000  }
0x95: {  	[sflag:s4] =	ssyncset.done $0x0  }
0x96: {  	[sflag:s4] =	ssyncadd.s32 $0xFFFFC000  }
0x97: {  	[tilespmem:s7], [sflag:$0x1] =	stream.indirect.gather [hbm4b:s2+s6], $0x80, s21, s6, $0xb8;
	[tilespmem:$0x4800] =	vst v63  }
0x98: {  	_ =	swait.ge [sflag:s8], $0x4000  }
0x99: {  	[sflag:s8] =	ssyncset.done $0x0  }
0x9a: {  	[sflag:s8] =	ssyncadd.s32 $0xFFFFC000  }
0x9b: {  	[hbm4b:s22+s3] =	stream.linear.scatter [tilespmem:s7], [sflag:$0x2], $0x4000, $0x38;
	[tilespmem:$0x4800] =	vst v63  }
0x9c: {  	_ =	swait.ge [sflag:s4], $0x4000  }
0x9d: {  	[sflag:s4] =	ssyncset.done $0x0  }
0x9e: {  	[sflag:s4] =	ssyncadd.s32 $0xFFFFC000  }
0x9f: {  	[tilespmem:s7], [sflag:$0x1] =	stream.indirect.gather [hbm4b:s2+s6], $0x80, s23, s6, $0xb8;
	[tilespmem:$0x4800] =	vst v63  }
0xa0: {  	_ =	swait.ge [sflag:s8], $0x4000  }
0xa1: {  	[sflag:s8] =	ssyncset.done $0x0  }
0xa2: {  	[sflag:s8] =	ssyncadd.s32 $0xFFFFC000  }
0xa3: {  	[hbm4b:s24+s3] =	stream.linear.scatter [tilespmem:s7], [sflag:$0x2], $0x4000, $0x38;
	[tilespmem:$0x4800] =	vst v63  }
0xa4: {  	_ =	swait.ge [sflag:s4], $0x4000  }
0xa5: {  	[sflag:s4] =	ssyncset.done $0x0  }
0xa6: {  	[sflag:s4] =	ssyncadd.s32 $0xFFFFC000  }
0xa7: {  	[tilespmem:s7], [sflag:$0x1] =	stream.indirect.gather [hbm4b:s2+s6], $0x80, s25, s6, $0xb8;
	[tilespmem:$0x4800] =	vst v63  }
0xa8: {  	_ =	swait.ge [sflag:s8], $0x4000  }
.Ltmp1:
0xa9: {  	[sflag:s8] =	ssyncset.done $0x0;
	(pc) =	sbr.rel @p0 .LBB2_1-.Ltmp1, $4  }
0xaa: {  	[sflag:s8] =	ssyncadd.s32 $0xFFFFC000  }
0xab: {  	[hbm4b:s26+s3] =	stream.linear.scatter [tilespmem:s7], [sflag:$0x2], $0x4000, $0x38;
	[tilespmem:$0x4800] =	vst v63  }
0xac: {  	_ =	swait.ge [sflag:s4], $0x4000  }
0xad: {  	[sflag:s4] =	ssyncset.done $0x0  }
.LBB2_2:
0xae: {  	[sflag:s4] =	ssyncadd.s32 $0xFFFFC000  }
0xaf: {  	_ =	sfence.sel $0x180000  }
0xb0: {  	[bflag:$0x0] =	sbarrier.arrive $0xFFFF  }
0xb1: {  	p0 =	sne.s32 s0, $0x0;
	_ =	strace $0x9000004A  }
0xb2: {  	s0 =	sadd.s32 @!p0 $0x100000, s1;
	[bflag:$0x2] =	sbarrier.arrive $0xFFFF  }
0xb3: {  	[sflag:s0] =	ssyncadd.tile.s32 @!p0 $0x1;
	_ =	shalt  }
.Lfunc_end2:
_tile_overlayer_lowered:
.L_overlay_start_2:
0xb4: {  	(tag) =	ssettag $0x2  }
0xb5: {  	s0 =	rddreg [dreg:$0x0];
	s2 =	stileid.u32  }
0xb6: {  	s1 =	rddreg [dreg:$0x1];
	p0 =	sne.s32 s2, $0x0  }
0xb7: {  	s3 =	rddreg [dreg:$0x2];
	[bflag:$0x3] =	sbarrier.arrive $0xFFFF;
	s2 =	simm.s32 @!p0 $0x1C02  }
0xb8: {  	[timem:s3], [sflag:s2] =	dma.local @!p0 [hbm:s0], s1  }
0xb9: {  	s0 =	simm.s32 @!p0 $0x2  }
0xba: {  	_ =	swait.ge @!p0 [sflag:s0], s1  }
0xbb: {  	s1 =	ssub.s32 @!p0 $0x0, s1;
	[sflag:s0] =	ssyncset.done @!p0 $0x0  }
0xbc: {  	[sflag:s0] =	ssyncadd.s32 @!p0 s1  }
0xbd: {  	[bflag:$0x3] =	sbarrier.arrive $0xFFFF  }
0xbe: {  	_ =	shalt  }

// kernel: kernel.18.cloned.1.call-start
scs
__scs_entry_jumppad:
0x0: {  	(pc) =	sbr.rel $0x88, $3  }
0x1: {  	(tag) =	ssettag $0x0;
	lr =	simm.s32 $0x1  }
0x2: {  	[smem:$0x3F8C] =	sst lr;
	_ =	strace $0xD0000000  }
0x3: {  	_ = 	snop  }
0x4: {  	_ = 	snop  }
0x5: {  	_ = 	snop  }
0x6: {  	_ = 	snop  }
0x7: {  	_ = 	snop  }
__scs_overlays_trampoline_lowered:
0x8: {  	[smem:$0x3F9B] =	sst s0  }
0x9: {  	[smem:$0x3F9C] =	sst s1  }
0xa: {  	[smem:$0x3F9D] =	sst s2  }
0xb: {  	[smem:$0x3F9E] =	sst s3  }
0xc: {  	[smem:$0x3F9F] =	sst s4  }
0xd: {  	[smem:$0x3FA0] =	sst s5  }
0xe: {  	[smem:$0x3FA1] =	sst s6  }
0xf: {  	[smem:$0x3FA2] =	sst s7  }
0x10: {  	[smem:$0x3FA3] =	sst s8  }
0x11: {  	[smem:$0x3FA4] =	sst s9;
	s0 =	simm.s32 @!p0 $0x0  }
0x12: {  	s1 =	sld [smem:$0x3F8A];
	s0 =	simm.s32 @p0 $0x1  }
0x13: {  	[smem:$0x3FA5] =	sst s0;
	s0 =	simm.s32 @!p1 $0x0  }
0x14: {  	s2 =	sld [smem:$0x3F89];
	s0 =	simm.s32 @p1 $0x1  }
0x15: {  	[smem:$0x3FA6] =	sst s0;
	s0 =	simm.s32 @!p2 $0x0  }
0x16: {  	s3 =	sld [smem:$0x3FDB];
	s0 =	simm.s32 @p2 $0x1  }
0x17: {  	s4 =	simm.s32 $0x1BF5;
	[smem:$0x3FA8] =	sst s0  }
0x18: {  	s0 =	sld [smem:$0x3F8B];
	_ =	swait.ge [sflag:s4], $0x0  }
0x19: {  	s7 =	sld [smem:$0x3F8C]  }
0x1a: {  	s8 =	sadd.s32 $0xFFFFE003, lr  }
0x1b: {  	s9 =	sadd.s32 $0xFFFFFEF7, lr;
	s5 =	simm.s32 $0xFFFFFFFF;
	p2 =	slt.u32 s8, $0xFFFFF086  }
0x1c: {  	p1 =	slt.u32 s9, $0xF7A;
	s5 =	simm.s32 @!p2 $0x0  }
0x1d: {  	s5 =	simm.s32 @p1 $0x1;
	p0 =	seq.s32 s7, s2  }
0x1e: {  	s7 =	smul.u32 @!p0 $0xF7A, s2;
	p2 =	seq.s32 @!p0 s5, $0x0  }
0x1f: {  	s9 =	smul.u32 $0xF7A, s1;
	s8 =	simm.s32 @!p0 $0x1BF5;
	p2 =	por !p2, p0  }
0x20: {  	[sflag:s8] =	ssyncset.s32 @!p0 $0xFFFFF086;
	s6 =	sadd.s32 @!p0 s3, s7;
	s7 =	simm.s32 @!p0 $0x108  }
0x21: {  	s3 =	sadd.s32 s3, s9;
	s6 =	sadd.s32 @!p0 $0x88, s6;
	s7 =	simm.s32 @p2 $0x1082  }
0x22: {  	[simem:s7], [sflag:s8] =	dma.local @!p0 [hbm:s6], $0xF7A  }
0x23: {  	s9 =	sor.u32 $0xD0000000, s2;
	s6 =	simm.s32 $0x108;
	_ =	swait.ge @!p0 [sflag:s8], $0x0  }
0x24: {  	s3 =	sadd.s32 $0x88, s3;
	s6 =	simm.s32 @!p1 $0x1082;
	[sflag:s4] =	ssyncset.s32 $0xFFFFF086  }
0x25: {  	[simem:s6], [sflag:s4] =	dma.local [hbm:s3], $0xF7A  }
0x26: {  	[smem:$0x3F8C] =	sst s1;
	(tag) =	ssettag s2;
	_ =	strace s9  }
0x27: {  	s1 =	sld [smem:$0x3F9C]  }
0x28: {  	s2 =	sld [smem:$0x3F9D]  }
0x29: {  	s4 =	sld [smem:$0x3F9F]  }
0x2a: {  	p0 =	seq.s32 s5, $0x0;
	s5 =	sld [smem:$0x3FA0]  }
0x2b: {  	s6 =	sld [smem:$0x3FA1]  }
0x2c: {  	s7 =	sld [smem:$0x3FA2]  }
0x2d: {  	s3 =	simm.s32 $0x108;
	s8 =	sld [smem:$0x3FA3]  }
0x2e: {  	s3 =	simm.s32 @!p0 $0x1082;
	s9 =	sld [smem:$0x3FA4]  }
0x2f: {  	lr =	sadd.s32 s0, s3;
	s0 =	sld [smem:$0x3F9B]  }
0x30: {  	s3 =	sld [smem:$0x3F9E]  }
0x31: {  	[smem:$0x3FA7] =	sst s10  }
0x32: {  	s10 =	sld [smem:$0x3FA5];
	_ =	sdelay $0x3  }
0x33: {  	p0 =	seq.s32 s10, $0x1;
	s10 =	sld [smem:$0x3FA7];
	_ =	sdelay $0x3  }
0x34: {  	[smem:$0x3FA7] =	sst s10  }
0x35: {  	s10 =	sld [smem:$0x3FA6];
	_ =	sdelay $0x3  }
0x36: {  	p1 =	seq.s32 s10, $0x1;
	s10 =	sld [smem:$0x3FA7];
	_ =	sdelay $0x3  }
0x37: {  	[smem:$0x3FA7] =	sst s10  }
0x38: {  	s10 =	sld [smem:$0x3FA8]  }
0x39: {  	_ = 	snop;
	(pc) =	sbr.ind lr, $3  }
0x3a: {  	_ = 	snop  }
0x3b: {  	_ = 	snop  }
0x3c: {  	p2 =	seq.s32 s10, $0x1;
	s10 =	sld [smem:$0x3FA7]  }
0x3d: {  	_ =	shalt  }
0x3e: {  	_ =	shalt  }
0x3f: {  	_ =	shalt  }
0x40: {  	_ =	shalt  }
0x41: {  	_ =	shalt  }
0x42: {  	_ =	shalt  }
0x43: {  	_ =	shalt  }
0x44: {  	_ =	shalt  }
0x45: {  	_ =	shalt  }
0x46: {  	_ =	shalt  }
0x47: {  	_ =	shalt  }
0x48: {  	_ =	shalt  }
0x49: {  	_ =	shalt  }
0x4a: {  	_ =	shalt  }
0x4b: {  	_ =	shalt  }
0x4c: {  	_ =	shalt  }
0x4d: {  	_ =	shalt  }
0x4e: {  	_ =	shalt  }
0x4f: {  	_ =	shalt  }
0x50: {  	_ =	shalt  }
0x51: {  	_ =	shalt  }
0x52: {  	_ =	shalt  }
0x53: {  	_ =	shalt  }
0x54: {  	_ =	shalt  }
0x55: {  	_ =	shalt  }
0x56: {  	_ =	shalt  }
0x57: {  	_ =	shalt  }
0x58: {  	_ =	shalt  }
0x59: {  	_ =	shalt  }
0x5a: {  	_ =	shalt  }
0x5b: {  	_ =	shalt  }
0x5c: {  	_ =	shalt  }
0x5d: {  	_ =	shalt  }
0x5e: {  	_ =	shalt  }
0x5f: {  	_ =	shalt  }
0x60: {  	_ =	shalt  }
0x61: {  	_ =	shalt  }
0x62: {  	_ =	shalt  }
0x63: {  	_ =	shalt  }
0x64: {  	_ =	shalt  }
0x65: {  	_ =	shalt  }
0x66: {  	_ =	shalt  }
0x67: {  	_ =	shalt  }
0x68: {  	_ =	shalt  }
0x69: {  	_ =	shalt  }
0x6a: {  	_ =	shalt  }
0x6b: {  	_ =	shalt  }
0x6c: {  	_ =	shalt  }
0x6d: {  	_ =	shalt  }
0x6e: {  	_ =	shalt  }
0x6f: {  	_ =	shalt  }
0x70: {  	_ =	shalt  }
0x71: {  	_ =	shalt  }
0x72: {  	_ =	shalt  }
0x73: {  	_ =	shalt  }
0x74: {  	_ =	shalt  }
0x75: {  	_ =	shalt  }
0x76: {  	_ =	shalt  }
0x77: {  	_ =	shalt  }
0x78: {  	_ =	shalt  }
0x79: {  	_ =	shalt  }
0x7a: {  	_ =	shalt  }
0x7b: {  	_ =	shalt  }
0x7c: {  	_ =	shalt  }
0x7d: {  	_ =	shalt  }
0x7e: {  	_ =	shalt  }
0x7f: {  	_ =	shalt  }
0x80: {  	_ =	shalt  }
0x81: {  	_ =	shalt  }
0x82: {  	_ =	shalt  }
0x83: {  	_ =	shalt  }
0x84: {  	_ =	shalt  }
0x85: {  	_ =	shalt  }
0x86: {  	_ =	shalt  }
0x87: {  	_ =	shalt  }
.Lfunc_end0:
.L_simem_size_0:
called_computation.2_lowered:
.L_overlay_start_0:
0x88: {  	s2 =	sld [smem:$0x3FD9]  }
0x89: {  	s3 =	sld [smem:$0x3FFE];
	_ =	sdelay $0x1  }
0x8a: {  	s1 =	srdreg.scid  }
0x8b: {  	s0 =	sand.u32 $0x1, s1  }
0x8c: {  	s17 =	sshll.u32 s0, $0xA;
	s2 =	sadd.s32 s3, s2  }
0x8d: {  	s2 =	sadd.s32 s2, s17  }
0x8e: {  	[smem:$0x3FB3] =	sst s2  }
0x8f: {  	_ = 	snop  }
0x90: {  	s18 =	sld [smem:$0x3FC2];
	(tm) =	ssettm $0x1  }
0x91: {  	s19 =	sld [smem:$0x3FFB];
	_ =	sdelay $0x3  }
0x92: {  	_ =	strace s19  }
0x93: {  	s2 =	sld [smem:$0x3FFC];
	_ =	sdelay $0x3  }
0x94: {  	_ =	strace s2  }
0x95: {  	s2 =	sld [smem:$0x3FFD];
	_ =	sdelay $0x3  }
0x96: {  	_ =	strace s2  }
0x97: {  	_ =	strace $0x8FFFFFFF  }
0x98: {  	s20 =	sld [smem:$0x3FDB];
	_ =	sdelay $0x1  }
0x99: {  	s4 =	simm.s32 $_scs_section_size  }
0x9a: {  	s5 =	simm.s32 $_size__tile_overlayer_lowered;
	s6 =	simm.s32 $_tile_overlayer_lowered  }
0x9b: {  	s7 =	simm.s32 $0x1BFF;
	s21 =	sshll.u32 s6, $0x1;
	s4 =	sadd.s32 s4, s20  }
0x9c: {  	s22 =	simm.s32 $0x0;
	s5 =	sshll.u32 s5, $0x1;
	s6 =	sadd.s32 s21, s4  }
0x9d: {  	[timem:s22], [sflag:s7] =	dma.local [hbm:s6], s5  }
0x9e: {  	_ =	swait.ge [sflag:s7], s5  }
0x9f: {  	s5 =	ssub.s32 $0x0, s5;
	[sflag:s7] =	ssyncset.done $0x0  }
0xa0: {  	[sflag:s7] =	ssyncadd.s32 s5;
	_ =	sdelay $0x1  }
0xa1: {  	s23 =	simm.s32 $0x1B8B  }
0xa2: {  	_ =	swait.ge [sflag:s23], $0x1  }
0xa3: {  	[sflag:s23] =	ssyncset.done $0x0  }
0xa4: {  	[sflag:s23] =	ssyncadd.s32 $0xFFFFFFFF  }
0xa5: {  	s5 =	sld [smem:$0x0]  }
0xa6: {  	s6 =	sand.u32 $0xFFFFFFFE, s1  }
0xa7: {  	p0 =	sne.s32 s1, s6  }
0xa8: {  	s6 =	sshll.u32 @p0 s6, $0xE  }
0xa9: {  	s6 =	sadd.s32 @p0 $0x11B8D, s6;
	s7 =	sshll.u32 @p0 s5, $0x11  }
0xaa: {  	s6 =	sor.u32 @p0 s7, s6  }
0xab: {  	[sflag:s6] =	ssyncadd.remote.s32 @p0 $0x1;
	_ =	sdelay $0x1  }
0xac: {  	s6 =	simm.s32 @p0 $0x1B8D  }
0xad: {  	_ =	swait.eq @p0 [sflag:s6], $0x1  }
0xae: {  	[sflag:s6] =	ssyncadd.s32 @p0 $0xFFFFFFFF  }
0xaf: {  	s7 =	sshll.u32 @!p0 s1, $0xE  }
0xb0: {  	s7 =	sor.u32 @!p0 $0x4000, s7;
	s6 =	simm.s32 @!p0 $0x1B8D  }
0xb1: {  	s5 =	sshll.u32 @!p0 s5, $0x11;
	s7 =	sadd.s32 @!p0 $0x11B8D, s7;
	_ =	swait.eq @!p0 [sflag:s6], $0x1  }
0xb2: {  	s5 =	sor.u32 @!p0 s5, s7;
	[sflag:s6] =	ssyncadd.s32 @!p0 $0xFFFFFFFF  }
0xb3: {  	s25 =	simm.s32 $0x1B8E;
	s24 =	sld [smem:$0x3FFE];
	[sflag:s5] =	ssyncadd.remote.s32 @!p0 $0x1  }
0xb4: {  	s26 =	simm.s32 $execute0_lowered;
	[smem:$0x3FD2] =	sst s25  }
0xb5: {  	s6 =	sshll.u32 s26, $0x1;
	_ =	strace $0x8000004C;
	[dreg:$0x1] =	wrdreg $0xFFFFFFFF  }
0xb6: {  	s28 =	simm.s32 $_size_execute0_lowered;
	s4 =	sadd.s32 s4, s6;
	[dreg:$0x0] =	wrdreg $0x0  }
0xb7: {  	s6 =	sshll.u32 s28, $0x1;
	[dreg:$0x2] =	wrdreg s4  }
0xb8: {  	[dreg:$0x3] =	wrdreg s6  }
0xb9: {  	[dreg:$0x4] =	wrdreg $0xC0  }
0xba: {  	_ =	task [dreg:s22], $0x5FFFF  }
0xbb: {  	[dreg:$0x1] =	wrdreg $0xFFFFFFFF  }
0xbc: {  	[dreg:$0x0] =	wrdreg $0x60  }
0xbd: {  	[dreg:$0x2] =	wrdreg s24  }
0xbe: {  	[dreg:$0x3] =	wrdreg s18  }
0xbf: {  	[dreg:$0x4] =	wrdreg $0xB  }
0xc0: {  	_ =	task.clear_ibuf [dreg:s22], $0x5FFFF;
	_ =	strace $0x9000004C  }
0xc1: {  	s29 =	simm.s32 $0xB;
	_ =	strace $0x8000004E  }
0xc2: {  	_ =	swait.ge [sflag:s29], $0x1  }
0xc3: {  	[sflag:s29] =	ssyncadd.s32 $0xFFFFFFFF  }
0xc4: {  	_ =	strace $0x9000004E  }
0xc5: {  	_ =	sfence  }
0xc6: {  	s30 =	sld [smem:$0x0];
	_ =	sdelay $0x2  }
0xc7: {  	s31 =	sshll.u32 s1, $0xD;
	s1 =	sshrl.u32 s1, $0x2  }
0xc8: {  	s4 =	sand.u32 $0x4000, s31;
	s1 =	sadd.s32 s1, s30  }
0xc9: {  	s0 =	sor.u32 s4, s0;
	s1 =	sshll.u32 s1, $0x11  }
0xca: {  	s0 =	sor.u32 s1, s0  }
0xcb: {  	s0 =	sadd.s32 $0x8F2B, s0  }
0xcc: {  	[sflag:s0] =	ssyncadd.remote.s32 $0x1  }
0xcd: {  	_ =	sfence.sel $0xFFFF  }
0xce: {  	[dreg:$0x0] =	wrdreg $0xFFFFFFFF;
	(pc) =	sbr.abs _section_cstart, $3  }
0xcf: {  	[dreg:$0x1] =	wrdreg $0xFFFFFFFF  }
0xd0: {  	_ =	task.clear_ibuf [dreg:s22], $0x2FFFF;
	_ =	strace $0x9FFFFFFF  }
0xd1: {  	(tm) =	ssettm $0x7FFFFFFF  }
tec
execute0_lowered:
.L_overlay_start_1:
0x0: {  	(tag) =	ssettag $0x1  }
0x1: {  	s1 =	srdreg.scid;
	s0 =	stileid.u32  }
0x2: {  	s9 =	rddreg [dreg:$0x0];
	s25 =	sand.u32 $0x1, s1;
	s31 =	sshll.u32 s0, $0x1  }
0x3: {  	s2 =	rddreg [dreg:$0x1];
	s6 =	sor.u32 s25, s31  }
0x4: {  	s3 =	simm.s32 $0x0;
	s1 =	rddreg [dreg:$0x2];
	s4 =	sshll.u32 s6, $0x8  }
0x5: {  	[smem:$0x7FF] =	sst s3;
	s4 =	sadd.s32 s4, s9  }
0x6: {  	_ =	strace $0x8000004D;
	s5 =	sadd.s32 $0x5C00, s4;
	s4 =	simm.s32 $0x2  }
0x7: {  	[tilespmem:s3], [sflag:$0x2] =	stream.linear.gather [hbm4b:s5+s3], $0x500, $0x38;
	[tilespmem:$0x4800] =	vst v63  }
0x8: {  	_ =	swait.ge [sflag:s4], $0x500  }
0x9: {  	s7 =	simm.s32 $0x800;
	s8 =	simm.s32 $0x1;
	[sflag:s4] =	ssyncset.done $0x0  }
0xa: {  	s10 =	smul.u32 $0x5000, s6;
	s6 =	simm.s32 $0x80;
	[sflag:s4] =	ssyncadd.s32 $0xFFFFFB00  }
0xb: {  	[tilespmem:s7], [sflag:$0x1] =	stream.indirect.gather [hbm4b:s2+s6], $0x80, s3, s6, $0xb8;
	[tilespmem:$0x4800] =	vst v63  }
0xc: {  	_ =	swait.ge [sflag:s8], $0x4000  }
0xd: {  	s26 =	sadd.s32 s10, s9;
	[sflag:s8] =	ssyncset.done $0x0  }
0xe: {  	s9 =	sadd.s32 $0x14BC00, s26;
	[sflag:s8] =	ssyncadd.s32 $0xFFFFC000  }
0xf: {  	[hbm4b:s9+s3] =	stream.linear.scatter [tilespmem:s7], [sflag:$0x2], $0x4000, $0x38;
	[tilespmem:$0x4800] =	vst v63  }
0x10: {  	_ =	swait.ge [sflag:s4], $0x4000  }
0x11: {  	[sflag:s4] =	ssyncset.done $0x0  }
0x12: {  	[sflag:s4] =	ssyncadd.s32 $0xFFFFC000  }
0x13: {  	[tilespmem:s7], [sflag:$0x1] =	stream.indirect.gather [hbm4b:s2+s6], $0x80, s6, s6, $0xb8;
	[tilespmem:$0x4800] =	vst v63  }
0x14: {  	_ =	swait.ge [sflag:s8], $0x4000  }
0x15: {  	[sflag:s8] =	ssyncset.done $0x0  }
0x16: {  	s10 =	sadd.s32 $0x14C400, s26;
	[sflag:s8] =	ssyncadd.s32 $0xFFFFC000  }
0x17: {  	[hbm4b:s10+s3] =	stream.linear.scatter [tilespmem:s7], [sflag:$0x2], $0x4000, $0x38;
	[tilespmem:$0x4800] =	vst v63  }
0x18: {  	_ =	swait.ge [sflag:s4], $0x4000  }
0x19: {  	[sflag:s4] =	ssyncset.done $0x0  }
0x1a: {  	s11 =	simm.s32 $0x100;
	[sflag:s4] =	ssyncadd.s32 $0xFFFFC000  }
0x1b: {  	[tilespmem:s7], [sflag:$0x1] =	stream.indirect.gather [hbm4b:s2+s6], $0x80, s11, s6, $0xb8;
	[tilespmem:$0x4800] =	vst v63  }
0x1c: {  	_ =	swait.ge [sflag:s8], $0x4000  }
0x1d: {  	[sflag:s8] =	ssyncset.done $0x0  }
0x1e: {  	s12 =	sadd.s32 $0x14CC00, s26;
	[sflag:s8] =	ssyncadd.s32 $0xFFFFC000  }
0x1f: {  	[hbm4b:s12+s3] =	stream.linear.scatter [tilespmem:s7], [sflag:$0x2], $0x4000, $0x38;
	[tilespmem:$0x4800] =	vst v63  }
0x20: {  	_ =	swait.ge [sflag:s4], $0x4000  }
0x21: {  	[sflag:s4] =	ssyncset.done $0x0  }
0x22: {  	s13 =	simm.s32 $0x180;
	[sflag:s4] =	ssyncadd.s32 $0xFFFFC000  }
0x23: {  	[tilespmem:s7], [sflag:$0x1] =	stream.indirect.gather [hbm4b:s2+s6], $0x80, s13, s6, $0xb8;
	[tilespmem:$0x4800] =	vst v63  }
0x24: {  	_ =	swait.ge [sflag:s8], $0x4000  }
0x25: {  	[sflag:s8] =	ssyncset.done $0x0  }
0x26: {  	s14 =	sadd.s32 $0x14D400, s26;
	[sflag:s8] =	ssyncadd.s32 $0xFFFFC000  }
0x27: {  	[hbm4b:s14+s3] =	stream.linear.scatter [tilespmem:s7], [sflag:$0x2], $0x4000, $0x38;
	[tilespmem:$0x4800] =	vst v63  }
0x28: {  	_ =	swait.ge [sflag:s4], $0x4000  }
0x29: {  	[sflag:s4] =	ssyncset.done $0x0  }
0x2a: {  	s15 =	simm.s32 $0x200;
	[sflag:s4] =	ssyncadd.s32 $0xFFFFC000  }
0x2b: {  	[tilespmem:s7], [sflag:$0x1] =	stream.indirect.gather [hbm4b:s2+s6], $0x80, s15, s6, $0xb8;
	[tilespmem:$0x4800] =	vst v63  }
0x2c: {  	_ =	swait.ge [sflag:s8], $0x4000  }
0x2d: {  	[sflag:s8] =	ssyncset.done $0x0  }
0x2e: {  	s16 =	sadd.s32 $0x14DC00, s26;
	[sflag:s8] =	ssyncadd.s32 $0xFFFFC000  }
0x2f: {  	[hbm4b:s16+s3] =	stream.linear.scatter [tilespmem:s7], [sflag:$0x2], $0x4000, $0x38;
	[tilespmem:$0x4800] =	vst v63  }
0x30: {  	_ =	swait.ge [sflag:s4], $0x4000  }
0x31: {  	[sflag:s4] =	ssyncset.done $0x0  }
0x32: {  	s17 =	simm.s32 $0x280;
	[sflag:s4] =	ssyncadd.s32 $0xFFFFC000  }
0x33: {  	[tilespmem:s7], [sflag:$0x1] =	stream.indirect.gather [hbm4b:s2+s6], $0x80, s17, s6, $0xb8;
	[tilespmem:$0x4800] =	vst v63  }
0x34: {  	_ =	swait.ge [sflag:s8], $0x4000  }
0x35: {  	[sflag:s8] =	ssyncset.done $0x0  }
0x36: {  	s18 =	sadd.s32 $0x14E400, s26;
	[sflag:s8] =	ssyncadd.s32 $0xFFFFC000  }
0x37: {  	[hbm4b:s18+s3] =	stream.linear.scatter [tilespmem:s7], [sflag:$0x2], $0x4000, $0x38;
	[tilespmem:$0x4800] =	vst v63  }
0x38: {  	_ =	swait.ge [sflag:s4], $0x4000  }
0x39: {  	[sflag:s4] =	ssyncset.done $0x0  }
0x3a: {  	s19 =	simm.s32 $0x300;
	[sflag:s4] =	ssyncadd.s32 $0xFFFFC000  }
0x3b: {  	[tilespmem:s7], [sflag:$0x1] =	stream.indirect.gather [hbm4b:s2+s6], $0x80, s19, s6, $0xb8;
	[tilespmem:$0x4800] =	vst v63  }
0x3c: {  	_ =	swait.ge [sflag:s8], $0x4000  }
0x3d: {  	[sflag:s8] =	ssyncset.done $0x0  }
0x3e: {  	s20 =	sadd.s32 $0x14EC00, s26;
	[sflag:s8] =	ssyncadd.s32 $0xFFFFC000  }
0x3f: {  	[hbm4b:s20+s3] =	stream.linear.scatter [tilespmem:s7], [sflag:$0x2], $0x4000, $0x38;
	[tilespmem:$0x4800] =	vst v63  }
0x40: {  	_ =	swait.ge [sflag:s4], $0x4000  }
0x41: {  	[sflag:s4] =	ssyncset.done $0x0  }
0x42: {  	s21 =	simm.s32 $0x380;
	[sflag:s4] =	ssyncadd.s32 $0xFFFFC000  }
0x43: {  	[tilespmem:s7], [sflag:$0x1] =	stream.indirect.gather [hbm4b:s2+s6], $0x80, s21, s6, $0xb8;
	[tilespmem:$0x4800] =	vst v63  }
0x44: {  	_ =	swait.ge [sflag:s8], $0x4000  }
0x45: {  	[sflag:s8] =	ssyncset.done $0x0  }
0x46: {  	s22 =	sadd.s32 $0x14F400, s26;
	[sflag:s8] =	ssyncadd.s32 $0xFFFFC000  }
0x47: {  	[hbm4b:s22+s3] =	stream.linear.scatter [tilespmem:s7], [sflag:$0x2], $0x4000, $0x38;
	[tilespmem:$0x4800] =	vst v63  }
0x48: {  	_ =	swait.ge [sflag:s4], $0x4000  }
0x49: {  	[sflag:s4] =	ssyncset.done $0x0  }
0x4a: {  	s23 =	simm.s32 $0x400;
	[sflag:s4] =	ssyncadd.s32 $0xFFFFC000  }
0x4b: {  	[tilespmem:s7], [sflag:$0x1] =	stream.indirect.gather [hbm4b:s2+s6], $0x80, s23, s6, $0xb8;
	[tilespmem:$0x4800] =	vst v63  }
0x4c: {  	_ =	swait.ge [sflag:s8], $0x4000  }
0x4d: {  	[sflag:s8] =	ssyncset.done $0x0  }
0x4e: {  	s28 =	ssub.s32 $0x2, s25;
	s24 =	sadd.s32 $0x14FC00, s26;
	[sflag:s8] =	ssyncadd.s32 $0xFFFFC000  }
0x4f: {  	[hbm4b:s24+s3] =	stream.linear.scatter [tilespmem:s7], [sflag:$0x2], $0x4000, $0x38;
	[tilespmem:$0x4800] =	vst v63  }
0x50: {  	s29 =	sshrl.u32 s28, $0x1;
	_ =	swait.ge [sflag:s4], $0x4000  }
0x51: {  	s28 =	ssub.s32 s28, s29;
	[sflag:s4] =	ssyncset.done $0x0  }
0x52: {  	s25 =	simm.s32 $0x480;
	s28 =	smax.u32 s28, $0x1;
	[sflag:s4] =	ssyncadd.s32 $0xFFFFC000  }
0x53: {  	[tilespmem:s7], [sflag:$0x1] =	stream.indirect.gather [hbm4b:s2+s6], $0x80, s25, s6, $0xb8;
	[tilespmem:$0x4800] =	vst v63  }
0x54: {  	p0 =	sne.s32 s28, $0x1;
	_ =	swait.ge [sflag:s8], $0x4000  }
.Ltmp0:
0x55: {  	[sflag:s8] =	ssyncset.done $0x0;
	(pc) =	sbr.rel @!p0 .LBB2_2-.Ltmp0, $4  }
0x56: {  	s26 =	sadd.s32 $0x150400, s26;
	[sflag:s8] =	ssyncadd.s32 $0xFFFFC000  }
0x57: {  	[hbm4b:s26+s3] =	stream.linear.scatter [tilespmem:s7], [sflag:$0x2], $0x4000, $0x38;
	[tilespmem:$0x4800] =	vst v63  }
0x58: {  	_ =	swait.ge [sflag:s4], $0x4000  }
0x59: {  	s28 =	sadd.s32 $0xFFFFFFFF, s28;
	[sflag:s4] =	ssyncset.done $0x0  }
.LBB2_1:
0x5a: {  	p0 =	sne.s32 s28, $0x1;
	s28 =	sadd.s32 $0xFFFFFFFF, s28;
	[sflag:s4] =	ssyncadd.s32 $0xFFFFC000  }
0x5b: {  	[tilespmem:s3], [sflag:$0x2] =	stream.linear.gather [hbm4b:s5+s3], $0x500, $0x38;
	[tilespmem:$0x4800] =	vst v63  }
0x5c: {  	_ =	swait.ge [sflag:s4], $0x500  }
0x5d: {  	[sflag:s4] =	ssyncset.done $0x0  }
0x5e: {  	[sflag:s4] =	ssyncadd.s32 $0xFFFFFB00  }
0x5f: {  	[tilespmem:s7], [sflag:$0x1] =	stream.indirect.gather [hbm4b:s2+s6], $0x80, s3, s6, $0xb8;
	[tilespmem:$0x4800] =	vst v63  }
0x60: {  	_ =	swait.ge [sflag:s8], $0x4000  }
0x61: {  	[sflag:s8] =	ssyncset.done $0x0  }
0x62: {  	[sflag:s8] =	ssyncadd.s32 $0xFFFFC000  }
0x63: {  	[hbm4b:s9+s3] =	stream.linear.scatter [tilespmem:s7], [sflag:$0x2], $0x4000, $0x38;
	[tilespmem:$0x4800] =	vst v63  }
0x64: {  	_ =	swait.ge [sflag:s4], $0x4000  }
0x65: {  	[sflag:s4] =	ssyncset.done $0x0  }
0x66: {  	[sflag:s4] =	ssyncadd.s32 $0xFFFFC000  }
0x67: {  	[tilespmem:s7], [sflag:$0x1] =	stream.indirect.gather [hbm4b:s2+s6], $0x80, s6, s6, $0xb8;
	[tilespmem:$0x4800] =	vst v63  }
0x68: {  	_ =	swait.ge [sflag:s8], $0x4000  }
0x69: {  	[sflag:s8] =	ssyncset.done $0x0  }
0x6a: {  	[sflag:s8] =	ssyncadd.s32 $0xFFFFC000  }
0x6b: {  	[hbm4b:s10+s3] =	stream.linear.scatter [tilespmem:s7], [sflag:$0x2], $0x4000, $0x38;
	[tilespmem:$0x4800] =	vst v63  }
0x6c: {  	_ =	swait.ge [sflag:s4], $0x4000  }
0x6d: {  	[sflag:s4] =	ssyncset.done $0x0  }
0x6e: {  	[sflag:s4] =	ssyncadd.s32 $0xFFFFC000  }
0x6f: {  	[tilespmem:s7], [sflag:$0x1] =	stream.indirect.gather [hbm4b:s2+s6], $0x80, s11, s6, $0xb8;
	[tilespmem:$0x4800] =	vst v63  }
0x70: {  	_ =	swait.ge [sflag:s8], $0x4000  }
0x71: {  	[sflag:s8] =	ssyncset.done $0x0  }
0x72: {  	[sflag:s8] =	ssyncadd.s32 $0xFFFFC000  }
0x73: {  	[hbm4b:s12+s3] =	stream.linear.scatter [tilespmem:s7], [sflag:$0x2], $0x4000, $0x38;
	[tilespmem:$0x4800] =	vst v63  }
0x74: {  	_ =	swait.ge [sflag:s4], $0x4000  }
0x75: {  	[sflag:s4] =	ssyncset.done $0x0  }
0x76: {  	[sflag:s4] =	ssyncadd.s32 $0xFFFFC000  }
0x77: {  	[tilespmem:s7], [sflag:$0x1] =	stream.indirect.gather [hbm4b:s2+s6], $0x80, s13, s6, $0xb8;
	[tilespmem:$0x4800] =	vst v63  }
0x78: {  	_ =	swait.ge [sflag:s8], $0x4000  }
0x79: {  	[sflag:s8] =	ssyncset.done $0x0  }
0x7a: {  	[sflag:s8] =	ssyncadd.s32 $0xFFFFC000  }
0x7b: {  	[hbm4b:s14+s3] =	stream.linear.scatter [tilespmem:s7], [sflag:$0x2], $0x4000, $0x38;
	[tilespmem:$0x4800] =	vst v63  }
0x7c: {  	_ =	swait.ge [sflag:s4], $0x4000  }
0x7d: {  	[sflag:s4] =	ssyncset.done $0x0  }
0x7e: {  	[sflag:s4] =	ssyncadd.s32 $0xFFFFC000  }
0x7f: {  	[tilespmem:s7], [sflag:$0x1] =	stream.indirect.gather [hbm4b:s2+s6], $0x80, s15, s6, $0xb8;
	[tilespmem:$0x4800] =	vst v63  }
0x80: {  	_ =	swait.ge [sflag:s8], $0x4000  }
0x81: {  	[sflag:s8] =	ssyncset.done $0x0  }
0x82: {  	[sflag:s8] =	ssyncadd.s32 $0xFFFFC000  }
0x83: {  	[hbm4b:s16+s3] =	stream.linear.scatter [tilespmem:s7], [sflag:$0x2], $0x4000, $0x38;
	[tilespmem:$0x4800] =	vst v63  }
0x84: {  	_ =	swait.ge [sflag:s4], $0x4000  }
0x85: {  	[sflag:s4] =	ssyncset.done $0x0  }
0x86: {  	[sflag:s4] =	ssyncadd.s32 $0xFFFFC000  }
0x87: {  	[tilespmem:s7], [sflag:$0x1] =	stream.indirect.gather [hbm4b:s2+s6], $0x80, s17, s6, $0xb8;
	[tilespmem:$0x4800] =	vst v63  }
0x88: {  	_ =	swait.ge [sflag:s8], $0x4000  }
0x89: {  	[sflag:s8] =	ssyncset.done $0x0  }
0x8a: {  	[sflag:s8] =	ssyncadd.s32 $0xFFFFC000  }
0x8b: {  	[hbm4b:s18+s3] =	stream.linear.scatter [tilespmem:s7], [sflag:$0x2], $0x4000, $0x38;
	[tilespmem:$0x4800] =	vst v63  }
0x8c: {  	_ =	swait.ge [sflag:s4], $0x4000  }
0x8d: {  	[sflag:s4] =	ssyncset.done $0x0  }
0x8e: {  	[sflag:s4] =	ssyncadd.s32 $0xFFFFC000  }
0x8f: {  	[tilespmem:s7], [sflag:$0x1] =	stream.indirect.gather [hbm4b:s2+s6], $0x80, s19, s6, $0xb8;
	[tilespmem:$0x4800] =	vst v63  }
0x90: {  	_ =	swait.ge [sflag:s8], $0x4000  }
0x91: {  	[sflag:s8] =	ssyncset.done $0x0  }
0x92: {  	[sflag:s8] =	ssyncadd.s32 $0xFFFFC000  }
0x93: {  	[hbm4b:s20+s3] =	stream.linear.scatter [tilespmem:s7], [sflag:$0x2], $0x4000, $0x38;
	[tilespmem:$0x4800] =	vst v63  }
0x94: {  	_ =	swait.ge [sflag:s4], $0x4000  }
0x95: {  	[sflag:s4] =	ssyncset.done $0x0  }
0x96: {  	[sflag:s4] =	ssyncadd.s32 $0xFFFFC000  }
0x97: {  	[tilespmem:s7], [sflag:$0x1] =	stream.indirect.gather [hbm4b:s2+s6], $0x80, s21, s6, $0xb8;
	[tilespmem:$0x4800] =	vst v63  }
0x98: {  	_ =	swait.ge [sflag:s8], $0x4000  }
0x99: {  	[sflag:s8] =	ssyncset.done $0x0  }
0x9a: {  	[sflag:s8] =	ssyncadd.s32 $0xFFFFC000  }
0x9b: {  	[hbm4b:s22+s3] =	stream.linear.scatter [tilespmem:s7], [sflag:$0x2], $0x4000, $0x38;
	[tilespmem:$0x4800] =	vst v63  }
0x9c: {  	_ =	swait.ge [sflag:s4], $0x4000  }
0x9d: {  	[sflag:s4] =	ssyncset.done $0x0  }
0x9e: {  	[sflag:s4] =	ssyncadd.s32 $0xFFFFC000  }
0x9f: {  	[tilespmem:s7], [sflag:$0x1] =	stream.indirect.gather [hbm4b:s2+s6], $0x80, s23, s6, $0xb8;
	[tilespmem:$0x4800] =	vst v63  }
0xa0: {  	_ =	swait.ge [sflag:s8], $0x4000  }
0xa1: {  	[sflag:s8] =	ssyncset.done $0x0  }
0xa2: {  	[sflag:s8] =	ssyncadd.s32 $0xFFFFC000  }
0xa3: {  	[hbm4b:s24+s3] =	stream.linear.scatter [tilespmem:s7], [sflag:$0x2], $0x4000, $0x38;
	[tilespmem:$0x4800] =	vst v63  }
0xa4: {  	_ =	swait.ge [sflag:s4], $0x4000  }
0xa5: {  	[sflag:s4] =	ssyncset.done $0x0  }
0xa6: {  	[sflag:s4] =	ssyncadd.s32 $0xFFFFC000  }
0xa7: {  	[tilespmem:s7], [sflag:$0x1] =	stream.indirect.gather [hbm4b:s2+s6], $0x80, s25, s6, $0xb8;
	[tilespmem:$0x4800] =	vst v63  }
0xa8: {  	_ =	swait.ge [sflag:s8], $0x4000  }
.Ltmp1:
0xa9: {  	[sflag:s8] =	ssyncset.done $0x0;
	(pc) =	sbr.rel @p0 .LBB2_1-.Ltmp1, $4  }
0xaa: {  	[sflag:s8] =	ssyncadd.s32 $0xFFFFC000  }
0xab: {  	[hbm4b:s26+s3] =	stream.linear.scatter [tilespmem:s7], [sflag:$0x2], $0x4000, $0x38;
	[tilespmem:$0x4800] =	vst v63  }
0xac: {  	_ =	swait.ge [sflag:s4], $0x4000  }
0xad: {  	[sflag:s4] =	ssyncset.done $0x0  }
.LBB2_2:
0xae: {  	[sflag:s4] =	ssyncadd.s32 $0xFFFFC000  }
0xaf: {  	_ =	sfence.sel $0x180000  }
0xb0: {  	[bflag:$0x0] =	sbarrier.arrive $0xFFFF  }
0xb1: {  	p0 =	sne.s32 s0, $0x0;
	_ =	strace $0x9000004D  }
0xb2: {  	s0 =	sadd.s32 @!p0 $0x100000, s1;
	[bflag:$0x2] =	sbarrier.arrive $0xFFFF  }
0xb3: {  	[sflag:s0] =	ssyncadd.tile.s32 @!p0 $0x1;
	_ =	shalt  }
.Lfunc_end2:
_tile_overlayer_lowered:
.L_overlay_start_2:
0xb4: {  	(tag) =	ssettag $0x2  }
0xb5: {  	s0 =	rddreg [dreg:$0x0];
	s2 =	stileid.u32  }
0xb6: {  	s1 =	rddreg [dreg:$0x1];
	p0 =	sne.s32 s2, $0x0  }
0xb7: {  	s3 =	rddreg [dreg:$0x2];
	[bflag:$0x3] =	sbarrier.arrive $0xFFFF;
	s2 =	simm.s32 @!p0 $0x1C02  }
0xb8: {  	[timem:s3], [sflag:s2] =	dma.local @!p0 [hbm:s0], s1  }
0xb9: {  	s0 =	simm.s32 @!p0 $0x2  }
0xba: {  	_ =	swait.ge @!p0 [sflag:s0], s1  }
0xbb: {  	s1 =	ssub.s32 @!p0 $0x0, s1;
	[sflag:s0] =	ssyncset.done @!p0 $0x0  }
0xbc: {  	[sflag:s0] =	ssyncadd.s32 @!p0 s1  }
0xbd: {  	[bflag:$0x3] =	sbarrier.arrive $0xFFFF  }
0xbe: {  	_ =	shalt  }

// kernel: kernel.21.cloned.1.call-start
scs
__scs_entry_jumppad:
0x0: {  	(pc) =	sbr.rel $0x88, $3  }
0x1: {  	(tag) =	ssettag $0x0;
	lr =	simm.s32 $0x1  }
0x2: {  	[smem:$0x3F8C] =	sst lr;
	_ =	strace $0xD0000000  }
0x3: {  	_ = 	snop  }
0x4: {  	_ = 	snop  }
0x5: {  	_ = 	snop  }
0x6: {  	_ = 	snop  }
0x7: {  	_ = 	snop  }
__scs_overlays_trampoline_lowered:
0x8: {  	[smem:$0x3F9B] =	sst s0  }
0x9: {  	[smem:$0x3F9C] =	sst s1  }
0xa: {  	[smem:$0x3F9D] =	sst s2  }
0xb: {  	[smem:$0x3F9E] =	sst s3  }
0xc: {  	[smem:$0x3F9F] =	sst s4  }
0xd: {  	[smem:$0x3FA0] =	sst s5  }
0xe: {  	[smem:$0x3FA1] =	sst s6  }
0xf: {  	[smem:$0x3FA2] =	sst s7  }
0x10: {  	[smem:$0x3FA3] =	sst s8  }
0x11: {  	[smem:$0x3FA4] =	sst s9;
	s0 =	simm.s32 @!p0 $0x0  }
0x12: {  	s1 =	sld [smem:$0x3F8A];
	s0 =	simm.s32 @p0 $0x1  }
0x13: {  	[smem:$0x3FA5] =	sst s0;
	s0 =	simm.s32 @!p1 $0x0  }
0x14: {  	s2 =	sld [smem:$0x3F89];
	s0 =	simm.s32 @p1 $0x1  }
0x15: {  	[smem:$0x3FA6] =	sst s0;
	s0 =	simm.s32 @!p2 $0x0  }
0x16: {  	s3 =	sld [smem:$0x3FDB];
	s0 =	simm.s32 @p2 $0x1  }
0x17: {  	s4 =	simm.s32 $0x1BF5;
	[smem:$0x3FA8] =	sst s0  }
0x18: {  	s0 =	sld [smem:$0x3F8B];
	_ =	swait.ge [sflag:s4], $0x0  }
0x19: {  	s7 =	sld [smem:$0x3F8C]  }
0x1a: {  	s8 =	sadd.s32 $0xFFFFE003, lr  }
0x1b: {  	s9 =	sadd.s32 $0xFFFFFEF7, lr;
	s5 =	simm.s32 $0xFFFFFFFF;
	p2 =	slt.u32 s8, $0xFFFFF086  }
0x1c: {  	p1 =	slt.u32 s9, $0xF7A;
	s5 =	simm.s32 @!p2 $0x0  }
0x1d: {  	s5 =	simm.s32 @p1 $0x1;
	p0 =	seq.s32 s7, s2  }
0x1e: {  	s7 =	smul.u32 @!p0 $0xF7A, s2;
	p2 =	seq.s32 @!p0 s5, $0x0  }
0x1f: {  	s9 =	smul.u32 $0xF7A, s1;
	s8 =	simm.s32 @!p0 $0x1BF5;
	p2 =	por !p2, p0  }
0x20: {  	[sflag:s8] =	ssyncset.s32 @!p0 $0xFFFFF086;
	s6 =	sadd.s32 @!p0 s3, s7;
	s7 =	simm.s32 @!p0 $0x108  }
0x21: {  	s3 =	sadd.s32 s3, s9;
	s6 =	sadd.s32 @!p0 $0x88, s6;
	s7 =	simm.s32 @p2 $0x1082  }
0x22: {  	[simem:s7], [sflag:s8] =	dma.local @!p0 [hbm:s6], $0xF7A  }
0x23: {  	s9 =	sor.u32 $0xD0000000, s2;
	s6 =	simm.s32 $0x108;
	_ =	swait.ge @!p0 [sflag:s8], $0x0  }
0x24: {  	s3 =	sadd.s32 $0x88, s3;
	s6 =	simm.s32 @!p1 $0x1082;
	[sflag:s4] =	ssyncset.s32 $0xFFFFF086  }
0x25: {  	[simem:s6], [sflag:s4] =	dma.local [hbm:s3], $0xF7A  }
0x26: {  	[smem:$0x3F8C] =	sst s1;
	(tag) =	ssettag s2;
	_ =	strace s9  }
0x27: {  	s1 =	sld [smem:$0x3F9C]  }
0x28: {  	s2 =	sld [smem:$0x3F9D]  }
0x29: {  	s4 =	sld [smem:$0x3F9F]  }
0x2a: {  	p0 =	seq.s32 s5, $0x0;
	s5 =	sld [smem:$0x3FA0]  }
0x2b: {  	s6 =	sld [smem:$0x3FA1]  }
0x2c: {  	s7 =	sld [smem:$0x3FA2]  }
0x2d: {  	s3 =	simm.s32 $0x108;
	s8 =	sld [smem:$0x3FA3]  }
0x2e: {  	s3 =	simm.s32 @!p0 $0x1082;
	s9 =	sld [smem:$0x3FA4]  }
0x2f: {  	lr =	sadd.s32 s0, s3;
	s0 =	sld [smem:$0x3F9B]  }
0x30: {  	s3 =	sld [smem:$0x3F9E]  }
0x31: {  	[smem:$0x3FA7] =	sst s10  }
0x32: {  	s10 =	sld [smem:$0x3FA5];
	_ =	sdelay $0x3  }
0x33: {  	p0 =	seq.s32 s10, $0x1;
	s10 =	sld [smem:$0x3FA7];
	_ =	sdelay $0x3  }
0x34: {  	[smem:$0x3FA7] =	sst s10  }
0x35: {  	s10 =	sld [smem:$0x3FA6];
	_ =	sdelay $0x3  }
0x36: {  	p1 =	seq.s32 s10, $0x1;
	s10 =	sld [smem:$0x3FA7];
	_ =	sdelay $0x3  }
0x37: {  	[smem:$0x3FA7] =	sst s10  }
0x38: {  	s10 =	sld [smem:$0x3FA8]  }
0x39: {  	_ = 	snop;
	(pc) =	sbr.ind lr, $3  }
0x3a: {  	_ = 	snop  }
0x3b: {  	_ = 	snop  }
0x3c: {  	p2 =	seq.s32 s10, $0x1;
	s10 =	sld [smem:$0x3FA7]  }
0x3d: {  	_ =	shalt  }
0x3e: {  	_ =	shalt  }
0x3f: {  	_ =	shalt  }
0x40: {  	_ =	shalt  }
0x41: {  	_ =	shalt  }
0x42: {  	_ =	shalt  }
0x43: {  	_ =	shalt  }
0x44: {  	_ =	shalt  }
0x45: {  	_ =	shalt  }
0x46: {  	_ =	shalt  }
0x47: {  	_ =	shalt  }
0x48: {  	_ =	shalt  }
0x49: {  	_ =	shalt  }
0x4a: {  	_ =	shalt  }
0x4b: {  	_ =	shalt  }
0x4c: {  	_ =	shalt  }
0x4d: {  	_ =	shalt  }
0x4e: {  	_ =	shalt  }
0x4f: {  	_ =	shalt  }
0x50: {  	_ =	shalt  }
0x51: {  	_ =	shalt  }
0x52: {  	_ =	shalt  }
0x53: {  	_ =	shalt  }
0x54: {  	_ =	shalt  }
0x55: {  	_ =	shalt  }
0x56: {  	_ =	shalt  }
0x57: {  	_ =	shalt  }
0x58: {  	_ =	shalt  }
0x59: {  	_ =	shalt  }
0x5a: {  	_ =	shalt  }
0x5b: {  	_ =	shalt  }
0x5c: {  	_ =	shalt  }
0x5d: {  	_ =	shalt  }
0x5e: {  	_ =	shalt  }
0x5f: {  	_ =	shalt  }
0x60: {  	_ =	shalt  }
0x61: {  	_ =	shalt  }
0x62: {  	_ =	shalt  }
0x63: {  	_ =	shalt  }
0x64: {  	_ =	shalt  }
0x65: {  	_ =	shalt  }
0x66: {  	_ =	shalt  }
0x67: {  	_ =	shalt  }
0x68: {  	_ =	shalt  }
0x69: {  	_ =	shalt  }
0x6a: {  	_ =	shalt  }
0x6b: {  	_ =	shalt  }
0x6c: {  	_ =	shalt  }
0x6d: {  	_ =	shalt  }
0x6e: {  	_ =	shalt  }
0x6f: {  	_ =	shalt  }
0x70: {  	_ =	shalt  }
0x71: {  	_ =	shalt  }
0x72: {  	_ =	shalt  }
0x73: {  	_ =	shalt  }
0x74: {  	_ =	shalt  }
0x75: {  	_ =	shalt  }
0x76: {  	_ =	shalt  }
0x77: {  	_ =	shalt  }
0x78: {  	_ =	shalt  }
0x79: {  	_ =	shalt  }
0x7a: {  	_ =	shalt  }
0x7b: {  	_ =	shalt  }
0x7c: {  	_ =	shalt  }
0x7d: {  	_ =	shalt  }
0x7e: {  	_ =	shalt  }
0x7f: {  	_ =	shalt  }
0x80: {  	_ =	shalt  }
0x81: {  	_ =	shalt  }
0x82: {  	_ =	shalt  }
0x83: {  	_ =	shalt  }
0x84: {  	_ =	shalt  }
0x85: {  	_ =	shalt  }
0x86: {  	_ =	shalt  }
0x87: {  	_ =	shalt  }
.Lfunc_end0:
.L_simem_size_0:
called_computation.3_lowered:
.L_overlay_start_0:
0x88: {  	s2 =	sld [smem:$0x3FD9]  }
0x89: {  	s3 =	sld [smem:$0x3FFE];
	_ =	sdelay $0x1  }
0x8a: {  	s1 =	srdreg.scid  }
0x8b: {  	s0 =	sand.u32 $0x1, s1  }
0x8c: {  	s17 =	sshll.u32 s0, $0xA;
	s2 =	sadd.s32 s3, s2  }
0x8d: {  	s2 =	sadd.s32 s2, s17  }
0x8e: {  	[smem:$0x3FB3] =	sst s2  }
0x8f: {  	_ = 	snop  }
0x90: {  	s18 =	sld [smem:$0x3FC2];
	(tm) =	ssettm $0x1  }
0x91: {  	s19 =	sld [smem:$0x3FFB];
	_ =	sdelay $0x3  }
0x92: {  	_ =	strace s19  }
0x93: {  	s2 =	sld [smem:$0x3FFC];
	_ =	sdelay $0x3  }
0x94: {  	_ =	strace s2  }
0x95: {  	s2 =	sld [smem:$0x3FFD];
	_ =	sdelay $0x3  }
0x96: {  	_ =	strace s2  }
0x97: {  	_ =	strace $0x8FFFFFFF  }
0x98: {  	s20 =	sld [smem:$0x3FDB];
	_ =	sdelay $0x1  }
0x99: {  	s4 =	simm.s32 $_scs_section_size  }
0x9a: {  	s5 =	simm.s32 $_size__tile_overlayer_lowered;
	s6 =	simm.s32 $_tile_overlayer_lowered  }
0x9b: {  	s7 =	simm.s32 $0x1BFF;
	s21 =	sshll.u32 s6, $0x1;
	s4 =	sadd.s32 s4, s20  }
0x9c: {  	s22 =	simm.s32 $0x0;
	s5 =	sshll.u32 s5, $0x1;
	s6 =	sadd.s32 s21, s4  }
0x9d: {  	[timem:s22], [sflag:s7] =	dma.local [hbm:s6], s5  }
0x9e: {  	_ =	swait.ge [sflag:s7], s5  }
0x9f: {  	s5 =	ssub.s32 $0x0, s5;
	[sflag:s7] =	ssyncset.done $0x0  }
0xa0: {  	[sflag:s7] =	ssyncadd.s32 s5;
	_ =	sdelay $0x1  }
0xa1: {  	s23 =	simm.s32 $0x1B8B  }
0xa2: {  	_ =	swait.ge [sflag:s23], $0x1  }
0xa3: {  	[sflag:s23] =	ssyncset.done $0x0  }
0xa4: {  	[sflag:s23] =	ssyncadd.s32 $0xFFFFFFFF  }
0xa5: {  	s5 =	sld [smem:$0x0]  }
0xa6: {  	s6 =	sand.u32 $0xFFFFFFFE, s1  }
0xa7: {  	p0 =	sne.s32 s1, s6  }
0xa8: {  	s6 =	sshll.u32 @p0 s6, $0xE  }
0xa9: {  	s6 =	sadd.s32 @p0 $0x11B8D, s6;
	s7 =	sshll.u32 @p0 s5, $0x11  }
0xaa: {  	s6 =	sor.u32 @p0 s7, s6  }
0xab: {  	[sflag:s6] =	ssyncadd.remote.s32 @p0 $0x1;
	_ =	sdelay $0x1  }
0xac: {  	s6 =	simm.s32 @p0 $0x1B8D  }
0xad: {  	_ =	swait.eq @p0 [sflag:s6], $0x1  }
0xae: {  	[sflag:s6] =	ssyncadd.s32 @p0 $0xFFFFFFFF  }
0xaf: {  	s7 =	sshll.u32 @!p0 s1, $0xE  }
0xb0: {  	s7 =	sor.u32 @!p0 $0x4000, s7;
	s6 =	simm.s32 @!p0 $0x1B8D  }
0xb1: {  	s5 =	sshll.u32 @!p0 s5, $0x11;
	s7 =	sadd.s32 @!p0 $0x11B8D, s7;
	_ =	swait.eq @!p0 [sflag:s6], $0x1  }
0xb2: {  	s5 =	sor.u32 @!p0 s5, s7;
	[sflag:s6] =	ssyncadd.s32 @!p0 $0xFFFFFFFF  }
0xb3: {  	s25 =	simm.s32 $0x1B8E;
	s24 =	sld [smem:$0x3FFE];
	[sflag:s5] =	ssyncadd.remote.s32 @!p0 $0x1  }
0xb4: {  	s26 =	simm.s32 $execute0_lowered;
	[smem:$0x3FD2] =	sst s25  }
0xb5: {  	s6 =	sshll.u32 s26, $0x1;
	_ =	strace $0x8000004F;
	[dreg:$0x1] =	wrdreg $0xFFFFFFFF  }
0xb6: {  	s28 =	simm.s32 $_size_execute0_lowered;
	s4 =	sadd.s32 s4, s6;
	[dreg:$0x0] =	wrdreg $0x0  }
0xb7: {  	s6 =	sshll.u32 s28, $0x1;
	[dreg:$0x2] =	wrdreg s4  }
0xb8: {  	[dreg:$0x3] =	wrdreg s6  }
0xb9: {  	[dreg:$0x4] =	wrdreg $0xC0  }
0xba: {  	_ =	task [dreg:s22], $0x5FFFF  }
0xbb: {  	[dreg:$0x1] =	wrdreg $0xFFFFFFFF  }
0xbc: {  	[dreg:$0x0] =	wrdreg $0x60  }
0xbd: {  	[dreg:$0x2] =	wrdreg s24  }
0xbe: {  	[dreg:$0x3] =	wrdreg s18  }
0xbf: {  	[dreg:$0x4] =	wrdreg $0xC  }
0xc0: {  	_ =	task.clear_ibuf [dreg:s22], $0x5FFFF;
	_ =	strace $0x9000004F  }
0xc1: {  	s29 =	simm.s32 $0xC;
	_ =	strace $0x80000051  }
0xc2: {  	_ =	swait.ge [sflag:s29], $0x1  }
0xc3: {  	[sflag:s29] =	ssyncadd.s32 $0xFFFFFFFF  }
0xc4: {  	_ =	strace $0x90000051  }
0xc5: {  	_ =	sfence  }
0xc6: {  	s30 =	sld [smem:$0x0];
	_ =	sdelay $0x2  }
0xc7: {  	s31 =	sshll.u32 s1, $0xD;
	s1 =	sshrl.u32 s1, $0x2  }
0xc8: {  	s4 =	sand.u32 $0x4000, s31;
	s1 =	sadd.s32 s1, s30  }
0xc9: {  	s0 =	sor.u32 s4, s0;
	s1 =	sshll.u32 s1, $0x11  }
0xca: {  	s0 =	sor.u32 s1, s0  }
0xcb: {  	s0 =	sadd.s32 $0x8F2B, s0  }
0xcc: {  	[sflag:s0] =	ssyncadd.remote.s32 $0x1  }
0xcd: {  	_ =	sfence.sel $0xFFFF  }
0xce: {  	[dreg:$0x0] =	wrdreg $0xFFFFFFFF;
	(pc) =	sbr.abs _section_cstart, $3  }
0xcf: {  	[dreg:$0x1] =	wrdreg $0xFFFFFFFF  }
0xd0: {  	_ =	task.clear_ibuf [dreg:s22], $0x2FFFF;
	_ =	strace $0x9FFFFFFF  }
0xd1: {  	(tm) =	ssettm $0x7FFFFFFF  }
tec
execute0_lowered:
.L_overlay_start_1:
0x0: {  	(tag) =	ssettag $0x1  }
0x1: {  	s1 =	srdreg.scid;
	s0 =	stileid.u32  }
0x2: {  	s9 =	rddreg [dreg:$0x0];
	s25 =	sand.u32 $0x1, s1;
	s31 =	sshll.u32 s0, $0x1  }
0x3: {  	s2 =	rddreg [dreg:$0x1];
	s6 =	sor.u32 s25, s31  }
0x4: {  	s3 =	simm.s32 $0x0;
	s1 =	rddreg [dreg:$0x2];
	s4 =	sshll.u32 s6, $0x8  }
0x5: {  	[smem:$0x7FF] =	sst s3;
	s4 =	sadd.s32 s4, s9  }
0x6: {  	_ =	strace $0x80000050;
	s5 =	sadd.s32 $0x7C00, s4;
	s4 =	simm.s32 $0x2  }
0x7: {  	[tilespmem:s3], [sflag:$0x2] =	stream.linear.gather [hbm4b:s5+s3], $0x500, $0x38;
	[tilespmem:$0x4800] =	vst v63  }
0x8: {  	_ =	swait.ge [sflag:s4], $0x500  }
0x9: {  	s7 =	simm.s32 $0x800;
	s8 =	simm.s32 $0x1;
	[sflag:s4] =	ssyncset.done $0x0  }
0xa: {  	s10 =	smul.u32 $0x5000, s6;
	s6 =	simm.s32 $0x80;
	[sflag:s4] =	ssyncadd.s32 $0xFFFFFB00  }
0xb: {  	[tilespmem:s7], [sflag:$0x1] =	stream.indirect.gather [hbm4b:s2+s6], $0x80, s3, s6, $0xb8;
	[tilespmem:$0x4800] =	vst v63  }
0xc: {  	_ =	swait.ge [sflag:s8], $0x4000  }
0xd: {  	s26 =	sadd.s32 s10, s9;
	[sflag:s8] =	ssyncset.done $0x0  }
0xe: {  	s9 =	sadd.s32 $0x1EBC00, s26;
	[sflag:s8] =	ssyncadd.s32 $0xFFFFC000  }
0xf: {  	[hbm4b:s9+s3] =	stream.linear.scatter [tilespmem:s7], [sflag:$0x2], $0x4000, $0x38;
	[tilespmem:$0x4800] =	vst v63  }
0x10: {  	_ =	swait.ge [sflag:s4], $0x4000  }
0x11: {  	[sflag:s4] =	ssyncset.done $0x0  }
0x12: {  	[sflag:s4] =	ssyncadd.s32 $0xFFFFC000  }
0x13: {  	[tilespmem:s7], [sflag:$0x1] =	stream.indirect.gather [hbm4b:s2+s6], $0x80, s6, s6, $0xb8;
	[tilespmem:$0x4800] =	vst v63  }
0x14: {  	_ =	swait.ge [sflag:s8], $0x4000  }
0x15: {  	[sflag:s8] =	ssyncset.done $0x0  }
0x16: {  	s10 =	sadd.s32 $0x1EC400, s26;
	[sflag:s8] =	ssyncadd.s32 $0xFFFFC000  }
0x17: {  	[hbm4b:s10+s3] =	stream.linear.scatter [tilespmem:s7], [sflag:$0x2], $0x4000, $0x38;
	[tilespmem:$0x4800] =	vst v63  }
0x18: {  	_ =	swait.ge [sflag:s4], $0x4000  }
0x19: {  	[sflag:s4] =	ssyncset.done $0x0  }
0x1a: {  	s11 =	simm.s32 $0x100;
	[sflag:s4] =	ssyncadd.s32 $0xFFFFC000  }
0x1b: {  	[tilespmem:s7], [sflag:$0x1] =	stream.indirect.gather [hbm4b:s2+s6], $0x80, s11, s6, $0xb8;
	[tilespmem:$0x4800] =	vst v63  }
0x1c: {  	_ =	swait.ge [sflag:s8], $0x4000  }
0x1d: {  	[sflag:s8] =	ssyncset.done $0x0  }
0x1e: {  	s12 =	sadd.s32 $0x1ECC00, s26;
	[sflag:s8] =	ssyncadd.s32 $0xFFFFC000  }
0x1f: {  	[hbm4b:s12+s3] =	stream.linear.scatter [tilespmem:s7], [sflag:$0x2], $0x4000, $0x38;
	[tilespmem:$0x4800] =	vst v63  }
0x20: {  	_ =	swait.ge [sflag:s4], $0x4000  }
0x21: {  	[sflag:s4] =	ssyncset.done $0x0  }
0x22: {  	s13 =	simm.s32 $0x180;
	[sflag:s4] =	ssyncadd.s32 $0xFFFFC000  }
0x23: {  	[tilespmem:s7], [sflag:$0x1] =	stream.indirect.gather [hbm4b:s2+s6], $0x80, s13, s6, $0xb8;
	[tilespmem:$0x4800] =	vst v63  }
0x24: {  	_ =	swait.ge [sflag:s8], $0x4000  }
0x25: {  	[sflag:s8] =	ssyncset.done $0x0  }
0x26: {  	s14 =	sadd.s32 $0x1ED400, s26;
	[sflag:s8] =	ssyncadd.s32 $0xFFFFC000  }
0x27: {  	[hbm4b:s14+s3] =	stream.linear.scatter [tilespmem:s7], [sflag:$0x2], $0x4000, $0x38;
	[tilespmem:$0x4800] =	vst v63  }
0x28: {  	_ =	swait.ge [sflag:s4], $0x4000  }
0x29: {  	[sflag:s4] =	ssyncset.done $0x0  }
0x2a: {  	s15 =	simm.s32 $0x200;
	[sflag:s4] =	ssyncadd.s32 $0xFFFFC000  }
0x2b: {  	[tilespmem:s7], [sflag:$0x1] =	stream.indirect.gather [hbm4b:s2+s6], $0x80, s15, s6, $0xb8;
	[tilespmem:$0x4800] =	vst v63  }
0x2c: {  	_ =	swait.ge [sflag:s8], $0x4000  }
0x2d: {  	[sflag:s8] =	ssyncset.done $0x0  }
0x2e: {  	s16 =	sadd.s32 $0x1EDC00, s26;
	[sflag:s8] =	ssyncadd.s32 $0xFFFFC000  }
0x2f: {  	[hbm4b:s16+s3] =	stream.linear.scatter [tilespmem:s7], [sflag:$0x2], $0x4000, $0x38;
	[tilespmem:$0x4800] =	vst v63  }
0x30: {  	_ =	swait.ge [sflag:s4], $0x4000  }
0x31: {  	[sflag:s4] =	ssyncset.done $0x0  }
0x32: {  	s17 =	simm.s32 $0x280;
	[sflag:s4] =	ssyncadd.s32 $0xFFFFC000  }
0x33: {  	[tilespmem:s7], [sflag:$0x1] =	stream.indirect.gather [hbm4b:s2+s6], $0x80, s17, s6, $0xb8;
	[tilespmem:$0x4800] =	vst v63  }
0x34: {  	_ =	swait.ge [sflag:s8], $0x4000  }
0x35: {  	[sflag:s8] =	ssyncset.done $0x0  }
0x36: {  	s18 =	sadd.s32 $0x1EE400, s26;
	[sflag:s8] =	ssyncadd.s32 $0xFFFFC000  }
0x37: {  	[hbm4b:s18+s3] =	stream.linear.scatter [tilespmem:s7], [sflag:$0x2], $0x4000, $0x38;
	[tilespmem:$0x4800] =	vst v63  }
0x38: {  	_ =	swait.ge [sflag:s4], $0x4000  }
0x39: {  	[sflag:s4] =	ssyncset.done $0x0  }
0x3a: {  	s19 =	simm.s32 $0x300;
	[sflag:s4] =	ssyncadd.s32 $0xFFFFC000  }
0x3b: {  	[tilespmem:s7], [sflag:$0x1] =	stream.indirect.gather [hbm4b:s2+s6], $0x80, s19, s6, $0xb8;
	[tilespmem:$0x4800] =	vst v63  }
0x3c: {  	_ =	swait.ge [sflag:s8], $0x4000  }
0x3d: {  	[sflag:s8] =	ssyncset.done $0x0  }
0x3e: {  	s20 =	sadd.s32 $0x1EEC00, s26;
	[sflag:s8] =	ssyncadd.s32 $0xFFFFC000  }
0x3f: {  	[hbm4b:s20+s3] =	stream.linear.scatter [tilespmem:s7], [sflag:$0x2], $0x4000, $0x38;
	[tilespmem:$0x4800] =	vst v63  }
0x40: {  	_ =	swait.ge [sflag:s4], $0x4000  }
0x41: {  	[sflag:s4] =	ssyncset.done $0x0  }
0x42: {  	s21 =	simm.s32 $0x380;
	[sflag:s4] =	ssyncadd.s32 $0xFFFFC000  }
0x43: {  	[tilespmem:s7], [sflag:$0x1] =	stream.indirect.gather [hbm4b:s2+s6], $0x80, s21, s6, $0xb8;
	[tilespmem:$0x4800] =	vst v63  }
0x44: {  	_ =	swait.ge [sflag:s8], $0x4000  }
0x45: {  	[sflag:s8] =	ssyncset.done $0x0  }
0x46: {  	s22 =	sadd.s32 $0x1EF400, s26;
	[sflag:s8] =	ssyncadd.s32 $0xFFFFC000  }
0x47: {  	[hbm4b:s22+s3] =	stream.linear.scatter [tilespmem:s7], [sflag:$0x2], $0x4000, $0x38;
	[tilespmem:$0x4800] =	vst v63  }
0x48: {  	_ =	swait.ge [sflag:s4], $0x4000  }
0x49: {  	[sflag:s4] =	ssyncset.done $0x0  }
0x4a: {  	s23 =	simm.s32 $0x400;
	[sflag:s4] =	ssyncadd.s32 $0xFFFFC000  }
0x4b: {  	[tilespmem:s7], [sflag:$0x1] =	stream.indirect.gather [hbm4b:s2+s6], $0x80, s23, s6, $0xb8;
	[tilespmem:$0x4800] =	vst v63  }
0x4c: {  	_ =	swait.ge [sflag:s8], $0x4000  }
0x4d: {  	[sflag:s8] =	ssyncset.done $0x0  }
0x4e: {  	s28 =	ssub.s32 $0x2, s25;
	s24 =	sadd.s32 $0x1EFC00, s26;
	[sflag:s8] =	ssyncadd.s32 $0xFFFFC000  }
0x4f: {  	[hbm4b:s24+s3] =	stream.linear.scatter [tilespmem:s7], [sflag:$0x2], $0x4000, $0x38;
	[tilespmem:$0x4800] =	vst v63  }
0x50: {  	s29 =	sshrl.u32 s28, $0x1;
	_ =	swait.ge [sflag:s4], $0x4000  }
0x51: {  	s28 =	ssub.s32 s28, s29;
	[sflag:s4] =	ssyncset.done $0x0  }
0x52: {  	s25 =	simm.s32 $0x480;
	s28 =	smax.u32 s28, $0x1;
	[sflag:s4] =	ssyncadd.s32 $0xFFFFC000  }
0x53: {  	[tilespmem:s7], [sflag:$0x1] =	stream.indirect.gather [hbm4b:s2+s6], $0x80, s25, s6, $0xb8;
	[tilespmem:$0x4800] =	vst v63  }
0x54: {  	p0 =	sne.s32 s28, $0x1;
	_ =	swait.ge [sflag:s8], $0x4000  }
.Ltmp0:
0x55: {  	[sflag:s8] =	ssyncset.done $0x0;
	(pc) =	sbr.rel @!p0 .LBB2_2-.Ltmp0, $4  }
0x56: {  	s26 =	sadd.s32 $0x1F0400, s26;
	[sflag:s8] =	ssyncadd.s32 $0xFFFFC000  }
0x57: {  	[hbm4b:s26+s3] =	stream.linear.scatter [tilespmem:s7], [sflag:$0x2], $0x4000, $0x38;
	[tilespmem:$0x4800] =	vst v63  }
0x58: {  	_ =	swait.ge [sflag:s4], $0x4000  }
0x59: {  	s28 =	sadd.s32 $0xFFFFFFFF, s28;
	[sflag:s4] =	ssyncset.done $0x0  }
.LBB2_1:
0x5a: {  	p0 =	sne.s32 s28, $0x1;
	s28 =	sadd.s32 $0xFFFFFFFF, s28;
	[sflag:s4] =	ssyncadd.s32 $0xFFFFC000  }
0x5b: {  	[tilespmem:s3], [sflag:$0x2] =	stream.linear.gather [hbm4b:s5+s3], $0x500, $0x38;
	[tilespmem:$0x4800] =	vst v63  }
0x5c: {  	_ =	swait.ge [sflag:s4], $0x500  }
0x5d: {  	[sflag:s4] =	ssyncset.done $0x0  }
0x5e: {  	[sflag:s4] =	ssyncadd.s32 $0xFFFFFB00  }
0x5f: {  	[tilespmem:s7], [sflag:$0x1] =	stream.indirect.gather [hbm4b:s2+s6], $0x80, s3, s6, $0xb8;
	[tilespmem:$0x4800] =	vst v63  }
0x60: {  	_ =	swait.ge [sflag:s8], $0x4000  }
0x61: {  	[sflag:s8] =	ssyncset.done $0x0  }
0x62: {  	[sflag:s8] =	ssyncadd.s32 $0xFFFFC000  }
0x63: {  	[hbm4b:s9+s3] =	stream.linear.scatter [tilespmem:s7], [sflag:$0x2], $0x4000, $0x38;
	[tilespmem:$0x4800] =	vst v63  }
0x64: {  	_ =	swait.ge [sflag:s4], $0x4000  }
0x65: {  	[sflag:s4] =	ssyncset.done $0x0  }
0x66: {  	[sflag:s4] =	ssyncadd.s32 $0xFFFFC000  }
0x67: {  	[tilespmem:s7], [sflag:$0x1] =	stream.indirect.gather [hbm4b:s2+s6], $0x80, s6, s6, $0xb8;
	[tilespmem:$0x4800] =	vst v63  }
0x68: {  	_ =	swait.ge [sflag:s8], $0x4000  }
0x69: {  	[sflag:s8] =	ssyncset.done $0x0  }
0x6a: {  	[sflag:s8] =	ssyncadd.s32 $0xFFFFC000  }
0x6b: {  	[hbm4b:s10+s3] =	stream.linear.scatter [tilespmem:s7], [sflag:$0x2], $0x4000, $0x38;
	[tilespmem:$0x4800] =	vst v63  }
0x6c: {  	_ =	swait.ge [sflag:s4], $0x4000  }
0x6d: {  	[sflag:s4] =	ssyncset.done $0x0  }
0x6e: {  	[sflag:s4] =	ssyncadd.s32 $0xFFFFC000  }
0x6f: {  	[tilespmem:s7], [sflag:$0x1] =	stream.indirect.gather [hbm4b:s2+s6], $0x80, s11, s6, $0xb8;
	[tilespmem:$0x4800] =	vst v63  }
0x70: {  	_ =	swait.ge [sflag:s8], $0x4000  }
0x71: {  	[sflag:s8] =	ssyncset.done $0x0  }
0x72: {  	[sflag:s8] =	ssyncadd.s32 $0xFFFFC000  }
0x73: {  	[hbm4b:s12+s3] =	stream.linear.scatter [tilespmem:s7], [sflag:$0x2], $0x4000, $0x38;
	[tilespmem:$0x4800] =	vst v63  }
0x74: {  	_ =	swait.ge [sflag:s4], $0x4000  }
0x75: {  	[sflag:s4] =	ssyncset.done $0x0  }
0x76: {  	[sflag:s4] =	ssyncadd.s32 $0xFFFFC000  }
0x77: {  	[tilespmem:s7], [sflag:$0x1] =	stream.indirect.gather [hbm4b:s2+s6], $0x80, s13, s6, $0xb8;
	[tilespmem:$0x4800] =	vst v63  }
0x78: {  	_ =	swait.ge [sflag:s8], $0x4000  }
0x79: {  	[sflag:s8] =	ssyncset.done $0x0  }
0x7a: {  	[sflag:s8] =	ssyncadd.s32 $0xFFFFC000  }
0x7b: {  	[hbm4b:s14+s3] =	stream.linear.scatter [tilespmem:s7], [sflag:$0x2], $0x4000, $0x38;
	[tilespmem:$0x4800] =	vst v63  }
0x7c: {  	_ =	swait.ge [sflag:s4], $0x4000  }
0x7d: {  	[sflag:s4] =	ssyncset.done $0x0  }
0x7e: {  	[sflag:s4] =	ssyncadd.s32 $0xFFFFC000  }
0x7f: {  	[tilespmem:s7], [sflag:$0x1] =	stream.indirect.gather [hbm4b:s2+s6], $0x80, s15, s6, $0xb8;
	[tilespmem:$0x4800] =	vst v63  }
0x80: {  	_ =	swait.ge [sflag:s8], $0x4000  }
0x81: {  	[sflag:s8] =	ssyncset.done $0x0  }
0x82: {  	[sflag:s8] =	ssyncadd.s32 $0xFFFFC000  }
0x83: {  	[hbm4b:s16+s3] =	stream.linear.scatter [tilespmem:s7], [sflag:$0x2], $0x4000, $0x38;
	[tilespmem:$0x4800] =	vst v63  }
0x84: {  	_ =	swait.ge [sflag:s4], $0x4000  }
0x85: {  	[sflag:s4] =	ssyncset.done $0x0  }
0x86: {  	[sflag:s4] =	ssyncadd.s32 $0xFFFFC000  }
0x87: {  	[tilespmem:s7], [sflag:$0x1] =	stream.indirect.gather [hbm4b:s2+s6], $0x80, s17, s6, $0xb8;
	[tilespmem:$0x4800] =	vst v63  }
0x88: {  	_ =	swait.ge [sflag:s8], $0x4000  }
0x89: {  	[sflag:s8] =	ssyncset.done $0x0  }
0x8a: {  	[sflag:s8] =	ssyncadd.s32 $0xFFFFC000  }
0x8b: {  	[hbm4b:s18+s3] =	stream.linear.scatter [tilespmem:s7], [sflag:$0x2], $0x4000, $0x38;
	[tilespmem:$0x4800] =	vst v63  }
0x8c: {  	_ =	swait.ge [sflag:s4], $0x4000  }
0x8d: {  	[sflag:s4] =	ssyncset.done $0x0  }
0x8e: {  	[sflag:s4] =	ssyncadd.s32 $0xFFFFC000  }
0x8f: {  	[tilespmem:s7], [sflag:$0x1] =	stream.indirect.gather [hbm4b:s2+s6], $0x80, s19, s6, $0xb8;
	[tilespmem:$0x4800] =	vst v63  }
0x90: {  	_ =	swait.ge [sflag:s8], $0x4000  }
0x91: {  	[sflag:s8] =	ssyncset.done $0x0  }
0x92: {  	[sflag:s8] =	ssyncadd.s32 $0xFFFFC000  }
0x93: {  	[hbm4b:s20+s3] =	stream.linear.scatter [tilespmem:s7], [sflag:$0x2], $0x4000, $0x38;
	[tilespmem:$0x4800] =	vst v63  }
0x94: {  	_ =	swait.ge [sflag:s4], $0x4000  }
0x95: {  	[sflag:s4] =	ssyncset.done $0x0  }
0x96: {  	[sflag:s4] =	ssyncadd.s32 $0xFFFFC000  }
0x97: {  	[tilespmem:s7], [sflag:$0x1] =	stream.indirect.gather [hbm4b:s2+s6], $0x80, s21, s6, $0xb8;
	[tilespmem:$0x4800] =	vst v63  }
0x98: {  	_ =	swait.ge [sflag:s8], $0x4000  }
0x99: {  	[sflag:s8] =	ssyncset.done $0x0  }
0x9a: {  	[sflag:s8] =	ssyncadd.s32 $0xFFFFC000  }
0x9b: {  	[hbm4b:s22+s3] =	stream.linear.scatter [tilespmem:s7], [sflag:$0x2], $0x4000, $0x38;
	[tilespmem:$0x4800] =	vst v63  }
0x9c: {  	_ =	swait.ge [sflag:s4], $0x4000  }
0x9d: {  	[sflag:s4] =	ssyncset.done $0x0  }
0x9e: {  	[sflag:s4] =	ssyncadd.s32 $0xFFFFC000  }
0x9f: {  	[tilespmem:s7], [sflag:$0x1] =	stream.indirect.gather [hbm4b:s2+s6], $0x80, s23, s6, $0xb8;
	[tilespmem:$0x4800] =	vst v63  }
0xa0: {  	_ =	swait.ge [sflag:s8], $0x4000  }
0xa1: {  	[sflag:s8] =	ssyncset.done $0x0  }
0xa2: {  	[sflag:s8] =	ssyncadd.s32 $0xFFFFC000  }
0xa3: {  	[hbm4b:s24+s3] =	stream.linear.scatter [tilespmem:s7], [sflag:$0x2], $0x4000, $0x38;
	[tilespmem:$0x4800] =	vst v63  }
0xa4: {  	_ =	swait.ge [sflag:s4], $0x4000  }
0xa5: {  	[sflag:s4] =	ssyncset.done $0x0  }
0xa6: {  	[sflag:s4] =	ssyncadd.s32 $0xFFFFC000  }
0xa7: {  	[tilespmem:s7], [sflag:$0x1] =	stream.indirect.gather [hbm4b:s2+s6], $0x80, s25, s6, $0xb8;
	[tilespmem:$0x4800] =	vst v63  }
0xa8: {  	_ =	swait.ge [sflag:s8], $0x4000  }
.Ltmp1:
0xa9: {  	[sflag:s8] =	ssyncset.done $0x0;
	(pc) =	sbr.rel @p0 .LBB2_1-.Ltmp1, $4  }
0xaa: {  	[sflag:s8] =	ssyncadd.s32 $0xFFFFC000  }
0xab: {  	[hbm4b:s26+s3] =	stream.linear.scatter [tilespmem:s7], [sflag:$0x2], $0x4000, $0x38;
	[tilespmem:$0x4800] =	vst v63  }
0xac: {  	_ =	swait.ge [sflag:s4], $0x4000  }
0xad: {  	[sflag:s4] =	ssyncset.done $0x0  }
.LBB2_2:
0xae: {  	[sflag:s4] =	ssyncadd.s32 $0xFFFFC000  }
0xaf: {  	_ =	sfence.sel $0x180000  }
0xb0: {  	[bflag:$0x0] =	sbarrier.arrive $0xFFFF  }
0xb1: {  	p0 =	sne.s32 s0, $0x0;
	_ =	strace $0x90000050  }
0xb2: {  	s0 =	sadd.s32 @!p0 $0x100000, s1;
	[bflag:$0x2] =	sbarrier.arrive $0xFFFF  }
0xb3: {  	[sflag:s0] =	ssyncadd.tile.s32 @!p0 $0x1;
	_ =	shalt  }
.Lfunc_end2:
_tile_overlayer_lowered:
.L_overlay_start_2:
0xb4: {  	(tag) =	ssettag $0x2  }
0xb5: {  	s0 =	rddreg [dreg:$0x0];
	s2 =	stileid.u32  }
0xb6: {  	s1 =	rddreg [dreg:$0x1];
	p0 =	sne.s32 s2, $0x0  }
0xb7: {  	s3 =	rddreg [dreg:$0x2];
	[bflag:$0x3] =	sbarrier.arrive $0xFFFF;
	s2 =	simm.s32 @!p0 $0x1C02  }
0xb8: {  	[timem:s3], [sflag:s2] =	dma.local @!p0 [hbm:s0], s1  }
0xb9: {  	s0 =	simm.s32 @!p0 $0x2  }
0xba: {  	_ =	swait.ge @!p0 [sflag:s0], s1  }
0xbb: {  	s1 =	ssub.s32 @!p0 $0x0, s1;
	[sflag:s0] =	ssyncset.done @!p0 $0x0  }
0xbc: {  	[sflag:s0] =	ssyncadd.s32 @!p0 s1  }
0xbd: {  	[bflag:$0x3] =	sbarrier.arrive $0xFFFF  }
0xbe: {  	_ =	shalt  }

// kernel: kernel.24.cloned.1.call-start
scs
__scs_entry_jumppad:
0x0: {  	(pc) =	sbr.rel $0x88, $3  }
0x1: {  	(tag) =	ssettag $0x0;
	lr =	simm.s32 $0x1  }
0x2: {  	[smem:$0x3F8C] =	sst lr;
	_ =	strace $0xD0000000  }
0x3: {  	_ = 	snop  }
0x4: {  	_ = 	snop  }
0x5: {  	_ = 	snop  }
0x6: {  	_ = 	snop  }
0x7: {  	_ = 	snop  }
__scs_overlays_trampoline_lowered:
0x8: {  	[smem:$0x3F9B] =	sst s0  }
0x9: {  	[smem:$0x3F9C] =	sst s1  }
0xa: {  	[smem:$0x3F9D] =	sst s2  }
0xb: {  	[smem:$0x3F9E] =	sst s3  }
0xc: {  	[smem:$0x3F9F] =	sst s4  }
0xd: {  	[smem:$0x3FA0] =	sst s5  }
0xe: {  	[smem:$0x3FA1] =	sst s6  }
0xf: {  	[smem:$0x3FA2] =	sst s7  }
0x10: {  	[smem:$0x3FA3] =	sst s8  }
0x11: {  	[smem:$0x3FA4] =	sst s9;
	s0 =	simm.s32 @!p0 $0x0  }
0x12: {  	s1 =	sld [smem:$0x3F8A];
	s0 =	simm.s32 @p0 $0x1  }
0x13: {  	[smem:$0x3FA5] =	sst s0;
	s0 =	simm.s32 @!p1 $0x0  }
0x14: {  	s2 =	sld [smem:$0x3F89];
	s0 =	simm.s32 @p1 $0x1  }
0x15: {  	[smem:$0x3FA6] =	sst s0;
	s0 =	simm.s32 @!p2 $0x0  }
0x16: {  	s3 =	sld [smem:$0x3FDB];
	s0 =	simm.s32 @p2 $0x1  }
0x17: {  	s4 =	simm.s32 $0x1BF5;
	[smem:$0x3FA8] =	sst s0  }
0x18: {  	s0 =	sld [smem:$0x3F8B];
	_ =	swait.ge [sflag:s4], $0x0  }
0x19: {  	s7 =	sld [smem:$0x3F8C]  }
0x1a: {  	s8 =	sadd.s32 $0xFFFFE003, lr  }
0x1b: {  	s9 =	sadd.s32 $0xFFFFFEF7, lr;
	s5 =	simm.s32 $0xFFFFFFFF;
	p2 =	slt.u32 s8, $0xFFFFF086  }
0x1c: {  	p1 =	slt.u32 s9, $0xF7A;
	s5 =	simm.s32 @!p2 $0x0  }
0x1d: {  	s5 =	simm.s32 @p1 $0x1;
	p0 =	seq.s32 s7, s2  }
0x1e: {  	s7 =	smul.u32 @!p0 $0xF7A, s2;
	p2 =	seq.s32 @!p0 s5, $0x0  }
0x1f: {  	s9 =	smul.u32 $0xF7A, s1;
	s8 =	simm.s32 @!p0 $0x1BF5;
	p2 =	por !p2, p0  }
0x20: {  	[sflag:s8] =	ssyncset.s32 @!p0 $0xFFFFF086;
	s6 =	sadd.s32 @!p0 s3, s7;
	s7 =	simm.s32 @!p0 $0x108  }
0x21: {  	s3 =	sadd.s32 s3, s9;
	s6 =	sadd.s32 @!p0 $0x88, s6;
	s7 =	simm.s32 @p2 $0x1082  }
0x22: {  	[simem:s7], [sflag:s8] =	dma.local @!p0 [hbm:s6], $0xF7A  }
0x23: {  	s9 =	sor.u32 $0xD0000000, s2;
	s6 =	simm.s32 $0x108;
	_ =	swait.ge @!p0 [sflag:s8], $0x0  }
0x24: {  	s3 =	sadd.s32 $0x88, s3;
	s6 =	simm.s32 @!p1 $0x1082;
	[sflag:s4] =	ssyncset.s32 $0xFFFFF086  }
0x25: {  	[simem:s6], [sflag:s4] =	dma.local [hbm:s3], $0xF7A  }
0x26: {  	[smem:$0x3F8C] =	sst s1;
	(tag) =	ssettag s2;
	_ =	strace s9  }
0x27: {  	s1 =	sld [smem:$0x3F9C]  }
0x28: {  	s2 =	sld [smem:$0x3F9D]  }
0x29: {  	s4 =	sld [smem:$0x3F9F]  }
0x2a: {  	p0 =	seq.s32 s5, $0x0;
	s5 =	sld [smem:$0x3FA0]  }
0x2b: {  	s6 =	sld [smem:$0x3FA1]  }
0x2c: {  	s7 =	sld [smem:$0x3FA2]  }
0x2d: {  	s3 =	simm.s32 $0x108;
	s8 =	sld [smem:$0x3FA3]  }
0x2e: {  	s3 =	simm.s32 @!p0 $0x1082;
	s9 =	sld [smem:$0x3FA4]  }
0x2f: {  	lr =	sadd.s32 s0, s3;
	s0 =	sld [smem:$0x3F9B]  }
0x30: {  	s3 =	sld [smem:$0x3F9E]  }
0x31: {  	[smem:$0x3FA7] =	sst s10  }
0x32: {  	s10 =	sld [smem:$0x3FA5];
	_ =	sdelay $0x3  }
0x33: {  	p0 =	seq.s32 s10, $0x1;
	s10 =	sld [smem:$0x3FA7];
	_ =	sdelay $0x3  }
0x34: {  	[smem:$0x3FA7] =	sst s10  }
0x35: {  	s10 =	sld [smem:$0x3FA6];
	_ =	sdelay $0x3  }
0x36: {  	p1 =	seq.s32 s10, $0x1;
	s10 =	sld [smem:$0x3FA7];
	_ =	sdelay $0x3  }
0x37: {  	[smem:$0x3FA7] =	sst s10  }
0x38: {  	s10 =	sld [smem:$0x3FA8]  }
0x39: {  	_ = 	snop;
	(pc) =	sbr.ind lr, $3  }
0x3a: {  	_ = 	snop  }
0x3b: {  	_ = 	snop  }
0x3c: {  	p2 =	seq.s32 s10, $0x1;
	s10 =	sld [smem:$0x3FA7]  }
0x3d: {  	_ =	shalt  }
0x3e: {  	_ =	shalt  }
0x3f: {  	_ =	shalt  }
0x40: {  	_ =	shalt  }
0x41: {  	_ =	shalt  }
0x42: {  	_ =	shalt  }
0x43: {  	_ =	shalt  }
0x44: {  	_ =	shalt  }
0x45: {  	_ =	shalt  }
0x46: {  	_ =	shalt  }
0x47: {  	_ =	shalt  }
0x48: {  	_ =	shalt  }
0x49: {  	_ =	shalt  }
0x4a: {  	_ =	shalt  }
0x4b: {  	_ =	shalt  }
0x4c: {  	_ =	shalt  }
0x4d: {  	_ =	shalt  }
0x4e: {  	_ =	shalt  }
0x4f: {  	_ =	shalt  }
0x50: {  	_ =	shalt  }
0x51: {  	_ =	shalt  }
0x52: {  	_ =	shalt  }
0x53: {  	_ =	shalt  }
0x54: {  	_ =	shalt  }
0x55: {  	_ =	shalt  }
0x56: {  	_ =	shalt  }
0x57: {  	_ =	shalt  }
0x58: {  	_ =	shalt  }
0x59: {  	_ =	shalt  }
0x5a: {  	_ =	shalt  }
0x5b: {  	_ =	shalt  }
0x5c: {  	_ =	shalt  }
0x5d: {  	_ =	shalt  }
0x5e: {  	_ =	shalt  }
0x5f: {  	_ =	shalt  }
0x60: {  	_ =	shalt  }
0x61: {  	_ =	shalt  }
0x62: {  	_ =	shalt  }
0x63: {  	_ =	shalt  }
0x64: {  	_ =	shalt  }
0x65: {  	_ =	shalt  }
0x66: {  	_ =	shalt  }
0x67: {  	_ =	shalt  }
0x68: {  	_ =	shalt  }
0x69: {  	_ =	shalt  }
0x6a: {  	_ =	shalt  }
0x6b: {  	_ =	shalt  }
0x6c: {  	_ =	shalt  }
0x6d: {  	_ =	shalt  }
0x6e: {  	_ =	shalt  }
0x6f: {  	_ =	shalt  }
0x70: {  	_ =	shalt  }
0x71: {  	_ =	shalt  }
0x72: {  	_ =	shalt  }
0x73: {  	_ =	shalt  }
0x74: {  	_ =	shalt  }
0x75: {  	_ =	shalt  }
0x76: {  	_ =	shalt  }
0x77: {  	_ =	shalt  }
0x78: {  	_ =	shalt  }
0x79: {  	_ =	shalt  }
0x7a: {  	_ =	shalt  }
0x7b: {  	_ =	shalt  }
0x7c: {  	_ =	shalt  }
0x7d: {  	_ =	shalt  }
0x7e: {  	_ =	shalt  }
0x7f: {  	_ =	shalt  }
0x80: {  	_ =	shalt  }
0x81: {  	_ =	shalt  }
0x82: {  	_ =	shalt  }
0x83: {  	_ =	shalt  }
0x84: {  	_ =	shalt  }
0x85: {  	_ =	shalt  }
0x86: {  	_ =	shalt  }
0x87: {  	_ =	shalt  }
.Lfunc_end0:
.L_simem_size_0:
called_computation.4_lowered:
.L_overlay_start_0:
0x88: {  	s2 =	sld [smem:$0x3FD9]  }
0x89: {  	s3 =	sld [smem:$0x3FFE];
	_ =	sdelay $0x1  }
0x8a: {  	s1 =	srdreg.scid  }
0x8b: {  	s0 =	sand.u32 $0x1, s1  }
0x8c: {  	s17 =	sshll.u32 s0, $0xA;
	s2 =	sadd.s32 s3, s2  }
0x8d: {  	s2 =	sadd.s32 s2, s17  }
0x8e: {  	[smem:$0x3FB3] =	sst s2  }
0x8f: {  	_ = 	snop  }
0x90: {  	s18 =	sld [smem:$0x3FC2];
	(tm) =	ssettm $0x1  }
0x91: {  	s19 =	sld [smem:$0x3FFB];
	_ =	sdelay $0x3  }
0x92: {  	_ =	strace s19  }
0x93: {  	s2 =	sld [smem:$0x3FFC];
	_ =	sdelay $0x3  }
0x94: {  	_ =	strace s2  }
0x95: {  	s2 =	sld [smem:$0x3FFD];
	_ =	sdelay $0x3  }
0x96: {  	_ =	strace s2  }
0x97: {  	_ =	strace $0x8FFFFFFF  }
0x98: {  	s20 =	sld [smem:$0x3FDB];
	_ =	sdelay $0x1  }
0x99: {  	s4 =	simm.s32 $_scs_section_size  }
0x9a: {  	s5 =	simm.s32 $_size__tile_overlayer_lowered;
	s6 =	simm.s32 $_tile_overlayer_lowered  }
0x9b: {  	s7 =	simm.s32 $0x1BFF;
	s21 =	sshll.u32 s6, $0x1;
	s4 =	sadd.s32 s4, s20  }
0x9c: {  	s22 =	simm.s32 $0x0;
	s5 =	sshll.u32 s5, $0x1;
	s6 =	sadd.s32 s21, s4  }
0x9d: {  	[timem:s22], [sflag:s7] =	dma.local [hbm:s6], s5  }
0x9e: {  	_ =	swait.ge [sflag:s7], s5  }
0x9f: {  	s5 =	ssub.s32 $0x0, s5;
	[sflag:s7] =	ssyncset.done $0x0  }
0xa0: {  	[sflag:s7] =	ssyncadd.s32 s5;
	_ =	sdelay $0x1  }
0xa1: {  	s23 =	simm.s32 $0x1B8B  }
0xa2: {  	_ =	swait.ge [sflag:s23], $0x1  }
0xa3: {  	[sflag:s23] =	ssyncset.done $0x0  }
0xa4: {  	[sflag:s23] =	ssyncadd.s32 $0xFFFFFFFF  }
0xa5: {  	s5 =	sld [smem:$0x0]  }
0xa6: {  	s6 =	sand.u32 $0xFFFFFFFE, s1  }
0xa7: {  	p0 =	sne.s32 s1, s6  }
0xa8: {  	s6 =	sshll.u32 @p0 s6, $0xE  }
0xa9: {  	s6 =	sadd.s32 @p0 $0x11B8D, s6;
	s7 =	sshll.u32 @p0 s5, $0x11  }
0xaa: {  	s6 =	sor.u32 @p0 s7, s6  }
0xab: {  	[sflag:s6] =	ssyncadd.remote.s32 @p0 $0x1;
	_ =	sdelay $0x1  }
0xac: {  	s6 =	simm.s32 @p0 $0x1B8D  }
0xad: {  	_ =	swait.eq @p0 [sflag:s6], $0x1  }
0xae: {  	[sflag:s6] =	ssyncadd.s32 @p0 $0xFFFFFFFF  }
0xaf: {  	s7 =	sshll.u32 @!p0 s1, $0xE  }
0xb0: {  	s7 =	sor.u32 @!p0 $0x4000, s7;
	s6 =	simm.s32 @!p0 $0x1B8D  }
0xb1: {  	s5 =	sshll.u32 @!p0 s5, $0x11;
	s7 =	sadd.s32 @!p0 $0x11B8D, s7;
	_ =	swait.eq @!p0 [sflag:s6], $0x1  }
0xb2: {  	s5 =	sor.u32 @!p0 s5, s7;
	[sflag:s6] =	ssyncadd.s32 @!p0 $0xFFFFFFFF  }
0xb3: {  	s25 =	simm.s32 $0x1B8E;
	s24 =	sld [smem:$0x3FFE];
	[sflag:s5] =	ssyncadd.remote.s32 @!p0 $0x1  }
0xb4: {  	s26 =	simm.s32 $execute0_lowered;
	[smem:$0x3FD2] =	sst s25  }
0xb5: {  	s6 =	sshll.u32 s26, $0x1;
	_ =	strace $0x80000052;
	[dreg:$0x1] =	wrdreg $0xFFFFFFFF  }
0xb6: {  	s28 =	simm.s32 $_size_execute0_lowered;
	s4 =	sadd.s32 s4, s6;
	[dreg:$0x0] =	wrdreg $0x0  }
0xb7: {  	s6 =	sshll.u32 s28, $0x1;
	[dreg:$0x2] =	wrdreg s4  }
0xb8: {  	[dreg:$0x3] =	wrdreg s6  }
0xb9: {  	[dreg:$0x4] =	wrdreg $0xC0  }
0xba: {  	_ =	task [dreg:s22], $0x5FFFF  }
0xbb: {  	[dreg:$0x1] =	wrdreg $0xFFFFFFFF  }
0xbc: {  	[dreg:$0x0] =	wrdreg $0x60  }
0xbd: {  	[dreg:$0x2] =	wrdreg s24  }
0xbe: {  	[dreg:$0x3] =	wrdreg s18  }
0xbf: {  	[dreg:$0x4] =	wrdreg $0xD  }
0xc0: {  	_ =	task.clear_ibuf [dreg:s22], $0x5FFFF;
	_ =	strace $0x90000052  }
0xc1: {  	s29 =	simm.s32 $0xD;
	_ =	strace $0x80000054  }
0xc2: {  	_ =	swait.ge [sflag:s29], $0x1  }
0xc3: {  	[sflag:s29] =	ssyncadd.s32 $0xFFFFFFFF  }
0xc4: {  	_ =	strace $0x90000054  }
0xc5: {  	_ =	sfence  }
0xc6: {  	s30 =	sld [smem:$0x0];
	_ =	sdelay $0x2  }
0xc7: {  	s31 =	sshll.u32 s1, $0xD;
	s1 =	sshrl.u32 s1, $0x2  }
0xc8: {  	s4 =	sand.u32 $0x4000, s31;
	s1 =	sadd.s32 s1, s30  }
0xc9: {  	s0 =	sor.u32 s4, s0;
	s1 =	sshll.u32 s1, $0x11  }
0xca: {  	s0 =	sor.u32 s1, s0  }
0xcb: {  	s0 =	sadd.s32 $0x8F2B, s0  }
0xcc: {  	[sflag:s0] =	ssyncadd.remote.s32 $0x1  }
0xcd: {  	_ =	sfence.sel $0xFFFF  }
0xce: {  	[dreg:$0x0] =	wrdreg $0xFFFFFFFF;
	(pc) =	sbr.abs _section_cstart, $3  }
0xcf: {  	[dreg:$0x1] =	wrdreg $0xFFFFFFFF  }
0xd0: {  	_ =	task.clear_ibuf [dreg:s22], $0x2FFFF;
	_ =	strace $0x9FFFFFFF  }
0xd1: {  	(tm) =	ssettm $0x7FFFFFFF  }
tec
execute0_lowered:
.L_overlay_start_1:
0x0: {  	(tag) =	ssettag $0x1  }
0x1: {  	s1 =	srdreg.scid;
	s0 =	stileid.u32  }
0x2: {  	s9 =	rddreg [dreg:$0x0];
	s25 =	sand.u32 $0x1, s1;
	s31 =	sshll.u32 s0, $0x1  }
0x3: {  	s2 =	rddreg [dreg:$0x1];
	s6 =	sor.u32 s25, s31  }
0x4: {  	s3 =	simm.s32 $0x0;
	s1 =	rddreg [dreg:$0x2];
	s4 =	sshll.u32 s6, $0x8  }
0x5: {  	[smem:$0x7FF] =	sst s3;
	s4 =	sadd.s32 s4, s9  }
0x6: {  	_ =	strace $0x80000053;
	s5 =	sadd.s32 $0x9C00, s4;
	s4 =	simm.s32 $0x2  }
0x7: {  	[tilespmem:s3], [sflag:$0x2] =	stream.linear.gather [hbm4b:s5+s3], $0x500, $0x38;
	[tilespmem:$0x4800] =	vst v63  }
0x8: {  	_ =	swait.ge [sflag:s4], $0x500  }
0x9: {  	s7 =	simm.s32 $0x800;
	s8 =	simm.s32 $0x1;
	[sflag:s4] =	ssyncset.done $0x0  }
0xa: {  	s10 =	smul.u32 $0x5000, s6;
	s6 =	simm.s32 $0x80;
	[sflag:s4] =	ssyncadd.s32 $0xFFFFFB00  }
0xb: {  	[tilespmem:s7], [sflag:$0x1] =	stream.indirect.gather [hbm4b:s2+s6], $0x80, s3, s6, $0xb8;
	[tilespmem:$0x4800] =	vst v63  }
0xc: {  	_ =	swait.ge [sflag:s8], $0x4000  }
0xd: {  	s26 =	sadd.s32 s10, s9;
	[sflag:s8] =	ssyncset.done $0x0  }
0xe: {  	s9 =	sadd.s32 $0x28BC00, s26;
	[sflag:s8] =	ssyncadd.s32 $0xFFFFC000  }
0xf: {  	[hbm4b:s9+s3] =	stream.linear.scatter [tilespmem:s7], [sflag:$0x2], $0x4000, $0x38;
	[tilespmem:$0x4800] =	vst v63  }
0x10: {  	_ =	swait.ge [sflag:s4], $0x4000  }
0x11: {  	[sflag:s4] =	ssyncset.done $0x0  }
0x12: {  	[sflag:s4] =	ssyncadd.s32 $0xFFFFC000  }
0x13: {  	[tilespmem:s7], [sflag:$0x1] =	stream.indirect.gather [hbm4b:s2+s6], $0x80, s6, s6, $0xb8;
	[tilespmem:$0x4800] =	vst v63  }
0x14: {  	_ =	swait.ge [sflag:s8], $0x4000  }
0x15: {  	[sflag:s8] =	ssyncset.done $0x0  }
0x16: {  	s10 =	sadd.s32 $0x28C400, s26;
	[sflag:s8] =	ssyncadd.s32 $0xFFFFC000  }
0x17: {  	[hbm4b:s10+s3] =	stream.linear.scatter [tilespmem:s7], [sflag:$0x2], $0x4000, $0x38;
	[tilespmem:$0x4800] =	vst v63  }
0x18: {  	_ =	swait.ge [sflag:s4], $0x4000  }
0x19: {  	[sflag:s4] =	ssyncset.done $0x0  }
0x1a: {  	s11 =	simm.s32 $0x100;
	[sflag:s4] =	ssyncadd.s32 $0xFFFFC000  }
0x1b: {  	[tilespmem:s7], [sflag:$0x1] =	stream.indirect.gather [hbm4b:s2+s6], $0x80, s11, s6, $0xb8;
	[tilespmem:$0x4800] =	vst v63  }
0x1c: {  	_ =	swait.ge [sflag:s8], $0x4000  }
0x1d: {  	[sflag:s8] =	ssyncset.done $0x0  }
0x1e: {  	s12 =	sadd.s32 $0x28CC00, s26;
	[sflag:s8] =	ssyncadd.s32 $0xFFFFC000  }
0x1f: {  	[hbm4b:s12+s3] =	stream.linear.scatter [tilespmem:s7], [sflag:$0x2], $0x4000, $0x38;
	[tilespmem:$0x4800] =	vst v63  }
0x20: {  	_ =	swait.ge [sflag:s4], $0x4000  }
0x21: {  	[sflag:s4] =	ssyncset.done $0x0  }
0x22: {  	s13 =	simm.s32 $0x180;
	[sflag:s4] =	ssyncadd.s32 $0xFFFFC000  }
0x23: {  	[tilespmem:s7], [sflag:$0x1] =	stream.indirect.gather [hbm4b:s2+s6], $0x80, s13, s6, $0xb8;
	[tilespmem:$0x4800] =	vst v63  }
0x24: {  	_ =	swait.ge [sflag:s8], $0x4000  }
0x25: {  	[sflag:s8] =	ssyncset.done $0x0  }
0x26: {  	s14 =	sadd.s32 $0x28D400, s26;
	[sflag:s8] =	ssyncadd.s32 $0xFFFFC000  }
0x27: {  	[hbm4b:s14+s3] =	stream.linear.scatter [tilespmem:s7], [sflag:$0x2], $0x4000, $0x38;
	[tilespmem:$0x4800] =	vst v63  }
0x28: {  	_ =	swait.ge [sflag:s4], $0x4000  }
0x29: {  	[sflag:s4] =	ssyncset.done $0x0  }
0x2a: {  	s15 =	simm.s32 $0x200;
	[sflag:s4] =	ssyncadd.s32 $0xFFFFC000  }
0x2b: {  	[tilespmem:s7], [sflag:$0x1] =	stream.indirect.gather [hbm4b:s2+s6], $0x80, s15, s6, $0xb8;
	[tilespmem:$0x4800] =	vst v63  }
0x2c: {  	_ =	swait.ge [sflag:s8], $0x4000  }
0x2d: {  	[sflag:s8] =	ssyncset.done $0x0  }
0x2e: {  	s16 =	sadd.s32 $0x28DC00, s26;
	[sflag:s8] =	ssyncadd.s32 $0xFFFFC000  }
0x2f: {  	[hbm4b:s16+s3] =	stream.linear.scatter [tilespmem:s7], [sflag:$0x2], $0x4000, $0x38;
	[tilespmem:$0x4800] =	vst v63  }
0x30: {  	_ =	swait.ge [sflag:s4], $0x4000  }
0x31: {  	[sflag:s4] =	ssyncset.done $0x0  }
0x32: {  	s17 =	simm.s32 $0x280;
	[sflag:s4] =	ssyncadd.s32 $0xFFFFC000  }
0x33: {  	[tilespmem:s7], [sflag:$0x1] =	stream.indirect.gather [hbm4b:s2+s6], $0x80, s17, s6, $0xb8;
	[tilespmem:$0x4800] =	vst v63  }
0x34: {  	_ =	swait.ge [sflag:s8], $0x4000  }
0x35: {  	[sflag:s8] =	ssyncset.done $0x0  }
0x36: {  	s18 =	sadd.s32 $0x28E400, s26;
	[sflag:s8] =	ssyncadd.s32 $0xFFFFC000  }
0x37: {  	[hbm4b:s18+s3] =	stream.linear.scatter [tilespmem:s7], [sflag:$0x2], $0x4000, $0x38;
	[tilespmem:$0x4800] =	vst v63  }
0x38: {  	_ =	swait.ge [sflag:s4], $0x4000  }
0x39: {  	[sflag:s4] =	ssyncset.done $0x0  }
0x3a: {  	s19 =	simm.s32 $0x300;
	[sflag:s4] =	ssyncadd.s32 $0xFFFFC000  }
0x3b: {  	[tilespmem:s7], [sflag:$0x1] =	stream.indirect.gather [hbm4b:s2+s6], $0x80, s19, s6, $0xb8;
	[tilespmem:$0x4800] =	vst v63  }
0x3c: {  	_ =	swait.ge [sflag:s8], $0x4000  }
0x3d: {  	[sflag:s8] =	ssyncset.done $0x0  }
0x3e: {  	s20 =	sadd.s32 $0x28EC00, s26;
	[sflag:s8] =	ssyncadd.s32 $0xFFFFC000  }
0x3f: {  	[hbm4b:s20+s3] =	stream.linear.scatter [tilespmem:s7], [sflag:$0x2], $0x4000, $0x38;
	[tilespmem:$0x4800] =	vst v63  }
0x40: {  	_ =	swait.ge [sflag:s4], $0x4000  }
0x41: {  	[sflag:s4] =	ssyncset.done $0x0  }
0x42: {  	s21 =	simm.s32 $0x380;
	[sflag:s4] =	ssyncadd.s32 $0xFFFFC000  }
0x43: {  	[tilespmem:s7], [sflag:$0x1] =	stream.indirect.gather [hbm4b:s2+s6], $0x80, s21, s6, $0xb8;
	[tilespmem:$0x4800] =	vst v63  }
0x44: {  	_ =	swait.ge [sflag:s8], $0x4000  }
0x45: {  	[sflag:s8] =	ssyncset.done $0x0  }
0x46: {  	s22 =	sadd.s32 $0x28F400, s26;
	[sflag:s8] =	ssyncadd.s32 $0xFFFFC000  }
0x47: {  	[hbm4b:s22+s3] =	stream.linear.scatter [tilespmem:s7], [sflag:$0x2], $0x4000, $0x38;
	[tilespmem:$0x4800] =	vst v63  }
0x48: {  	_ =	swait.ge [sflag:s4], $0x4000  }
0x49: {  	[sflag:s4] =	ssyncset.done $0x0  }
0x4a: {  	s23 =	simm.s32 $0x400;
	[sflag:s4] =	ssyncadd.s32 $0xFFFFC000  }
0x4b: {  	[tilespmem:s7], [sflag:$0x1] =	stream.indirect.gather [hbm4b:s2+s6], $0x80, s23, s6, $0xb8;
	[tilespmem:$0x4800] =	vst v63  }
0x4c: {  	_ =	swait.ge [sflag:s8], $0x4000  }
0x4d: {  	[sflag:s8] =	ssyncset.done $0x0  }
0x4e: {  	s28 =	ssub.s32 $0x2, s25;
	s24 =	sadd.s32 $0x28FC00, s26;
	[sflag:s8] =	ssyncadd.s32 $0xFFFFC000  }
0x4f: {  	[hbm4b:s24+s3] =	stream.linear.scatter [tilespmem:s7], [sflag:$0x2], $0x4000, $0x38;
	[tilespmem:$0x4800] =	vst v63  }
0x50: {  	s29 =	sshrl.u32 s28, $0x1;
	_ =	swait.ge [sflag:s4], $0x4000  }
0x51: {  	s28 =	ssub.s32 s28, s29;
	[sflag:s4] =	ssyncset.done $0x0  }
0x52: {  	s25 =	simm.s32 $0x480;
	s28 =	smax.u32 s28, $0x1;
	[sflag:s4] =	ssyncadd.s32 $0xFFFFC000  }
0x53: {  	[tilespmem:s7], [sflag:$0x1] =	stream.indirect.gather [hbm4b:s2+s6], $0x80, s25, s6, $0xb8;
	[tilespmem:$0x4800] =	vst v63  }
0x54: {  	p0 =	sne.s32 s28, $0x1;
	_ =	swait.ge [sflag:s8], $0x4000  }
.Ltmp0:
0x55: {  	[sflag:s8] =	ssyncset.done $0x0;
	(pc) =	sbr.rel @!p0 .LBB2_2-.Ltmp0, $4  }
0x56: {  	s26 =	sadd.s32 $0x290400, s26;
	[sflag:s8] =	ssyncadd.s32 $0xFFFFC000  }
0x57: {  	[hbm4b:s26+s3] =	stream.linear.scatter [tilespmem:s7], [sflag:$0x2], $0x4000, $0x38;
	[tilespmem:$0x4800] =	vst v63  }
0x58: {  	_ =	swait.ge [sflag:s4], $0x4000  }
0x59: {  	s28 =	sadd.s32 $0xFFFFFFFF, s28;
	[sflag:s4] =	ssyncset.done $0x0  }
.LBB2_1:
0x5a: {  	p0 =	sne.s32 s28, $0x1;
	s28 =	sadd.s32 $0xFFFFFFFF, s28;
	[sflag:s4] =	ssyncadd.s32 $0xFFFFC000  }
0x5b: {  	[tilespmem:s3], [sflag:$0x2] =	stream.linear.gather [hbm4b:s5+s3], $0x500, $0x38;
	[tilespmem:$0x4800] =	vst v63  }
0x5c: {  	_ =	swait.ge [sflag:s4], $0x500  }
0x5d: {  	[sflag:s4] =	ssyncset.done $0x0  }
0x5e: {  	[sflag:s4] =	ssyncadd.s32 $0xFFFFFB00  }
0x5f: {  	[tilespmem:s7], [sflag:$0x1] =	stream.indirect.gather [hbm4b:s2+s6], $0x80, s3, s6, $0xb8;
	[tilespmem:$0x4800] =	vst v63  }
0x60: {  	_ =	swait.ge [sflag:s8], $0x4000  }
0x61: {  	[sflag:s8] =	ssyncset.done $0x0  }
0x62: {  	[sflag:s8] =	ssyncadd.s32 $0xFFFFC000  }
0x63: {  	[hbm4b:s9+s3] =	stream.linear.scatter [tilespmem:s7], [sflag:$0x2], $0x4000, $0x38;
	[tilespmem:$0x4800] =	vst v63  }
0x64: {  	_ =	swait.ge [sflag:s4], $0x4000  }
0x65: {  	[sflag:s4] =	ssyncset.done $0x0  }
0x66: {  	[sflag:s4] =	ssyncadd.s32 $0xFFFFC000  }
0x67: {  	[tilespmem:s7], [sflag:$0x1] =	stream.indirect.gather [hbm4b:s2+s6], $0x80, s6, s6, $0xb8;
	[tilespmem:$0x4800] =	vst v63  }
0x68: {  	_ =	swait.ge [sflag:s8], $0x4000  }
0x69: {  	[sflag:s8] =	ssyncset.done $0x0  }
0x6a: {  	[sflag:s8] =	ssyncadd.s32 $0xFFFFC000  }
0x6b: {  	[hbm4b:s10+s3] =	stream.linear.scatter [tilespmem:s7], [sflag:$0x2], $0x4000, $0x38;
	[tilespmem:$0x4800] =	vst v63  }
0x6c: {  	_ =	swait.ge [sflag:s4], $0x4000  }
0x6d: {  	[sflag:s4] =	ssyncset.done $0x0  }
0x6e: {  	[sflag:s4] =	ssyncadd.s32 $0xFFFFC000  }
0x6f: {  	[tilespmem:s7], [sflag:$0x1] =	stream.indirect.gather [hbm4b:s2+s6], $0x80, s11, s6, $0xb8;
	[tilespmem:$0x4800] =	vst v63  }
0x70: {  	_ =	swait.ge [sflag:s8], $0x4000  }
0x71: {  	[sflag:s8] =	ssyncset.done $0x0  }
0x72: {  	[sflag:s8] =	ssyncadd.s32 $0xFFFFC000  }
0x73: {  	[hbm4b:s12+s3] =	stream.linear.scatter [tilespmem:s7], [sflag:$0x2], $0x4000, $0x38;
	[tilespmem:$0x4800] =	vst v63  }
0x74: {  	_ =	swait.ge [sflag:s4], $0x4000  }
0x75: {  	[sflag:s4] =	ssyncset.done $0x0  }
0x76: {  	[sflag:s4] =	ssyncadd.s32 $0xFFFFC000  }
0x77: {  	[tilespmem:s7], [sflag:$0x1] =	stream.indirect.gather [hbm4b:s2+s6], $0x80, s13, s6, $0xb8;
	[tilespmem:$0x4800] =	vst v63  }
0x78: {  	_ =	swait.ge [sflag:s8], $0x4000  }
0x79: {  	[sflag:s8] =	ssyncset.done $0x0  }
0x7a: {  	[sflag:s8] =	ssyncadd.s32 $0xFFFFC000  }
0x7b: {  	[hbm4b:s14+s3] =	stream.linear.scatter [tilespmem:s7], [sflag:$0x2], $0x4000, $0x38;
	[tilespmem:$0x4800] =	vst v63  }
0x7c: {  	_ =	swait.ge [sflag:s4], $0x4000  }
0x7d: {  	[sflag:s4] =	ssyncset.done $0x0  }
0x7e: {  	[sflag:s4] =	ssyncadd.s32 $0xFFFFC000  }
0x7f: {  	[tilespmem:s7], [sflag:$0x1] =	stream.indirect.gather [hbm4b:s2+s6], $0x80, s15, s6, $0xb8;
	[tilespmem:$0x4800] =	vst v63  }
0x80: {  	_ =	swait.ge [sflag:s8], $0x4000  }
0x81: {  	[sflag:s8] =	ssyncset.done $0x0  }
0x82: {  	[sflag:s8] =	ssyncadd.s32 $0xFFFFC000  }
0x83: {  	[hbm4b:s16+s3] =	stream.linear.scatter [tilespmem:s7], [sflag:$0x2], $0x4000, $0x38;
	[tilespmem:$0x4800] =	vst v63  }
0x84: {  	_ =	swait.ge [sflag:s4], $0x4000  }
0x85: {  	[sflag:s4] =	ssyncset.done $0x0  }
0x86: {  	[sflag:s4] =	ssyncadd.s32 $0xFFFFC000  }
0x87: {  	[tilespmem:s7], [sflag:$0x1] =	stream.indirect.gather [hbm4b:s2+s6], $0x80, s17, s6, $0xb8;
	[tilespmem:$0x4800] =	vst v63  }
0x88: {  	_ =	swait.ge [sflag:s8], $0x4000  }
0x89: {  	[sflag:s8] =	ssyncset.done $0x0  }
0x8a: {  	[sflag:s8] =	ssyncadd.s32 $0xFFFFC000  }
0x8b: {  	[hbm4b:s18+s3] =	stream.linear.scatter [tilespmem:s7], [sflag:$0x2], $0x4000, $0x38;
	[tilespmem:$0x4800] =	vst v63  }
0x8c: {  	_ =	swait.ge [sflag:s4], $0x4000  }
0x8d: {  	[sflag:s4] =	ssyncset.done $0x0  }
0x8e: {  	[sflag:s4] =	ssyncadd.s32 $0xFFFFC000  }
0x8f: {  	[tilespmem:s7], [sflag:$0x1] =	stream.indirect.gather [hbm4b:s2+s6], $0x80, s19, s6, $0xb8;
	[tilespmem:$0x4800] =	vst v63  }
0x90: {  	_ =	swait.ge [sflag:s8], $0x4000  }
0x91: {  	[sflag:s8] =	ssyncset.done $0x0  }
0x92: {  	[sflag:s8] =	ssyncadd.s32 $0xFFFFC000  }
0x93: {  	[hbm4b:s20+s3] =	stream.linear.scatter [tilespmem:s7], [sflag:$0x2], $0x4000, $0x38;
	[tilespmem:$0x4800] =	vst v63  }
0x94: {  	_ =	swait.ge [sflag:s4], $0x4000  }
0x95: {  	[sflag:s4] =	ssyncset.done $0x0  }
0x96: {  	[sflag:s4] =	ssyncadd.s32 $0xFFFFC000  }
0x97: {  	[tilespmem:s7], [sflag:$0x1] =	stream.indirect.gather [hbm4b:s2+s6], $0x80, s21, s6, $0xb8;
	[tilespmem:$0x4800] =	vst v63  }
0x98: {  	_ =	swait.ge [sflag:s8], $0x4000  }
0x99: {  	[sflag:s8] =	ssyncset.done $0x0  }
0x9a: {  	[sflag:s8] =	ssyncadd.s32 $0xFFFFC000  }
0x9b: {  	[hbm4b:s22+s3] =	stream.linear.scatter [tilespmem:s7], [sflag:$0x2], $0x4000, $0x38;
	[tilespmem:$0x4800] =	vst v63  }
0x9c: {  	_ =	swait.ge [sflag:s4], $0x4000  }
0x9d: {  	[sflag:s4] =	ssyncset.done $0x0  }
0x9e: {  	[sflag:s4] =	ssyncadd.s32 $0xFFFFC000  }
0x9f: {  	[tilespmem:s7], [sflag:$0x1] =	stream.indirect.gather [hbm4b:s2+s6], $0x80, s23, s6, $0xb8;
	[tilespmem:$0x4800] =	vst v63  }
0xa0: {  	_ =	swait.ge [sflag:s8], $0x4000  }
0xa1: {  	[sflag:s8] =	ssyncset.done $0x0  }
0xa2: {  	[sflag:s8] =	ssyncadd.s32 $0xFFFFC000  }
0xa3: {  	[hbm4b:s24+s3] =	stream.linear.scatter [tilespmem:s7], [sflag:$0x2], $0x4000, $0x38;
	[tilespmem:$0x4800] =	vst v63  }
0xa4: {  	_ =	swait.ge [sflag:s4], $0x4000  }
0xa5: {  	[sflag:s4] =	ssyncset.done $0x0  }
0xa6: {  	[sflag:s4] =	ssyncadd.s32 $0xFFFFC000  }
0xa7: {  	[tilespmem:s7], [sflag:$0x1] =	stream.indirect.gather [hbm4b:s2+s6], $0x80, s25, s6, $0xb8;
	[tilespmem:$0x4800] =	vst v63  }
0xa8: {  	_ =	swait.ge [sflag:s8], $0x4000  }
.Ltmp1:
0xa9: {  	[sflag:s8] =	ssyncset.done $0x0;
	(pc) =	sbr.rel @p0 .LBB2_1-.Ltmp1, $4  }
0xaa: {  	[sflag:s8] =	ssyncadd.s32 $0xFFFFC000  }
0xab: {  	[hbm4b:s26+s3] =	stream.linear.scatter [tilespmem:s7], [sflag:$0x2], $0x4000, $0x38;
	[tilespmem:$0x4800] =	vst v63  }
0xac: {  	_ =	swait.ge [sflag:s4], $0x4000  }
0xad: {  	[sflag:s4] =	ssyncset.done $0x0  }
.LBB2_2:
0xae: {  	[sflag:s4] =	ssyncadd.s32 $0xFFFFC000  }
0xaf: {  	_ =	sfence.sel $0x180000  }
0xb0: {  	[bflag:$0x0] =	sbarrier.arrive $0xFFFF  }
0xb1: {  	p0 =	sne.s32 s0, $0x0;
	_ =	strace $0x90000053  }
0xb2: {  	s0 =	sadd.s32 @!p0 $0x100000, s1;
	[bflag:$0x2] =	sbarrier.arrive $0xFFFF  }
0xb3: {  	[sflag:s0] =	ssyncadd.tile.s32 @!p0 $0x1;
	_ =	shalt  }
.Lfunc_end2:
_tile_overlayer_lowered:
.L_overlay_start_2:
0xb4: {  	(tag) =	ssettag $0x2  }
0xb5: {  	s0 =	rddreg [dreg:$0x0];
	s2 =	stileid.u32  }
0xb6: {  	s1 =	rddreg [dreg:$0x1];
	p0 =	sne.s32 s2, $0x0  }
0xb7: {  	s3 =	rddreg [dreg:$0x2];
	[bflag:$0x3] =	sbarrier.arrive $0xFFFF;
	s2 =	simm.s32 @!p0 $0x1C02  }
0xb8: {  	[timem:s3], [sflag:s2] =	dma.local @!p0 [hbm:s0], s1  }
0xb9: {  	s0 =	simm.s32 @!p0 $0x2  }
0xba: {  	_ =	swait.ge @!p0 [sflag:s0], s1  }
0xbb: {  	s1 =	ssub.s32 @!p0 $0x0, s1;
	[sflag:s0] =	ssyncset.done @!p0 $0x0  }
0xbc: {  	[sflag:s0] =	ssyncadd.s32 @!p0 s1  }
0xbd: {  	[bflag:$0x3] =	sbarrier.arrive $0xFFFF  }
0xbe: {  	_ =	shalt  }

</sc_bundles>
